<compile_context>
chip_gen: v7x
topology: tpu7x:2x2x1
jax: 0.10.2.dev20260603
libtpu: 0.0.44.dev20260713+nightly
codegen_flags: <defaults>
</compile_context>

<pallas_src>
import jax
import jax.numpy as jnp
from jax import lax
from jax.experimental import pallas as pl
from jax.experimental.pallas import tpu as pltpu
from jax.experimental.pallas import tpu_sc as plsc

N_ENTITIES = 100000
DIM = 64
B = 2048
N_NEG = 128

NC = 2
NS = 16
L = 16
NW = NC * NS
BPW = B // NW
NCHUNK = N_NEG // L
NDBLK = DIM // L
NBUF = 4
QP = 17
DP = 128


def _sc_body(head_hbm, rel_hbm, tail_hbm, neg_hbm, ent_hbm, relemb_hbm,
             out_pos, out_neg,
             hidx_v, ridx_v, tidx_v, negidx_v,
             h_rows, r_rows, t_rows, hr_flat, negbuf, pos_v, nsc_v, qscr, qscr2,
             sem_h, sem_r, sem_t, nsem0, nsem1, nsem2, nsem3):
    nsems = (nsem0, nsem1, nsem2, nsem3)
    wid = lax.axis_index("s") * NC + lax.axis_index("c")
    base = wid * BPW

    pltpu.sync_copy(neg_hbm.at[pl.ds(base, BPW)], negidx_v)
    pltpu.sync_copy(head_hbm.at[pl.ds(base, BPW)], hidx_v)
    pltpu.sync_copy(rel_hbm.at[pl.ds(base, BPW)], ridx_v)
    pltpu.sync_copy(tail_hbm.at[pl.ds(base, BPW)], tidx_v)

    @pl.loop(0, BPW)
    def _dblneg(i):
        for c in range(N_NEG // L):
            negidx_v[i, pl.ds(c * L, L)] = negidx_v[i, pl.ds(c * L, L)] * 2

    @pl.loop(0, BPW // L)
    def _dblht(i):
        hidx_v[pl.ds(i * L, L)] = hidx_v[pl.ds(i * L, L)] * 2
        tidx_v[pl.ds(i * L, L)] = tidx_v[pl.ds(i * L, L)] * 2

    for s in range(NBUF):
        pltpu.async_copy(ent_hbm.at[negidx_v.at[s]], negbuf.at[s], nsems[s])

    ch = pltpu.async_copy(ent_hbm.at[hidx_v], h_rows, sem_h)
    cr = pltpu.async_copy(relemb_hbm.at[ridx_v], r_rows, sem_r)
    ct = pltpu.async_copy(ent_hbm.at[tidx_v], t_rows, sem_t)
    ch.wait()
    cr.wait()
    ct.wait()

    iotav = lax.iota(jnp.int32, L)
    iq = iotav * QP

    @pl.loop(0, BPW, step=L)
    def _hr_loop(g):
        for n in range(L):
            b = g + n
            q = jnp.zeros((L,), jnp.float32)
            for c in range(NDBLK):
                hv = h_rows[b, pl.ds(c * L, L)]
                rv = r_rows[b, pl.ds(c * L, L)]
                tv = t_rows[b, pl.ds(c * L, L)]
                hrv = hv * rv
                hr_flat[pl.ds(b * DIM + c * L, L)] = hrv
                q = q + hrv * tv
            plsc.store_scatter(qscr, [iq + n], q)
        acc = jnp.zeros((L,), jnp.float32)
        for l in range(L):
            acc = acc + qscr[pl.ds(l * QP, L)]
        pos_v[pl.ds(g, L)] = acc

    @pl.loop(0, BPW, step=NBUF)
    def _main(b0):
        for s in range(NBUF):
            bb = b0 + s
            pltpu.make_async_copy(
                ent_hbm.at[pl.ds(0, N_NEG)], negbuf.at[s], nsems[s]).wait()

            hrvs = [hr_flat[pl.ds(bb * DIM + t * L, L)]
                    for t in range(NDBLK)]

            @pl.loop(0, NCHUNK, step=2)
            def _chunk(c):
                qrefs = (qscr, qscr2)
                row0 = c * L
                vs = [negbuf[s, row0, pl.ds(t * L, L)]
                      for t in range(NDBLK)]
                vs1 = [negbuf[s, row0 + 1, pl.ds(t * L, L)]
                       for t in range(NDBLK)]
                for n in range(2 * L):
                    if n >= 2 * L - 2:
                        nrow = jnp.minimum(row0 + n + 2, N_NEG - 1)
                    else:
                        nrow = row0 + n + 2
                    nxt = [negbuf[s, nrow, pl.ds(t * L, L)]
                           for t in range(NDBLK)]
                    ms = [hrvs[t] * vs[t] for t in range(NDBLK)]
                    plsc.store_scatter(
                        qrefs[n // L], [iq + (n % L)],
                        (ms[0] + ms[1]) + (ms[2] + ms[3]))
                    vs = vs1
                    vs1 = nxt
                for half in range(2):
                    rows = [qrefs[half][pl.ds(l * QP, L)] for l in range(L)]
                    while len(rows) > 1:
                        rows = [rows[i] + rows[i + 1]
                                for i in range(0, len(rows), 2)]
                    nsc_v[bb, pl.ds((c + half) * L, L)] = rows[0]

            @pl.when(bb + NBUF < BPW)
            def _():
                pltpu.async_copy(
                    ent_hbm.at[negidx_v.at[bb + NBUF]], negbuf.at[s],
                    nsems[s])

    pltpu.sync_copy(pos_v, out_pos.at[pl.ds(base, BPW)])
    pltpu.sync_copy(nsc_v, out_neg.at[pl.ds(base, BPW)])


NBLK = (N_ENTITIES + 127) // 128


def _fmt_body(entT_hbm, out_hbm, ibuf0, ibuf1, obuf0, obuf1,
              isem0, isem1, osem0, osem1):
    wid = lax.axis_index("s") * NC + lax.axis_index("c")
    ibufs = (ibuf0, ibuf1)
    isems = (isem0, isem1)
    obufs = (obuf0, obuf1)
    osems = (osem0, osem1)
    iotav = lax.iota(jnp.int32, L)

    def start_in(jj, p):
        blk = wid + NW * jj

        @pl.when(blk < NBLK)
        def _():
            eb = pl.multiple_of(blk * 128, 128)
            pltpu.async_copy(entT_hbm.at[:, pl.ds(eb, 128)], ibufs[p],
                             isems[p])

    start_in(0, 0)
    start_in(1, 1)

    @pl.loop(0, 26, step=2)
    def _blocks(j):
        for p in range(2):
            jj = j + p
            blk = wid + NW * jj

            @pl.when(blk < NBLK)
            def _():
                eb = pl.multiple_of(blk * 128, 128)
                pltpu.make_async_copy(
                    entT_hbm.at[:, pl.ds(0, 128)], ibufs[p],
                    isems[p]).wait()

                @pl.when(jj >= 2)
                def _():
                    pltpu.make_async_copy(
                        obufs[p], out_hbm.at[pl.ds(0, 128)],
                        osems[p]).wait()

                @pl.loop(0, L, step=2)
                def _k(k0):
                    prev = None
                    for dk in range(2):
                        k = k0 + dk
                        dperm = (iotav + k) & (L - 1)
                        for g in range(8):
                            rowv = dperm + g * L
                            for t in range(NDBLK):
                                colv = iotav + t * L
                                v = plsc.load_gather(
                                    ibufs[p], [colv, rowv])
                                if prev is not None:
                                    plsc.store_scatter(
                                        obufs[p], [prev[1], prev[2]],
                                        prev[0])
                                prev = (v, rowv, colv)
                    plsc.store_scatter(obufs[p], [prev[1], prev[2]],
                                       prev[0])

                pltpu.async_copy(obufs[p], out_hbm.at[pl.ds(eb, 128)],
                                 osems[p])
                start_in(jj + 2, p)

    for p in range(2):
        pltpu.make_async_copy(
            obufs[p], out_hbm.at[pl.ds(0, 128)], osems[p]).wait()


@jax.jit
def _format_table(entT):
    mesh = plsc.VectorSubcoreMesh(
        core_axis_name="c", subcore_axis_name="s",
        num_cores=NC, num_subcores=NS)
    kfn = pl.kernel(
        _fmt_body,
        out_type=jax.ShapeDtypeStruct((NBLK * 128, DP), jnp.float32),
        mesh=mesh,
        compiler_params=pltpu.CompilerParams(
            needs_layout_passes=False, use_tc_tiling_on_sc=True),
        scratch_types=[
            pltpu.VMEM((DIM, 128), jnp.float32),
            pltpu.VMEM((DIM, 128), jnp.float32),
            pltpu.VMEM((128, 128), jnp.float32),
            pltpu.VMEM((128, 128), jnp.float32),
            pltpu.SemaphoreType.DMA,
            pltpu.SemaphoreType.DMA,
            pltpu.SemaphoreType.DMA,
            pltpu.SemaphoreType.DMA,
        ],
    )
    return kfn(entT)


@jax.jit
def _bess_scores(head, relation, tail, negative, entity_embedding,
                 relation_embedding):
    mesh = plsc.VectorSubcoreMesh(
        core_axis_name="c", subcore_axis_name="s",
        num_cores=NC, num_subcores=NS)
    kfn = pl.kernel(
        _sc_body,
        out_type=(
            jax.ShapeDtypeStruct((B,), jnp.float32),
            jax.ShapeDtypeStruct((B, N_NEG), jnp.float32),
        ),
        mesh=mesh,
        compiler_params=pltpu.CompilerParams(needs_layout_passes=False, use_tc_tiling_on_sc=False),
        scratch_types=[
            pltpu.VMEM((BPW,), jnp.int32),
            pltpu.VMEM((BPW,), jnp.int32),
            pltpu.VMEM((BPW,), jnp.int32),
            pltpu.VMEM((BPW, N_NEG), jnp.int32),
            pltpu.VMEM((BPW, DIM), jnp.float32),
            pltpu.VMEM((BPW, DIM), jnp.float32),
            pltpu.VMEM((BPW, DIM), jnp.float32),
            pltpu.VMEM((BPW * DIM,), jnp.float32),
            pltpu.VMEM((NBUF, N_NEG, DIM), jnp.float32),
            pltpu.VMEM((BPW,), jnp.float32),
            pltpu.VMEM((BPW, N_NEG), jnp.float32),
            pltpu.VMEM((L * QP,), jnp.float32),
            pltpu.VMEM((L * QP,), jnp.float32),
            pltpu.SemaphoreType.DMA,
            pltpu.SemaphoreType.DMA,
            pltpu.SemaphoreType.DMA,
            pltpu.SemaphoreType.DMA,
            pltpu.SemaphoreType.DMA,
            pltpu.SemaphoreType.DMA,
            pltpu.SemaphoreType.DMA,
        ],
    )
    return kfn(head, relation, tail, negative, entity_embedding,
               relation_embedding)


def kernel(head, relation, tail, negative, entity_embedding,
           relation_embedding):
    ent_pad = _format_table(entity_embedding.T).reshape(-1, DIM)
    pos, negs = _bess_scores(
        head.reshape(B), relation.reshape(B), tail.reshape(B),
        negative.reshape(B, N_NEG), ent_pad, relation_embedding)
    return jnp.concatenate([pos[:, None], negs], axis=1)

# --- scband reference (transcript-rebuilt; emitter-appended) ---
"""Pipeline reference for scband-bess-kge-24197845745912 (READ-ONLY COPY).

The authoritative reference and input builder live on the scoring server;
editing this copy changes nothing except your own understanding.
"""

import jax, jax.numpy as jnp
import numpy as np

N_ENTITIES = 100000
N_RELATIONS = 1000
DIM = 64
B = 2048
N_NEG = 128

def setup_inputs(seed: int = 0) -> dict:
    key = jax.random.key(seed)
    k1, k2, k3, k4, k5, k6 = jax.random.split(key, 6)
    head = jax.random.randint(k1, (1, B), 0, N_ENTITIES, dtype=jnp.int64 if jax.config.jax_enable_x64 else jnp.int32).astype(jnp.int32)
    relation = jax.random.randint(k2, (1, B), 0, N_RELATIONS).astype(jnp.int32)
    tail = jax.random.randint(k3, (1, B), 0, N_ENTITIES).astype(jnp.int32)
    negative = jax.random.randint(k4, (1, B, N_NEG), 0, N_ENTITIES).astype(jnp.int32)
    entity_embedding = jax.random.normal(k5, (N_ENTITIES, DIM), dtype=jnp.float32) * 0.02
    relation_embedding = jax.random.normal(k6, (N_RELATIONS, DIM), dtype=jnp.float32) * 0.02
    return {"head": head, "relation": relation, "tail": tail, "negative": negative,
            "entity_embedding": entity_embedding, "relation_embedding": relation_embedding}

def reference(head, relation, tail, negative, entity_embedding, relation_embedding):
    # Single-shard (n_shard=1) BESS score-moving forward with corruption scheme 't' (DistMult score fn).
    # all_gather(x, 1) -> x[None]; all_to_all(x, 1) -> identity.
    b = head.shape[1]
    n_neg = negative.shape[-1]
    negative_flat = negative.reshape(negative.shape[0], -1)
    # Phase 1: single fused gather from the local entity embedding shard
    gather_idx = jnp.concatenate([head, tail, negative_flat], axis=1)  # [1, B + B + B*n_neg]
    gathered = jnp.take(entity_embedding, gather_idx, axis=0)          # [1, total, d]
    head_embedding = gathered[:, :b, :]
    tail_embedding = gathered[:, b:2 * b, :]
    negative_embedding = gathered[:, 2 * b:, :].reshape(negative.shape + (entity_embedding.shape[-1],))  # [1,B,n_neg,d]
    # Phase 2: all_gather relation ids / head embeddings (n_shard=1 -> unsqueeze), lookup relation embeddings
    relation_all = relation[None]                                       # [1,1,B]
    rel_emb = jnp.take(relation_embedding, relation_all.reshape(-1), axis=0)  # [B, d]
    head_embedding_all = head_embedding[None].reshape(-1, entity_embedding.shape[-1])  # [B, d]
    neg = negative_embedding.reshape(b, n_neg, -1)                      # flatten(end_dim=1)
    # Phase 3: DistMult score_tails: <h * r, t_neg>
    negative_score = jnp.einsum('bd,bd,bnd->bn', head_embedding_all, rel_emb, neg)  # [B, n_neg]
    # all_to_all over scores (identity for n_shard=1), reshape back per-triple
    negative_score = negative_score.reshape(1, b, n_neg).transpose(1, 0, 2).reshape(b, -1)  # [B, n_neg]
    # Positive triple scores
    rel_pos = jnp.take(relation_embedding, relation.reshape(-1), axis=0)
    positive_score = jnp.sum(head_embedding.reshape(-1, entity_embedding.shape[-1]) * rel_pos * tail_embedding.reshape(-1, entity_embedding.shape[-1]), axis=-1)  # [B]
    return jnp.concatenate([positive_score[:, None], negative_score], axis=1)  # [B, 1 + n_neg]

if __name__ == "__main__":
    import jax
    _d = setup_inputs()
    print(jax.jit(kernel)(*tuple(_d.values())))

</pallas_src>

<mosaic_0001>
#map = affine_map<(d0, d1) -> (0, 0)>
module attributes {stable_mosaic.version = 14 : i64} {
  func.func @_fmt_body(%arg0: i32, %arg1: i32, %arg2: memref<64x100000xf32, #tpu.memory_space<hbm>>, %arg3: memref<100096x128xf32, #tpu.memory_space<hbm>>, %arg4: memref<64x128xf32, #tpu.memory_space<vmem>>, %arg5: memref<64x128xf32, #tpu.memory_space<vmem>>, %arg6: memref<128x128xf32, #tpu.memory_space<vmem>>, %arg7: memref<128x128xf32, #tpu.memory_space<vmem>>, %arg8: memref<!tpu.dma_semaphore, #tpu.memory_space<semaphore_mem>>, %arg9: memref<!tpu.dma_semaphore, #tpu.memory_space<semaphore_mem>>, %arg10: memref<!tpu.dma_semaphore, #tpu.memory_space<semaphore_mem>>, %arg11: memref<!tpu.dma_semaphore, #tpu.memory_space<semaphore_mem>>) attributes {dimension_semantics = [#tpu.dimension_semantics<core_parallel>, #tpu.dimension_semantics<subcore_parallel>], iteration_bounds = array<i64: 2, 16>, scalar_prefetch = 0 : i64, scratch_operands = 8 : i64, tpu.core_type = #tpu.core_type<sc_vector_subcore>, window_params = [{transform_indices = #map}, {transform_indices = #map}]} {
    %mul3A = arith.constant 2 : i32
    %mul3A_0 = arith.muli %arg1, %mul3A : i32
    %add3A = arith.addi %mul3A_0, %arg0 : i32
    %iota3A = tpu.iota {dimensions = array<i32: 0>} : vector<16xi32>
    %add3A_1 = arith.constant 0 : i32
    %add3A_2 = arith.addi %add3A, %add3A_1 : i32
    %lt3A = arith.constant 782 : i32
    %lt3A_3 = arith.cmpi slt, %add3A_2, %lt3A : i32
    %convert_element_type3A = arith.extui %lt3A_3 : i1 to i32
    %cond3A = arith.constant 0 : i32
    %cond3A_4 = arith.cmpi ne, %convert_element_type3A, %cond3A : i32
    scf.if %cond3A_4 {
      %mul3A_27 = arith.constant 128 : i32
      %mul3A_28 = arith.muli %add3A_2, %mul3A_27 : i32
      %multiple_of3A = tpu.assume_multiple %mul3A_28, 128 : i32
      %dma_start3A = arith.constant 0 : i32
      %dma_start3A_29 = tpu.memref_slice %arg2[%dma_start3A, %multiple_of3A] : memref<64x100000xf32, #tpu.memory_space<hbm>> -> memref<64x128xf32, #tpu.memory_space<hbm>>
      %dma_start3A_30 = arith.constant 0 : i32
      %dma_start3A_31 = tpu.memref_slice %arg2[%dma_start3A_30, %multiple_of3A] : memref<64x100000xf32, #tpu.memory_space<hbm>> -> memref<64x128xf32, #tpu.memory_space<hbm>>
      tpu.enqueue_dma source(%dma_start3A_31 : memref<64x128xf32, #tpu.memory_space<hbm>>) target(%arg4 : memref<64x128xf32, #tpu.memory_space<vmem>>) target_semaphore(%arg8 : memref<!tpu.dma_semaphore, #tpu.memory_space<semaphore_mem>>)
    } else {
    }
    %add3A_5 = arith.constant 32 : i32
    %add3A_6 = arith.addi %add3A, %add3A_5 : i32
    %lt3A_7 = arith.constant 782 : i32
    %lt3A_8 = arith.cmpi slt, %add3A_6, %lt3A_7 : i32
    %convert_element_type3A_9 = arith.extui %lt3A_8 : i1 to i32
    %cond3A_10 = arith.constant 0 : i32
    %cond3A_11 = arith.cmpi ne, %convert_element_type3A_9, %cond3A_10 : i32
    scf.if %cond3A_11 {
      %mul3A_27 = arith.constant 128 : i32
      %mul3A_28 = arith.muli %add3A_6, %mul3A_27 : i32
      %multiple_of3A = tpu.assume_multiple %mul3A_28, 128 : i32
      %dma_start3A = arith.constant 0 : i32
      %dma_start3A_29 = tpu.memref_slice %arg2[%dma_start3A, %multiple_of3A] : memref<64x100000xf32, #tpu.memory_space<hbm>> -> memref<64x128xf32, #tpu.memory_space<hbm>>
      %dma_start3A_30 = arith.constant 0 : i32
      %dma_start3A_31 = tpu.memref_slice %arg2[%dma_start3A_30, %multiple_of3A] : memref<64x100000xf32, #tpu.memory_space<hbm>> -> memref<64x128xf32, #tpu.memory_space<hbm>>
      tpu.enqueue_dma source(%dma_start3A_31 : memref<64x128xf32, #tpu.memory_space<hbm>>) target(%arg5 : memref<64x128xf32, #tpu.memory_space<vmem>>) target_semaphore(%arg9 : memref<!tpu.dma_semaphore, #tpu.memory_space<semaphore_mem>>)
    } else {
    }
    %scan3A = arith.constant 0 : i32
    %scan3A_12 = arith.constant 13 : i32
    %scan3A_13 = arith.addi %scan3A, %scan3A_12 : i32
    %scan3A_14 = arith.constant 1 : i32
    scf.for %scan3A_27 = %scan3A to %scan3A_13 step %scan3A_14  : i32 {
      %mul3A_28 = arith.constant 2 : i32
      %mul3A_29 = arith.muli %scan3A_27, %mul3A_28 : i32
      %add3A_30 = arith.constant 0 : i32
      %add3A_31 = arith.addi %add3A_30, %mul3A_29 : i32
      %add3A_32 = arith.constant 0 : i32
      %add3A_33 = arith.addi %add3A_31, %add3A_32 : i32
      %mul3A_34 = arith.constant 32 : i32
      %mul3A_35 = arith.muli %mul3A_34, %add3A_33 : i32
      %add3A_36 = arith.addi %add3A, %mul3A_35 : i32
      %lt3A_37 = arith.constant 782 : i32
      %lt3A_38 = arith.cmpi slt, %add3A_36, %lt3A_37 : i32
      %convert_element_type3A_39 = arith.extui %lt3A_38 : i1 to i32
      %cond3A_40 = arith.constant 0 : i32
      %cond3A_41 = arith.cmpi ne, %convert_element_type3A_39, %cond3A_40 : i32
      scf.if %cond3A_41 {
        %mul3A_52 = arith.constant 128 : i32
        %mul3A_53 = arith.muli %add3A_36, %mul3A_52 : i32
        %multiple_of3A = tpu.assume_multiple %mul3A_53, 128 : i32
        %dma_wait3A_54 = arith.constant 0 : i32
        %dma_wait3A_55 = arith.constant 0 : i32
        %dma_wait3A_56 = tpu.memref_slice %arg2[%dma_wait3A_54, %dma_wait3A_55] : memref<64x100000xf32, #tpu.memory_space<hbm>> -> memref<64x128xf32, #tpu.memory_space<hbm>>
        %dma_wait3A_57 = arith.constant 0 : i32
        %dma_wait3A_58 = arith.constant 0 : i32
        %dma_wait3A_59 = tpu.memref_slice %arg2[%dma_wait3A_57, %dma_wait3A_58] : memref<64x100000xf32, #tpu.memory_space<hbm>> -> memref<64x128xf32, #tpu.memory_space<hbm>>
        tpu.wait_dma2 semaphore(%arg8 : memref<!tpu.dma_semaphore, #tpu.memory_space<semaphore_mem>>) src(%dma_wait3A_59 : memref<64x128xf32, #tpu.memory_space<hbm>>) dst(%arg4 : memref<64x128xf32, #tpu.memory_space<vmem>>)
        %ge3A = arith.constant 2 : i32
        %ge3A_60 = arith.cmpi sge, %add3A_33, %ge3A : i32
        %convert_element_type3A_61 = arith.extui %ge3A_60 : i1 to i32
        %cond3A_62 = arith.constant 0 : i32
        %cond3A_63 = arith.cmpi ne, %convert_element_type3A_61, %cond3A_62 : i32
        scf.if %cond3A_63 {
          %dma_wait3A_82 = arith.constant 0 : i32
          %dma_wait3A_83 = arith.constant 0 : i32
          %dma_wait3A_84 = tpu.memref_slice %arg3[%dma_wait3A_82, %dma_wait3A_83] : memref<100096x128xf32, #tpu.memory_space<hbm>> -> memref<128x128xf32, #tpu.memory_space<hbm>>
          %dma_wait3A_85 = arith.constant 0 : i32
          %dma_wait3A_86 = arith.constant 0 : i32
          %dma_wait3A_87 = tpu.memref_slice %arg3[%dma_wait3A_85, %dma_wait3A_86] : memref<100096x128xf32, #tpu.memory_space<hbm>> -> memref<128x128xf32, #tpu.memory_space<hbm>>
          tpu.wait_dma2 semaphore(%arg10 : memref<!tpu.dma_semaphore, #tpu.memory_space<semaphore_mem>>) src(%arg6 : memref<128x128xf32, #tpu.memory_space<vmem>>) dst(%dma_wait3A_87 : memref<128x128xf32, #tpu.memory_space<hbm>>)
        } else {
        }
        %scan3A_64 = arith.constant 0 : i32
        %scan3A_65 = arith.constant 8 : i32
        %scan3A_66 = arith.addi %scan3A_64, %scan3A_65 : i32
        %scan3A_67 = arith.constant 1 : i32
        scf.for %scan3A_82 = %scan3A_64 to %scan3A_66 step %scan3A_67  : i32 {
          %mul3A_83 = arith.constant 2 : i32
          %mul3A_84 = arith.muli %scan3A_82, %mul3A_83 : i32
          %add3A_85 = arith.constant 0 : i32
          %add3A_86 = arith.addi %add3A_85, %mul3A_84 : i32
          %add3A_87 = arith.constant 0 : i32
          %add3A_88 = arith.addi %add3A_86, %add3A_87 : i32
          %add3A_89 = vector.broadcast %add3A_88 : i32 to vector<16xi32>
          %add3A_90 = arith.addi %iota3A, %add3A_89 : vector<16xi32>
          %and3A = arith.constant 15 : i32
          %and3A_91 = vector.broadcast %and3A : i32 to vector<16xi32>
          %and3A_92 = arith.andi %add3A_90, %and3A_91 : vector<16xi32>
          %add3A_93 = arith.constant 0 : i32
          %add3A_94 = vector.broadcast %add3A_93 : i32 to vector<16xi32>
          %add3A_95 = arith.addi %and3A_92, %add3A_94 : vector<16xi32>
          %add3A_96 = arith.constant 0 : i32
          %add3A_97 = vector.broadcast %add3A_96 : i32 to vector<16xi32>
          %add3A_98 = arith.addi %iota3A, %add3A_97 : vector<16xi32>
          %gather3A = tpu.vector_load_idx %arg4[%add3A_98, %add3A_95] : memref<64x128xf32, #tpu.memory_space<vmem>>[vector<16xi32>, vector<16xi32>], vector<16xf32>,
          %add3A_99 = arith.constant 16 : i32
          %add3A_100 = vector.broadcast %add3A_99 : i32 to vector<16xi32>
          %add3A_101 = arith.addi %iota3A, %add3A_100 : vector<16xi32>
          %gather3A_102 = tpu.vector_load_idx %arg4[%add3A_101, %add3A_95] : memref<64x128xf32, #tpu.memory_space<vmem>>[vector<16xi32>, vector<16xi32>], vector<16xf32>,
          tpu.vector_store_idx %arg6[%add3A_95, %add3A_98], %gather3A : memref<128x128xf32, #tpu.memory_space<vmem>>[vector<16xi32>, vector<16xi32>], vector<16xf32>,
          %add3A_103 = arith.constant 32 : i32
          %add3A_104 = vector.broadcast %add3A_103 : i32 to vector<16xi32>
          %add3A_105 = arith.addi %iota3A, %add3A_104 : vector<16xi32>
          %gather3A_106 = tpu.vector_load_idx %arg4[%add3A_105, %add3A_95] : memref<64x128xf32, #tpu.memory_space<vmem>>[vector<16xi32>, vector<16xi32>], vector<16xf32>,
          tpu.vector_store_idx %arg6[%add3A_95, %add3A_101], %gather3A_102 : memref<128x128xf32, #tpu.memory_space<vmem>>[vector<16xi32>, vector<16xi32>], vector<16xf32>,
          %add3A_107 = arith.constant 48 : i32
          %add3A_108 = vector.broadcast %add3A_107 : i32 to vector<16xi32>
          %add3A_109 = arith.addi %iota3A, %add3A_108 : vector<16xi32>
          %gather3A_110 = tpu.vector_load_idx %arg4[%add3A_109, %add3A_95] : memref<64x128xf32, #tpu.memory_space<vmem>>[vector<16xi32>, vector<16xi32>], vector<16xf32>,
          tpu.vector_store_idx %arg6[%add3A_95, %add3A_105], %gather3A_106 : memref<128x128xf32, #tpu.memory_space<vmem>>[vector<16xi32>, vector<16xi32>], vector<16xf32>,
          %add3A_111 = arith.constant 16 : i32
          %add3A_112 = vector.broadcast %add3A_111 : i32 to vector<16xi32>
          %add3A_113 = arith.addi %and3A_92, %add3A_112 : vector<16xi32>
          %add3A_114 = arith.constant 0 : i32
          %add3A_115 = vector.broadcast %add3A_114 : i32 to vector<16xi32>
          %add3A_116 = arith.addi %iota3A, %add3A_115 : vector<16xi32>
          %gather3A_117 = tpu.vector_load_idx %arg4[%add3A_116, %add3A_113] : memref<64x128xf32, #tpu.memory_space<vmem>>[vector<16xi32>, vector<16xi32>], vector<16xf32>,
          tpu.vector_store_idx %arg6[%add3A_95, %add3A_109], %gather3A_110 : memref<128x128xf32, #tpu.memory_space<vmem>>[vector<16xi32>, vector<16xi32>], vector<16xf32>,
          %add3A_118 = arith.constant 16 : i32
          %add3A_119 = vector.broadcast %add3A_118 : i32 to vector<16xi32>
          %add3A_120 = arith.addi %iota3A, %add3A_119 : vector<16xi32>
          %gather3A_121 = tpu.vector_load_idx %arg4[%add3A_120, %add3A_113] : memref<64x128xf32, #tpu.memory_space<vmem>>[vector<16xi32>, vector<16xi32>], vector<16xf32>,
          tpu.vector_store_idx %arg6[%add3A_113, %add3A_116], %gather3A_117 : memref<128x128xf32, #tpu.memory_space<vmem>>[vector<16xi32>, vector<16xi32>], vector<16xf32>,
          %add3A_122 = arith.constant 32 : i32
          %add3A_123 = vector.broadcast %add3A_122 : i32 to vector<16xi32>
          %add3A_124 = arith.addi %iota3A, %add3A_123 : vector<16xi32>
          %gather3A_125 = tpu.vector_load_idx %arg4[%add3A_124, %add3A_113] : memref<64x128xf32, #tpu.memory_space<vmem>>[vector<16xi32>, vector<16xi32>], vector<16xf32>,
          tpu.vector_store_idx %arg6[%add3A_113, %add3A_120], %gather3A_121 : memref<128x128xf32, #tpu.memory_space<vmem>>[vector<16xi32>, vector<16xi32>], vector<16xf32>,
          %add3A_126 = arith.constant 48 : i32
          %add3A_127 = vector.broadcast %add3A_126 : i32 to vector<16xi32>
          %add3A_128 = arith.addi %iota3A, %add3A_127 : vector<16xi32>
          %gather3A_129 = tpu.vector_load_idx %arg4[%add3A_128, %add3A_113] : memref<64x128xf32, #tpu.memory_space<vmem>>[vector<16xi32>, vector<16xi32>], vector<16xf32>,
          tpu.vector_store_idx %arg6[%add3A_113, %add3A_124], %gather3A_125 : memref<128x128xf32, #tpu.memory_space<vmem>>[vector<16xi32>, vector<16xi32>], vector<16xf32>,
          %add3A_130 = arith.constant 32 : i32
          %add3A_131 = vector.broadcast %add3A_130 : i32 to vector<16xi32>
          %add3A_132 = arith.addi %and3A_92, %add3A_131 : vector<16xi32>
          %add3A_133 = arith.constant 0 : i32
          %add3A_134 = vector.broadcast %add3A_133 : i32 to vector<16xi32>
          %add3A_135 = arith.addi %iota3A, %add3A_134 : vector<16xi32>
          %gather3A_136 = tpu.vector_load_idx %arg4[%add3A_135, %add3A_132] : memref<64x128xf32, #tpu.memory_space<vmem>>[vector<16xi32>, vector<16xi32>], vector<16xf32>,
          tpu.vector_store_idx %arg6[%add3A_113, %add3A_128], %gather3A_129 : memref<128x128xf32, #tpu.memory_space<vmem>>[vector<16xi32>, vector<16xi32>], vector<16xf32>,
          %add3A_137 = arith.constant 16 : i32
          %add3A_138 = vector.broadcast %add3A_137 : i32 to vector<16xi32>
          %add3A_139 = arith.addi %iota3A, %add3A_138 : vector<16xi32>
          %gather3A_140 = tpu.vector_load_idx %arg4[%add3A_139, %add3A_132] : memref<64x128xf32, #tpu.memory_space<vmem>>[vector<16xi32>, vector<16xi32>], vector<16xf32>,
          tpu.vector_store_idx %arg6[%add3A_132, %add3A_135], %gather3A_136 : memref<128x128xf32, #tpu.memory_space<vmem>>[vector<16xi32>, vector<16xi32>], vector<16xf32>,
          %add3A_141 = arith.constant 32 : i32
          %add3A_142 = vector.broadcast %add3A_141 : i32 to vector<16xi32>
          %add3A_143 = arith.addi %iota3A, %add3A_142 : vector<16xi32>
          %gather3A_144 = tpu.vector_load_idx %arg4[%add3A_143, %add3A_132] : memref<64x128xf32, #tpu.memory_space<vmem>>[vector<16xi32>, vector<16xi32>], vector<16xf32>,
          tpu.vector_store_idx %arg6[%add3A_132, %add3A_139], %gather3A_140 : memref<128x128xf32, #tpu.memory_space<vmem>>[vector<16xi32>, vector<16xi32>], vector<16xf32>,
          %add3A_145 = arith.constant 48 : i32
          %add3A_146 = vector.broadcast %add3A_145 : i32 to vector<16xi32>
          %add3A_147 = arith.addi %iota3A, %add3A_146 : vector<16xi32>
          %gather3A_148 = tpu.vector_load_idx %arg4[%add3A_147, %add3A_132] : memref<64x128xf32, #tpu.memory_space<vmem>>[vector<16xi32>, vector<16xi32>], vector<16xf32>,
          tpu.vector_store_idx %arg6[%add3A_132, %add3A_143], %gather3A_144 : memref<128x128xf32, #tpu.memory_space<vmem>>[vector<16xi32>, vector<16xi32>], vector<16xf32>,
          %add3A_149 = arith.constant 48 : i32
          %add3A_150 = vector.broadcast %add3A_149 : i32 to vector<16xi32>
          %add3A_151 = arith.addi %and3A_92, %add3A_150 : vector<16xi32>
          %add3A_152 = arith.constant 0 : i32
          %add3A_153 = vector.broadcast %add3A_152 : i32 to vector<16xi32>
          %add3A_154 = arith.addi %iota3A, %add3A_153 : vector<16xi32>
          %gather3A_155 = tpu.vector_load_idx %arg4[%add3A_154, %add3A_151] : memref<64x128xf32, #tpu.memory_space<vmem>>[vector<16xi32>, vector<16xi32>], vector<16xf32>,
          tpu.vector_store_idx %arg6[%add3A_132, %add3A_147], %gather3A_148 : memref<128x128xf32, #tpu.memory_space<vmem>>[vector<16xi32>, vector<16xi32>], vector<16xf32>,
          %add3A_156 = arith.constant 16 : i32
          %add3A_157 = vector.broadcast %add3A_156 : i32 to vector<16xi32>
          %add3A_158 = arith.addi %iota3A, %add3A_157 : vector<16xi32>
          %gather3A_159 = tpu.vector_load_idx %arg4[%add3A_158, %add3A_151] : memref<64x128xf32, #tpu.memory_space<vmem>>[vector<16xi32>, vector<16xi32>], vector<16xf32>,
          tpu.vector_store_idx %arg6[%add3A_151, %add3A_154], %gather3A_155 : memref<128x128xf32, #tpu.memory_space<vmem>>[vector<16xi32>, vector<16xi32>], vector<16xf32>,
          %add3A_160 = arith.constant 32 : i32
          %add3A_161 = vector.broadcast %add3A_160 : i32 to vector<16xi32>
          %add3A_162 = arith.addi %iota3A, %add3A_161 : vector<16xi32>
          %gather3A_163 = tpu.vector_load_idx %arg4[%add3A_162, %add3A_151] : memref<64x128xf32, #tpu.memory_space<vmem>>[vector<16xi32>, vector<16xi32>], vector<16xf32>,
          tpu.vector_store_idx %arg6[%add3A_151, %add3A_158], %gather3A_159 : memref<128x128xf32, #tpu.memory_space<vmem>>[vector<16xi32>, vector<16xi32>], vector<16xf32>,
          %add3A_164 = arith.constant 48 : i32
          %add3A_165 = vector.broadcast %add3A_164 : i32 to vector<16xi32>
          %add3A_166 = arith.addi %iota3A, %add3A_165 : vector<16xi32>
          %gather3A_167 = tpu.vector_load_idx %arg4[%add3A_166, %add3A_151] : memref<64x128xf32, #tpu.memory_space<vmem>>[vector<16xi32>, vector<16xi32>], vector<16xf32>,
          tpu.vector_store_idx %arg6[%add3A_151, %add3A_162], %gather3A_163 : memref<128x128xf32, #tpu.memory_space<vmem>>[vector<16xi32>, vector<16xi32>], vector<16xf32>,
          %add3A_168 = arith.constant 64 : i32
          %add3A_169 = vector.broadcast %add3A_168 : i32 to vector<16xi32>
          %add3A_170 = arith.addi %and3A_92, %add3A_169 : vector<16xi32>
          %add3A_171 = arith.constant 0 : i32
          %add3A_172 = vector.broadcast %add3A_171 : i32 to vector<16xi32>
          %add3A_173 = arith.addi %iota3A, %add3A_172 : vector<16xi32>
          %gather3A_174 = tpu.vector_load_idx %arg4[%add3A_173, %add3A_170] : memref<64x128xf32, #tpu.memory_space<vmem>>[vector<16xi32>, vector<16xi32>], vector<16xf32>,
          tpu.vector_store_idx %arg6[%add3A_151, %add3A_166], %gather3A_167 : memref<128x128xf32, #tpu.memory_space<vmem>>[vector<16xi32>, vector<16xi32>], vector<16xf32>,
          %add3A_175 = arith.constant 16 : i32
          %add3A_176 = vector.broadcast %add3A_175 : i32 to vector<16xi32>
          %add3A_177 = arith.addi %iota3A, %add3A_176 : vector<16xi32>
          %gather3A_178 = tpu.vector_load_idx %arg4[%add3A_177, %add3A_170] : memref<64x128xf32, #tpu.memory_space<vmem>>[vector<16xi32>, vector<16xi32>], vector<16xf32>,
          tpu.vector_store_idx %arg6[%add3A_170, %add3A_173], %gather3A_174 : memref<128x128xf32, #tpu.memory_space<vmem>>[vector<16xi32>, vector<16xi32>], vector<16xf32>,
          %add3A_179 = arith.constant 32 : i32
          %add3A_180 = vector.broadcast %add3A_179 : i32 to vector<16xi32>
          %add3A_181 = arith.addi %iota3A, %add3A_180 : vector<16xi32>
          %gather3A_182 = tpu.vector_load_idx %arg4[%add3A_181, %add3A_170] : memref<64x128xf32, #tpu.memory_space<vmem>>[vector<16xi32>, vector<16xi32>], vector<16xf32>,
          tpu.vector_store_idx %arg6[%add3A_170, %add3A_177], %gather3A_178 : memref<128x128xf32, #tpu.memory_space<vmem>>[vector<16xi32>, vector<16xi32>], vector<16xf32>,
          %add3A_183 = arith.constant 48 : i32
          %add3A_184 = vector.broadcast %add3A_183 : i32 to vector<16xi32>
          %add3A_185 = arith.addi %iota3A, %add3A_184 : vector<16xi32>
          %gather3A_186 = tpu.vector_load_idx %arg4[%add3A_185, %add3A_170] : memref<64x128xf32, #tpu.memory_space<vmem>>[vector<16xi32>, vector<16xi32>], vector<16xf32>,
          tpu.vector_store_idx %arg6[%add3A_170, %add3A_181], %gather3A_182 : memref<128x128xf32, #tpu.memory_space<vmem>>[vector<16xi32>, vector<16xi32>], vector<16xf32>,
          %add3A_187 = arith.constant 80 : i32
          %add3A_188 = vector.broadcast %add3A_187 : i32 to vector<16xi32>
          %add3A_189 = arith.addi %and3A_92, %add3A_188 : vector<16xi32>
          %add3A_190 = arith.constant 0 : i32
          %add3A_191 = vector.broadcast %add3A_190 : i32 to vector<16xi32>
          %add3A_192 = arith.addi %iota3A, %add3A_191 : vector<16xi32>
          %gather3A_193 = tpu.vector_load_idx %arg4[%add3A_192, %add3A_189] : memref<64x128xf32, #tpu.memory_space<vmem>>[vector<16xi32>, vector<16xi32>], vector<16xf32>,
          tpu.vector_store_idx %arg6[%add3A_170, %add3A_185], %gather3A_186 : memref<128x128xf32, #tpu.memory_space<vmem>>[vector<16xi32>, vector<16xi32>], vector<16xf32>,
          %add3A_194 = arith.constant 16 : i32
          %add3A_195 = vector.broadcast %add3A_194 : i32 to vector<16xi32>
          %add3A_196 = arith.addi %iota3A, %add3A_195 : vector<16xi32>
          %gather3A_197 = tpu.vector_load_idx %arg4[%add3A_196, %add3A_189] : memref<64x128xf32, #tpu.memory_space<vmem>>[vector<16xi32>, vector<16xi32>], vector<16xf32>,
          tpu.vector_store_idx %arg6[%add3A_189, %add3A_192], %gather3A_193 : memref<128x128xf32, #tpu.memory_space<vmem>>[vector<16xi32>, vector<16xi32>], vector<16xf32>,
          %add3A_198 = arith.constant 32 : i32
          %add3A_199 = vector.broadcast %add3A_198 : i32 to vector<16xi32>
          %add3A_200 = arith.addi %iota3A, %add3A_199 : vector<16xi32>
          %gather3A_201 = tpu.vector_load_idx %arg4[%add3A_200, %add3A_189] : memref<64x128xf32, #tpu.memory_space<vmem>>[vector<16xi32>, vector<16xi32>], vector<16xf32>,
          tpu.vector_store_idx %arg6[%add3A_189, %add3A_196], %gather3A_197 : memref<128x128xf32, #tpu.memory_space<vmem>>[vector<16xi32>, vector<16xi32>], vector<16xf32>,
          %add3A_202 = arith.constant 48 : i32
          %add3A_203 = vector.broadcast %add3A_202 : i32 to vector<16xi32>
          %add3A_204 = arith.addi %iota3A, %add3A_203 : vector<16xi32>
          %gather3A_205 = tpu.vector_load_idx %arg4[%add3A_204, %add3A_189] : memref<64x128xf32, #tpu.memory_space<vmem>>[vector<16xi32>, vector<16xi32>], vector<16xf32>,
          tpu.vector_store_idx %arg6[%add3A_189, %add3A_200], %gather3A_201 : memref<128x128xf32, #tpu.memory_space<vmem>>[vector<16xi32>, vector<16xi32>], vector<16xf32>,
          %add3A_206 = arith.constant 96 : i32
          %add3A_207 = vector.broadcast %add3A_206 : i32 to vector<16xi32>
          %add3A_208 = arith.addi %and3A_92, %add3A_207 : vector<16xi32>
          %add3A_209 = arith.constant 0 : i32
          %add3A_210 = vector.broadcast %add3A_209 : i32 to vector<16xi32>
          %add3A_211 = arith.addi %iota3A, %add3A_210 : vector<16xi32>
          %gather3A_212 = tpu.vector_load_idx %arg4[%add3A_211, %add3A_208] : memref<64x128xf32, #tpu.memory_space<vmem>>[vector<16xi32>, vector<16xi32>], vector<16xf32>,
          tpu.vector_store_idx %arg6[%add3A_189, %add3A_204], %gather3A_205 : memref<128x128xf32, #tpu.memory_space<vmem>>[vector<16xi32>, vector<16xi32>], vector<16xf32>,
          %add3A_213 = arith.constant 16 : i32
          %add3A_214 = vector.broadcast %add3A_213 : i32 to vector<16xi32>
          %add3A_215 = arith.addi %iota3A, %add3A_214 : vector<16xi32>
          %gather3A_216 = tpu.vector_load_idx %arg4[%add3A_215, %add3A_208] : memref<64x128xf32, #tpu.memory_space<vmem>>[vector<16xi32>, vector<16xi32>], vector<16xf32>,
          tpu.vector_store_idx %arg6[%add3A_208, %add3A_211], %gather3A_212 : memref<128x128xf32, #tpu.memory_space<vmem>>[vector<16xi32>, vector<16xi32>], vector<16xf32>,
          %add3A_217 = arith.constant 32 : i32
          %add3A_218 = vector.broadcast %add3A_217 : i32 to vector<16xi32>
          %add3A_219 = arith.addi %iota3A, %add3A_218 : vector<16xi32>
          %gather3A_220 = tpu.vector_load_idx %arg4[%add3A_219, %add3A_208] : memref<64x128xf32, #tpu.memory_space<vmem>>[vector<16xi32>, vector<16xi32>], vector<16xf32>,
          tpu.vector_store_idx %arg6[%add3A_208, %add3A_215], %gather3A_216 : memref<128x128xf32, #tpu.memory_space<vmem>>[vector<16xi32>, vector<16xi32>], vector<16xf32>,
          %add3A_221 = arith.constant 48 : i32
          %add3A_222 = vector.broadcast %add3A_221 : i32 to vector<16xi32>
          %add3A_223 = arith.addi %iota3A, %add3A_222 : vector<16xi32>
          %gather3A_224 = tpu.vector_load_idx %arg4[%add3A_223, %add3A_208] : memref<64x128xf32, #tpu.memory_space<vmem>>[vector<16xi32>, vector<16xi32>], vector<16xf32>,
          tpu.vector_store_idx %arg6[%add3A_208, %add3A_219], %gather3A_220 : memref<128x128xf32, #tpu.memory_space<vmem>>[vector<16xi32>, vector<16xi32>], vector<16xf32>,
          %add3A_225 = arith.constant 112 : i32
          %add3A_226 = vector.broadcast %add3A_225 : i32 to vector<16xi32>
          %add3A_227 = arith.addi %and3A_92, %add3A_226 : vector<16xi32>
          %add3A_228 = arith.constant 0 : i32
          %add3A_229 = vector.broadcast %add3A_228 : i32 to vector<16xi32>
          %add3A_230 = arith.addi %iota3A, %add3A_229 : vector<16xi32>
          %gather3A_231 = tpu.vector_load_idx %arg4[%add3A_230, %add3A_227] : memref<64x128xf32, #tpu.memory_space<vmem>>[vector<16xi32>, vector<16xi32>], vector<16xf32>,
          tpu.vector_store_idx %arg6[%add3A_208, %add3A_223], %gather3A_224 : memref<128x128xf32, #tpu.memory_space<vmem>>[vector<16xi32>, vector<16xi32>], vector<16xf32>,
          %add3A_232 = arith.constant 16 : i32
          %add3A_233 = vector.broadcast %add3A_232 : i32 to vector<16xi32>
          %add3A_234 = arith.addi %iota3A, %add3A_233 : vector<16xi32>
          %gather3A_235 = tpu.vector_load_idx %arg4[%add3A_234, %add3A_227] : memref<64x128xf32, #tpu.memory_space<vmem>>[vector<16xi32>, vector<16xi32>], vector<16xf32>,
          tpu.vector_store_idx %arg6[%add3A_227, %add3A_230], %gather3A_231 : memref<128x128xf32, #tpu.memory_space<vmem>>[vector<16xi32>, vector<16xi32>], vector<16xf32>,
          %add3A_236 = arith.constant 32 : i32
          %add3A_237 = vector.broadcast %add3A_236 : i32 to vector<16xi32>
          %add3A_238 = arith.addi %iota3A, %add3A_237 : vector<16xi32>
          %gather3A_239 = tpu.vector_load_idx %arg4[%add3A_238, %add3A_227] : memref<64x128xf32, #tpu.memory_space<vmem>>[vector<16xi32>, vector<16xi32>], vector<16xf32>,
          tpu.vector_store_idx %arg6[%add3A_227, %add3A_234], %gather3A_235 : memref<128x128xf32, #tpu.memory_space<vmem>>[vector<16xi32>, vector<16xi32>], vector<16xf32>,
          %add3A_240 = arith.constant 48 : i32
          %add3A_241 = vector.broadcast %add3A_240 : i32 to vector<16xi32>
          %add3A_242 = arith.addi %iota3A, %add3A_241 : vector<16xi32>
          %gather3A_243 = tpu.vector_load_idx %arg4[%add3A_242, %add3A_227] : memref<64x128xf32, #tpu.memory_space<vmem>>[vector<16xi32>, vector<16xi32>], vector<16xf32>,
          tpu.vector_store_idx %arg6[%add3A_227, %add3A_238], %gather3A_239 : memref<128x128xf32, #tpu.memory_space<vmem>>[vector<16xi32>, vector<16xi32>], vector<16xf32>,
          %add3A_244 = arith.constant 1 : i32
          %add3A_245 = arith.addi %add3A_86, %add3A_244 : i32
          %add3A_246 = vector.broadcast %add3A_245 : i32 to vector<16xi32>
          %add3A_247 = arith.addi %iota3A, %add3A_246 : vector<16xi32>
          %and3A_248 = arith.constant 15 : i32
          %and3A_249 = vector.broadcast %and3A_248 : i32 to vector<16xi32>
          %and3A_250 = arith.andi %add3A_247, %and3A_249 : vector<16xi32>
          %add3A_251 = arith.constant 0 : i32
          %add3A_252 = vector.broadcast %add3A_251 : i32 to vector<16xi32>
          %add3A_253 = arith.addi %and3A_250, %add3A_252 : vector<16xi32>
          %add3A_254 = arith.constant 0 : i32
          %add3A_255 = vector.broadcast %add3A_254 : i32 to vector<16xi32>
          %add3A_256 = arith.addi %iota3A, %add3A_255 : vector<16xi32>
          %gather3A_257 = tpu.vector_load_idx %arg4[%add3A_256, %add3A_253] : memref<64x128xf32, #tpu.memory_space<vmem>>[vector<16xi32>, vector<16xi32>], vector<16xf32>,
          tpu.vector_store_idx %arg6[%add3A_227, %add3A_242], %gather3A_243 : memref<128x128xf32, #tpu.memory_space<vmem>>[vector<16xi32>, vector<16xi32>], vector<16xf32>,
          %add3A_258 = arith.constant 16 : i32
          %add3A_259 = vector.broadcast %add3A_258 : i32 to vector<16xi32>
          %add3A_260 = arith.addi %iota3A, %add3A_259 : vector<16xi32>
          %gather3A_261 = tpu.vector_load_idx %arg4[%add3A_260, %add3A_253] : memref<64x128xf32, #tpu.memory_space<vmem>>[vector<16xi32>, vector<16xi32>], vector<16xf32>,
          tpu.vector_store_idx %arg6[%add3A_253, %add3A_256], %gather3A_257 : memref<128x128xf32, #tpu.memory_space<vmem>>[vector<16xi32>, vector<16xi32>], vector<16xf32>,
          %add3A_262 = arith.constant 32 : i32
          %add3A_263 = vector.broadcast %add3A_262 : i32 to vector<16xi32>
          %add3A_264 = arith.addi %iota3A, %add3A_263 : vector<16xi32>
          %gather3A_265 = tpu.vector_load_idx %arg4[%add3A_264, %add3A_253] : memref<64x128xf32, #tpu.memory_space<vmem>>[vector<16xi32>, vector<16xi32>], vector<16xf32>,
          tpu.vector_store_idx %arg6[%add3A_253, %add3A_260], %gather3A_261 : memref<128x128xf32, #tpu.memory_space<vmem>>[vector<16xi32>, vector<16xi32>], vector<16xf32>,
          %add3A_266 = arith.constant 48 : i32
          %add3A_267 = vector.broadcast %add3A_266 : i32 to vector<16xi32>
          %add3A_268 = arith.addi %iota3A, %add3A_267 : vector<16xi32>
          %gather3A_269 = tpu.vector_load_idx %arg4[%add3A_268, %add3A_253] : memref<64x128xf32, #tpu.memory_space<vmem>>[vector<16xi32>, vector<16xi32>], vector<16xf32>,
          tpu.vector_store_idx %arg6[%add3A_253, %add3A_264], %gather3A_265 : memref<128x128xf32, #tpu.memory_space<vmem>>[vector<16xi32>, vector<16xi32>], vector<16xf32>,
          %add3A_270 = arith.constant 16 : i32
          %add3A_271 = vector.broadcast %add3A_270 : i32 to vector<16xi32>
          %add3A_272 = arith.addi %and3A_250, %add3A_271 : vector<16xi32>
          %add3A_273 = arith.constant 0 : i32
          %add3A_274 = vector.broadcast %add3A_273 : i32 to vector<16xi32>
          %add3A_275 = arith.addi %iota3A, %add3A_274 : vector<16xi32>
          %gather3A_276 = tpu.vector_load_idx %arg4[%add3A_275, %add3A_272] : memref<64x128xf32, #tpu.memory_space<vmem>>[vector<16xi32>, vector<16xi32>], vector<16xf32>,
          tpu.vector_store_idx %arg6[%add3A_253, %add3A_268], %gather3A_269 : memref<128x128xf32, #tpu.memory_space<vmem>>[vector<16xi32>, vector<16xi32>], vector<16xf32>,
          %add3A_277 = arith.constant 16 : i32
          %add3A_278 = vector.broadcast %add3A_277 : i32 to vector<16xi32>
          %add3A_279 = arith.addi %iota3A, %add3A_278 : vector<16xi32>
          %gather3A_280 = tpu.vector_load_idx %arg4[%add3A_279, %add3A_272] : memref<64x128xf32, #tpu.memory_space<vmem>>[vector<16xi32>, vector<16xi32>], vector<16xf32>,
          tpu.vector_store_idx %arg6[%add3A_272, %add3A_275], %gather3A_276 : memref<128x128xf32, #tpu.memory_space<vmem>>[vector<16xi32>, vector<16xi32>], vector<16xf32>,
          %add3A_281 = arith.constant 32 : i32
          %add3A_282 = vector.broadcast %add3A_281 : i32 to vector<16xi32>
          %add3A_283 = arith.addi %iota3A, %add3A_282 : vector<16xi32>
          %gather3A_284 = tpu.vector_load_idx %arg4[%add3A_283, %add3A_272] : memref<64x128xf32, #tpu.memory_space<vmem>>[vector<16xi32>, vector<16xi32>], vector<16xf32>,
          tpu.vector_store_idx %arg6[%add3A_272, %add3A_279], %gather3A_280 : memref<128x128xf32, #tpu.memory_space<vmem>>[vector<16xi32>, vector<16xi32>], vector<16xf32>,
          %add3A_285 = arith.constant 48 : i32
          %add3A_286 = vector.broadcast %add3A_285 : i32 to vector<16xi32>
          %add3A_287 = arith.addi %iota3A, %add3A_286 : vector<16xi32>
          %gather3A_288 = tpu.vector_load_idx %arg4[%add3A_287, %add3A_272] : memref<64x128xf32, #tpu.memory_space<vmem>>[vector<16xi32>, vector<16xi32>], vector<16xf32>,
          tpu.vector_store_idx %arg6[%add3A_272, %add3A_283], %gather3A_284 : memref<128x128xf32, #tpu.memory_space<vmem>>[vector<16xi32>, vector<16xi32>], vector<16xf32>,
          %add3A_289 = arith.constant 32 : i32
          %add3A_290 = vector.broadcast %add3A_289 : i32 to vector<16xi32>
          %add3A_291 = arith.addi %and3A_250, %add3A_290 : vector<16xi32>
          %add3A_292 = arith.constant 0 : i32
          %add3A_293 = vector.broadcast %add3A_292 : i32 to vector<16xi32>
          %add3A_294 = arith.addi %iota3A, %add3A_293 : vector<16xi32>
          %gather3A_295 = tpu.vector_load_idx %arg4[%add3A_294, %add3A_291] : memref<64x128xf32, #tpu.memory_space<vmem>>[vector<16xi32>, vector<16xi32>], vector<16xf32>,
          tpu.vector_store_idx %arg6[%add3A_272, %add3A_287], %gather3A_288 : memref<128x128xf32, #tpu.memory_space<vmem>>[vector<16xi32>, vector<16xi32>], vector<16xf32>,
          %add3A_296 = arith.constant 16 : i32
          %add3A_297 = vector.broadcast %add3A_296 : i32 to vector<16xi32>
          %add3A_298 = arith.addi %iota3A, %add3A_297 : vector<16xi32>
          %gather3A_299 = tpu.vector_load_idx %arg4[%add3A_298, %add3A_291] : memref<64x128xf32, #tpu.memory_space<vmem>>[vector<16xi32>, vector<16xi32>], vector<16xf32>,
          tpu.vector_store_idx %arg6[%add3A_291, %add3A_294], %gather3A_295 : memref<128x128xf32, #tpu.memory_space<vmem>>[vector<16xi32>, vector<16xi32>], vector<16xf32>,
          %add3A_300 = arith.constant 32 : i32
          %add3A_301 = vector.broadcast %add3A_300 : i32 to vector<16xi32>
          %add3A_302 = arith.addi %iota3A, %add3A_301 : vector<16xi32>
          %gather3A_303 = tpu.vector_load_idx %arg4[%add3A_302, %add3A_291] : memref<64x128xf32, #tpu.memory_space<vmem>>[vector<16xi32>, vector<16xi32>], vector<16xf32>,
          tpu.vector_store_idx %arg6[%add3A_291, %add3A_298], %gather3A_299 : memref<128x128xf32, #tpu.memory_space<vmem>>[vector<16xi32>, vector<16xi32>], vector<16xf32>,
          %add3A_304 = arith.constant 48 : i32
          %add3A_305 = vector.broadcast %add3A_304 : i32 to vector<16xi32>
          %add3A_306 = arith.addi %iota3A, %add3A_305 : vector<16xi32>
          %gather3A_307 = tpu.vector_load_idx %arg4[%add3A_306, %add3A_291] : memref<64x128xf32, #tpu.memory_space<vmem>>[vector<16xi32>, vector<16xi32>], vector<16xf32>,
          tpu.vector_store_idx %arg6[%add3A_291, %add3A_302], %gather3A_303 : memref<128x128xf32, #tpu.memory_space<vmem>>[vector<16xi32>, vector<16xi32>], vector<16xf32>,
          %add3A_308 = arith.constant 48 : i32
          %add3A_309 = vector.broadcast %add3A_308 : i32 to vector<16xi32>
          %add3A_310 = arith.addi %and3A_250, %add3A_309 : vector<16xi32>
          %add3A_311 = arith.constant 0 : i32
          %add3A_312 = vector.broadcast %add3A_311 : i32 to vector<16xi32>
          %add3A_313 = arith.addi %iota3A, %add3A_312 : vector<16xi32>
          %gather3A_314 = tpu.vector_load_idx %arg4[%add3A_313, %add3A_310] : memref<64x128xf32, #tpu.memory_space<vmem>>[vector<16xi32>, vector<16xi32>], vector<16xf32>,
          tpu.vector_store_idx %arg6[%add3A_291, %add3A_306], %gather3A_307 : memref<128x128xf32, #tpu.memory_space<vmem>>[vector<16xi32>, vector<16xi32>], vector<16xf32>,
          %add3A_315 = arith.constant 16 : i32
          %add3A_316 = vector.broadcast %add3A_315 : i32 to vector<16xi32>
          %add3A_317 = arith.addi %iota3A, %add3A_316 : vector<16xi32>
          %gather3A_318 = tpu.vector_load_idx %arg4[%add3A_317, %add3A_310] : memref<64x128xf32, #tpu.memory_space<vmem>>[vector<16xi32>, vector<16xi32>], vector<16xf32>,
          tpu.vector_store_idx %arg6[%add3A_310, %add3A_313], %gather3A_314 : memref<128x128xf32, #tpu.memory_space<vmem>>[vector<16xi32>, vector<16xi32>], vector<16xf32>,
          %add3A_319 = arith.constant 32 : i32
          %add3A_320 = vector.broadcast %add3A_319 : i32 to vector<16xi32>
          %add3A_321 = arith.addi %iota3A, %add3A_320 : vector<16xi32>
          %gather3A_322 = tpu.vector_load_idx %arg4[%add3A_321, %add3A_310] : memref<64x128xf32, #tpu.memory_space<vmem>>[vector<16xi32>, vector<16xi32>], vector<16xf32>,
          tpu.vector_store_idx %arg6[%add3A_310, %add3A_317], %gather3A_318 : memref<128x128xf32, #tpu.memory_space<vmem>>[vector<16xi32>, vector<16xi32>], vector<16xf32>,
          %add3A_323 = arith.constant 48 : i32
          %add3A_324 = vector.broadcast %add3A_323 : i32 to vector<16xi32>
          %add3A_325 = arith.addi %iota3A, %add3A_324 : vector<16xi32>
          %gather3A_326 = tpu.vector_load_idx %arg4[%add3A_325, %add3A_310] : memref<64x128xf32, #tpu.memory_space<vmem>>[vector<16xi32>, vector<16xi32>], vector<16xf32>,
          tpu.vector_store_idx %arg6[%add3A_310, %add3A_321], %gather3A_322 : memref<128x128xf32, #tpu.memory_space<vmem>>[vector<16xi32>, vector<16xi32>], vector<16xf32>,
          %add3A_327 = arith.constant 64 : i32
          %add3A_328 = vector.broadcast %add3A_327 : i32 to vector<16xi32>
          %add3A_329 = arith.addi %and3A_250, %add3A_328 : vector<16xi32>
          %add3A_330 = arith.constant 0 : i32
          %add3A_331 = vector.broadcast %add3A_330 : i32 to vector<16xi32>
          %add3A_332 = arith.addi %iota3A, %add3A_331 : vector<16xi32>
          %gather3A_333 = tpu.vector_load_idx %arg4[%add3A_332, %add3A_329] : memref<64x128xf32, #tpu.memory_space<vmem>>[vector<16xi32>, vector<16xi32>], vector<16xf32>,
          tpu.vector_store_idx %arg6[%add3A_310, %add3A_325], %gather3A_326 : memref<128x128xf32, #tpu.memory_space<vmem>>[vector<16xi32>, vector<16xi32>], vector<16xf32>,
          %add3A_334 = arith.constant 16 : i32
          %add3A_335 = vector.broadcast %add3A_334 : i32 to vector<16xi32>
          %add3A_336 = arith.addi %iota3A, %add3A_335 : vector<16xi32>
          %gather3A_337 = tpu.vector_load_idx %arg4[%add3A_336, %add3A_329] : memref<64x128xf32, #tpu.memory_space<vmem>>[vector<16xi32>, vector<16xi32>], vector<16xf32>,
          tpu.vector_store_idx %arg6[%add3A_329, %add3A_332], %gather3A_333 : memref<128x128xf32, #tpu.memory_space<vmem>>[vector<16xi32>, vector<16xi32>], vector<16xf32>,
          %add3A_338 = arith.constant 32 : i32
          %add3A_339 = vector.broadcast %add3A_338 : i32 to vector<16xi32>
          %add3A_340 = arith.addi %iota3A, %add3A_339 : vector<16xi32>
          %gather3A_341 = tpu.vector_load_idx %arg4[%add3A_340, %add3A_329] : memref<64x128xf32, #tpu.memory_space<vmem>>[vector<16xi32>, vector<16xi32>], vector<16xf32>,
          tpu.vector_store_idx %arg6[%add3A_329, %add3A_336], %gather3A_337 : memref<128x128xf32, #tpu.memory_space<vmem>>[vector<16xi32>, vector<16xi32>], vector<16xf32>,
          %add3A_342 = arith.constant 48 : i32
          %add3A_343 = vector.broadcast %add3A_342 : i32 to vector<16xi32>
          %add3A_344 = arith.addi %iota3A, %add3A_343 : vector<16xi32>
          %gather3A_345 = tpu.vector_load_idx %arg4[%add3A_344, %add3A_329] : memref<64x128xf32, #tpu.memory_space<vmem>>[vector<16xi32>, vector<16xi32>], vector<16xf32>,
          tpu.vector_store_idx %arg6[%add3A_329, %add3A_340], %gather3A_341 : memref<128x128xf32, #tpu.memory_space<vmem>>[vector<16xi32>, vector<16xi32>], vector<16xf32>,
          %add3A_346 = arith.constant 80 : i32
          %add3A_347 = vector.broadcast %add3A_346 : i32 to vector<16xi32>
          %add3A_348 = arith.addi %and3A_250, %add3A_347 : vector<16xi32>
          %add3A_349 = arith.constant 0 : i32
          %add3A_350 = vector.broadcast %add3A_349 : i32 to vector<16xi32>
          %add3A_351 = arith.addi %iota3A, %add3A_350 : vector<16xi32>
          %gather3A_352 = tpu.vector_load_idx %arg4[%add3A_351, %add3A_348] : memref<64x128xf32, #tpu.memory_space<vmem>>[vector<16xi32>, vector<16xi32>], vector<16xf32>,
          tpu.vector_store_idx %arg6[%add3A_329, %add3A_344], %gather3A_345 : memref<128x128xf32, #tpu.memory_space<vmem>>[vector<16xi32>, vector<16xi32>], vector<16xf32>,
          %add3A_353 = arith.constant 16 : i32
          %add3A_354 = vector.broadcast %add3A_353 : i32 to vector<16xi32>
          %add3A_355 = arith.addi %iota3A, %add3A_354 : vector<16xi32>
          %gather3A_356 = tpu.vector_load_idx %arg4[%add3A_355, %add3A_348] : memref<64x128xf32, #tpu.memory_space<vmem>>[vector<16xi32>, vector<16xi32>], vector<16xf32>,
          tpu.vector_store_idx %arg6[%add3A_348, %add3A_351], %gather3A_352 : memref<128x128xf32, #tpu.memory_space<vmem>>[vector<16xi32>, vector<16xi32>], vector<16xf32>,
          %add3A_357 = arith.constant 32 : i32
          %add3A_358 = vector.broadcast %add3A_357 : i32 to vector<16xi32>
          %add3A_359 = arith.addi %iota3A, %add3A_358 : vector<16xi32>
          %gather3A_360 = tpu.vector_load_idx %arg4[%add3A_359, %add3A_348] : memref<64x128xf32, #tpu.memory_space<vmem>>[vector<16xi32>, vector<16xi32>], vector<16xf32>,
          tpu.vector_store_idx %arg6[%add3A_348, %add3A_355], %gather3A_356 : memref<128x128xf32, #tpu.memory_space<vmem>>[vector<16xi32>, vector<16xi32>], vector<16xf32>,
          %add3A_361 = arith.constant 48 : i32
          %add3A_362 = vector.broadcast %add3A_361 : i32 to vector<16xi32>
          %add3A_363 = arith.addi %iota3A, %add3A_362 : vector<16xi32>
          %gather3A_364 = tpu.vector_load_idx %arg4[%add3A_363, %add3A_348] : memref<64x128xf32, #tpu.memory_space<vmem>>[vector<16xi32>, vector<16xi32>], vector<16xf32>,
          tpu.vector_store_idx %arg6[%add3A_348, %add3A_359], %gather3A_360 : memref<128x128xf32, #tpu.memory_space<vmem>>[vector<16xi32>, vector<16xi32>], vector<16xf32>,
          %add3A_365 = arith.constant 96 : i32
          %add3A_366 = vector.broadcast %add3A_365 : i32 to vector<16xi32>
          %add3A_367 = arith.addi %and3A_250, %add3A_366 : vector<16xi32>
          %add3A_368 = arith.constant 0 : i32
          %add3A_369 = vector.broadcast %add3A_368 : i32 to vector<16xi32>
          %add3A_370 = arith.addi %iota3A, %add3A_369 : vector<16xi32>
          %gather3A_371 = tpu.vector_load_idx %arg4[%add3A_370, %add3A_367] : memref<64x128xf32, #tpu.memory_space<vmem>>[vector<16xi32>, vector<16xi32>], vector<16xf32>,
          tpu.vector_store_idx %arg6[%add3A_348, %add3A_363], %gather3A_364 : memref<128x128xf32, #tpu.memory_space<vmem>>[vector<16xi32>, vector<16xi32>], vector<16xf32>,
          %add3A_372 = arith.constant 16 : i32
          %add3A_373 = vector.broadcast %add3A_372 : i32 to vector<16xi32>
          %add3A_374 = arith.addi %iota3A, %add3A_373 : vector<16xi32>
          %gather3A_375 = tpu.vector_load_idx %arg4[%add3A_374, %add3A_367] : memref<64x128xf32, #tpu.memory_space<vmem>>[vector<16xi32>, vector<16xi32>], vector<16xf32>,
          tpu.vector_store_idx %arg6[%add3A_367, %add3A_370], %gather3A_371 : memref<128x128xf32, #tpu.memory_space<vmem>>[vector<16xi32>, vector<16xi32>], vector<16xf32>,
          %add3A_376 = arith.constant 32 : i32
          %add3A_377 = vector.broadcast %add3A_376 : i32 to vector<16xi32>
          %add3A_378 = arith.addi %iota3A, %add3A_377 : vector<16xi32>
          %gather3A_379 = tpu.vector_load_idx %arg4[%add3A_378, %add3A_367] : memref<64x128xf32, #tpu.memory_space<vmem>>[vector<16xi32>, vector<16xi32>], vector<16xf32>,
          tpu.vector_store_idx %arg6[%add3A_367, %add3A_374], %gather3A_375 : memref<128x128xf32, #tpu.memory_space<vmem>>[vector<16xi32>, vector<16xi32>], vector<16xf32>,
          %add3A_380 = arith.constant 48 : i32
          %add3A_381 = vector.broadcast %add3A_380 : i32 to vector<16xi32>
          %add3A_382 = arith.addi %iota3A, %add3A_381 : vector<16xi32>
          %gather3A_383 = tpu.vector_load_idx %arg4[%add3A_382, %add3A_367] : memref<64x128xf32, #tpu.memory_space<vmem>>[vector<16xi32>, vector<16xi32>], vector<16xf32>,
          tpu.vector_store_idx %arg6[%add3A_367, %add3A_378], %gather3A_379 : memref<128x128xf32, #tpu.memory_space<vmem>>[vector<16xi32>, vector<16xi32>], vector<16xf32>,
          %add3A_384 = arith.constant 112 : i32
          %add3A_385 = vector.broadcast %add3A_384 : i32 to vector<16xi32>
          %add3A_386 = arith.addi %and3A_250, %add3A_385 : vector<16xi32>
          %add3A_387 = arith.constant 0 : i32
          %add3A_388 = vector.broadcast %add3A_387 : i32 to vector<16xi32>
          %add3A_389 = arith.addi %iota3A, %add3A_388 : vector<16xi32>
          %gather3A_390 = tpu.vector_load_idx %arg4[%add3A_389, %add3A_386] : memref<64x128xf32, #tpu.memory_space<vmem>>[vector<16xi32>, vector<16xi32>], vector<16xf32>,
          tpu.vector_store_idx %arg6[%add3A_367, %add3A_382], %gather3A_383 : memref<128x128xf32, #tpu.memory_space<vmem>>[vector<16xi32>, vector<16xi32>], vector<16xf32>,
          %add3A_391 = arith.constant 16 : i32
          %add3A_392 = vector.broadcast %add3A_391 : i32 to vector<16xi32>
          %add3A_393 = arith.addi %iota3A, %add3A_392 : vector<16xi32>
          %gather3A_394 = tpu.vector_load_idx %arg4[%add3A_393, %add3A_386] : memref<64x128xf32, #tpu.memory_space<vmem>>[vector<16xi32>, vector<16xi32>], vector<16xf32>,
          tpu.vector_store_idx %arg6[%add3A_386, %add3A_389], %gather3A_390 : memref<128x128xf32, #tpu.memory_space<vmem>>[vector<16xi32>, vector<16xi32>], vector<16xf32>,
          %add3A_395 = arith.constant 32 : i32
          %add3A_396 = vector.broadcast %add3A_395 : i32 to vector<16xi32>
          %add3A_397 = arith.addi %iota3A, %add3A_396 : vector<16xi32>
          %gather3A_398 = tpu.vector_load_idx %arg4[%add3A_397, %add3A_386] : memref<64x128xf32, #tpu.memory_space<vmem>>[vector<16xi32>, vector<16xi32>], vector<16xf32>,
          tpu.vector_store_idx %arg6[%add3A_386, %add3A_393], %gather3A_394 : memref<128x128xf32, #tpu.memory_space<vmem>>[vector<16xi32>, vector<16xi32>], vector<16xf32>,
          %add3A_399 = arith.constant 48 : i32
          %add3A_400 = vector.broadcast %add3A_399 : i32 to vector<16xi32>
          %add3A_401 = arith.addi %iota3A, %add3A_400 : vector<16xi32>
          %gather3A_402 = tpu.vector_load_idx %arg4[%add3A_401, %add3A_386] : memref<64x128xf32, #tpu.memory_space<vmem>>[vector<16xi32>, vector<16xi32>], vector<16xf32>,
          tpu.vector_store_idx %arg6[%add3A_386, %add3A_397], %gather3A_398 : memref<128x128xf32, #tpu.memory_space<vmem>>[vector<16xi32>, vector<16xi32>], vector<16xf32>,
          tpu.vector_store_idx %arg6[%add3A_386, %add3A_401], %gather3A_402 : memref<128x128xf32, #tpu.memory_space<vmem>>[vector<16xi32>, vector<16xi32>], vector<16xf32>,
        }
        %scan3A_68 = arith.constant 8 : i32
        %dma_start3A = arith.constant 0 : i32
        %dma_start3A_69 = tpu.memref_slice %arg3[%multiple_of3A, %dma_start3A] : memref<100096x128xf32, #tpu.memory_space<hbm>> -> memref<128x128xf32, #tpu.memory_space<hbm>>
        %dma_start3A_70 = arith.constant 0 : i32
        %dma_start3A_71 = tpu.memref_slice %arg3[%multiple_of3A, %dma_start3A_70] : memref<100096x128xf32, #tpu.memory_space<hbm>> -> memref<128x128xf32, #tpu.memory_space<hbm>>
        tpu.enqueue_dma source(%arg6 : memref<128x128xf32, #tpu.memory_space<vmem>>) target(%dma_start3A_71 : memref<128x128xf32, #tpu.memory_space<hbm>>) target_semaphore(%arg10 : memref<!tpu.dma_semaphore, #tpu.memory_space<semaphore_mem>>)
        %add3A_72 = arith.constant 2 : i32
        %add3A_73 = arith.addi %add3A_33, %add3A_72 : i32
        %mul3A_74 = arith.constant 32 : i32
        %mul3A_75 = arith.muli %mul3A_74, %add3A_73 : i32
        %add3A_76 = arith.addi %add3A, %mul3A_75 : i32
        %lt3A_77 = arith.constant 782 : i32
        %lt3A_78 = arith.cmpi slt, %add3A_76, %lt3A_77 : i32
        %convert_element_type3A_79 = arith.extui %lt3A_78 : i1 to i32
        %cond3A_80 = arith.constant 0 : i32
        %cond3A_81 = arith.cmpi ne, %convert_element_type3A_79, %cond3A_80 : i32
        scf.if %cond3A_81 {
          %mul3A_82 = arith.constant 128 : i32
          %mul3A_83 = arith.muli %add3A_76, %mul3A_82 : i32
          %multiple_of3A_84 = tpu.assume_multiple %mul3A_83, 128 : i32
          %dma_start3A_85 = arith.constant 0 : i32
          %dma_start3A_86 = tpu.memref_slice %arg2[%dma_start3A_85, %multiple_of3A_84] : memref<64x100000xf32, #tpu.memory_space<hbm>> -> memref<64x128xf32, #tpu.memory_space<hbm>>
          %dma_start3A_87 = arith.constant 0 : i32
          %dma_start3A_88 = tpu.memref_slice %arg2[%dma_start3A_87, %multiple_of3A_84] : memref<64x100000xf32, #tpu.memory_space<hbm>> -> memref<64x128xf32, #tpu.memory_space<hbm>>
          tpu.enqueue_dma source(%dma_start3A_88 : memref<64x128xf32, #tpu.memory_space<hbm>>) target(%arg4 : memref<64x128xf32, #tpu.memory_space<vmem>>) target_semaphore(%arg8 : memref<!tpu.dma_semaphore, #tpu.memory_space<semaphore_mem>>)
        } else {
        }
      } else {
      }
      %add3A_42 = arith.constant 1 : i32
      %add3A_43 = arith.addi %add3A_31, %add3A_42 : i32
      %mul3A_44 = arith.constant 32 : i32
      %mul3A_45 = arith.muli %mul3A_44, %add3A_43 : i32
      %add3A_46 = arith.addi %add3A, %mul3A_45 : i32
      %lt3A_47 = arith.constant 782 : i32
      %lt3A_48 = arith.cmpi slt, %add3A_46, %lt3A_47 : i32
      %convert_element_type3A_49 = arith.extui %lt3A_48 : i1 to i32
      %cond3A_50 = arith.constant 0 : i32
      %cond3A_51 = arith.cmpi ne, %convert_element_type3A_49, %cond3A_50 : i32
      scf.if %cond3A_51 {
        %mul3A_52 = arith.constant 128 : i32
        %mul3A_53 = arith.muli %add3A_46, %mul3A_52 : i32
        %multiple_of3A = tpu.assume_multiple %mul3A_53, 128 : i32
        %dma_wait3A_54 = arith.constant 0 : i32
        %dma_wait3A_55 = arith.constant 0 : i32
        %dma_wait3A_56 = tpu.memref_slice %arg2[%dma_wait3A_54, %dma_wait3A_55] : memref<64x100000xf32, #tpu.memory_space<hbm>> -> memref<64x128xf32, #tpu.memory_space<hbm>>
        %dma_wait3A_57 = arith.constant 0 : i32
        %dma_wait3A_58 = arith.constant 0 : i32
        %dma_wait3A_59 = tpu.memref_slice %arg2[%dma_wait3A_57, %dma_wait3A_58] : memref<64x100000xf32, #tpu.memory_space<hbm>> -> memref<64x128xf32, #tpu.memory_space<hbm>>
        tpu.wait_dma2 semaphore(%arg9 : memref<!tpu.dma_semaphore, #tpu.memory_space<semaphore_mem>>) src(%dma_wait3A_59 : memref<64x128xf32, #tpu.memory_space<hbm>>) dst(%arg5 : memref<64x128xf32, #tpu.memory_space<vmem>>)
        %ge3A = arith.constant 2 : i32
        %ge3A_60 = arith.cmpi sge, %add3A_43, %ge3A : i32
        %convert_element_type3A_61 = arith.extui %ge3A_60 : i1 to i32
        %cond3A_62 = arith.constant 0 : i32
        %cond3A_63 = arith.cmpi ne, %convert_element_type3A_61, %cond3A_62 : i32
        scf.if %cond3A_63 {
          %dma_wait3A_82 = arith.constant 0 : i32
          %dma_wait3A_83 = arith.constant 0 : i32
          %dma_wait3A_84 = tpu.memref_slice %arg3[%dma_wait3A_82, %dma_wait3A_83] : memref<100096x128xf32, #tpu.memory_space<hbm>> -> memref<128x128xf32, #tpu.memory_space<hbm>>
          %dma_wait3A_85 = arith.constant 0 : i32
          %dma_wait3A_86 = arith.constant 0 : i32
          %dma_wait3A_87 = tpu.memref_slice %arg3[%dma_wait3A_85, %dma_wait3A_86] : memref<100096x128xf32, #tpu.memory_space<hbm>> -> memref<128x128xf32, #tpu.memory_space<hbm>>
          tpu.wait_dma2 semaphore(%arg11 : memref<!tpu.dma_semaphore, #tpu.memory_space<semaphore_mem>>) src(%arg7 : memref<128x128xf32, #tpu.memory_space<vmem>>) dst(%dma_wait3A_87 : memref<128x128xf32, #tpu.memory_space<hbm>>)
        } else {
        }
        %scan3A_64 = arith.constant 0 : i32
        %scan3A_65 = arith.constant 8 : i32
        %scan3A_66 = arith.addi %scan3A_64, %scan3A_65 : i32
        %scan3A_67 = arith.constant 1 : i32
        scf.for %scan3A_82 = %scan3A_64 to %scan3A_66 step %scan3A_67  : i32 {
          %mul3A_83 = arith.constant 2 : i32
          %mul3A_84 = arith.muli %scan3A_82, %mul3A_83 : i32
          %add3A_85 = arith.constant 0 : i32
          %add3A_86 = arith.addi %add3A_85, %mul3A_84 : i32
          %add3A_87 = arith.constant 0 : i32
          %add3A_88 = arith.addi %add3A_86, %add3A_87 : i32
          %add3A_89 = vector.broadcast %add3A_88 : i32 to vector<16xi32>
          %add3A_90 = arith.addi %iota3A, %add3A_89 : vector<16xi32>
          %and3A = arith.constant 15 : i32
          %and3A_91 = vector.broadcast %and3A : i32 to vector<16xi32>
          %and3A_92 = arith.andi %add3A_90, %and3A_91 : vector<16xi32>
          %add3A_93 = arith.constant 0 : i32
          %add3A_94 = vector.broadcast %add3A_93 : i32 to vector<16xi32>
          %add3A_95 = arith.addi %and3A_92, %add3A_94 : vector<16xi32>
          %add3A_96 = arith.constant 0 : i32
          %add3A_97 = vector.broadcast %add3A_96 : i32 to vector<16xi32>
          %add3A_98 = arith.addi %iota3A, %add3A_97 : vector<16xi32>
          %gather3A = tpu.vector_load_idx %arg5[%add3A_98, %add3A_95] : memref<64x128xf32, #tpu.memory_space<vmem>>[vector<16xi32>, vector<16xi32>], vector<16xf32>,
          %add3A_99 = arith.constant 16 : i32
          %add3A_100 = vector.broadcast %add3A_99 : i32 to vector<16xi32>
          %add3A_101 = arith.addi %iota3A, %add3A_100 : vector<16xi32>
          %gather3A_102 = tpu.vector_load_idx %arg5[%add3A_101, %add3A_95] : memref<64x128xf32, #tpu.memory_space<vmem>>[vector<16xi32>, vector<16xi32>], vector<16xf32>,
          tpu.vector_store_idx %arg7[%add3A_95, %add3A_98], %gather3A : memref<128x128xf32, #tpu.memory_space<vmem>>[vector<16xi32>, vector<16xi32>], vector<16xf32>,
          %add3A_103 = arith.constant 32 : i32
          %add3A_104 = vector.broadcast %add3A_103 : i32 to vector<16xi32>
          %add3A_105 = arith.addi %iota3A, %add3A_104 : vector<16xi32>
          %gather3A_106 = tpu.vector_load_idx %arg5[%add3A_105, %add3A_95] : memref<64x128xf32, #tpu.memory_space<vmem>>[vector<16xi32>, vector<16xi32>], vector<16xf32>,
          tpu.vector_store_idx %arg7[%add3A_95, %add3A_101], %gather3A_102 : memref<128x128xf32, #tpu.memory_space<vmem>>[vector<16xi32>, vector<16xi32>], vector<16xf32>,
          %add3A_107 = arith.constant 48 : i32
          %add3A_108 = vector.broadcast %add3A_107 : i32 to vector<16xi32>
          %add3A_109 = arith.addi %iota3A, %add3A_108 : vector<16xi32>
          %gather3A_110 = tpu.vector_load_idx %arg5[%add3A_109, %add3A_95] : memref<64x128xf32, #tpu.memory_space<vmem>>[vector<16xi32>, vector<16xi32>], vector<16xf32>,
          tpu.vector_store_idx %arg7[%add3A_95, %add3A_105], %gather3A_106 : memref<128x128xf32, #tpu.memory_space<vmem>>[vector<16xi32>, vector<16xi32>], vector<16xf32>,
          %add3A_111 = arith.constant 16 : i32
          %add3A_112 = vector.broadcast %add3A_111 : i32 to vector<16xi32>
          %add3A_113 = arith.addi %and3A_92, %add3A_112 : vector<16xi32>
          %add3A_114 = arith.constant 0 : i32
          %add3A_115 = vector.broadcast %add3A_114 : i32 to vector<16xi32>
          %add3A_116 = arith.addi %iota3A, %add3A_115 : vector<16xi32>
          %gather3A_117 = tpu.vector_load_idx %arg5[%add3A_116, %add3A_113] : memref<64x128xf32, #tpu.memory_space<vmem>>[vector<16xi32>, vector<16xi32>], vector<16xf32>,
          tpu.vector_store_idx %arg7[%add3A_95, %add3A_109], %gather3A_110 : memref<128x128xf32, #tpu.memory_space<vmem>>[vector<16xi32>, vector<16xi32>], vector<16xf32>,
          %add3A_118 = arith.constant 16 : i32
          %add3A_119 = vector.broadcast %add3A_118 : i32 to vector<16xi32>
          %add3A_120 = arith.addi %iota3A, %add3A_119 : vector<16xi32>
          %gather3A_121 = tpu.vector_load_idx %arg5[%add3A_120, %add3A_113] : memref<64x128xf32, #tpu.memory_space<vmem>>[vector<16xi32>, vector<16xi32>], vector<16xf32>,
          tpu.vector_store_idx %arg7[%add3A_113, %add3A_116], %gather3A_117 : memref<128x128xf32, #tpu.memory_space<vmem>>[vector<16xi32>, vector<16xi32>], vector<16xf32>,
          %add3A_122 = arith.constant 32 : i32
          %add3A_123 = vector.broadcast %add3A_122 : i32 to vector<16xi32>
          %add3A_124 = arith.addi %iota3A, %add3A_123 : vector<16xi32>
          %gather3A_125 = tpu.vector_load_idx %arg5[%add3A_124, %add3A_113] : memref<64x128xf32, #tpu.memory_space<vmem>>[vector<16xi32>, vector<16xi32>], vector<16xf32>,
          tpu.vector_store_idx %arg7[%add3A_113, %add3A_120], %gather3A_121 : memref<128x128xf32, #tpu.memory_space<vmem>>[vector<16xi32>, vector<16xi32>], vector<16xf32>,
          %add3A_126 = arith.constant 48 : i32
          %add3A_127 = vector.broadcast %add3A_126 : i32 to vector<16xi32>
          %add3A_128 = arith.addi %iota3A, %add3A_127 : vector<16xi32>
          %gather3A_129 = tpu.vector_load_idx %arg5[%add3A_128, %add3A_113] : memref<64x128xf32, #tpu.memory_space<vmem>>[vector<16xi32>, vector<16xi32>], vector<16xf32>,
          tpu.vector_store_idx %arg7[%add3A_113, %add3A_124], %gather3A_125 : memref<128x128xf32, #tpu.memory_space<vmem>>[vector<16xi32>, vector<16xi32>], vector<16xf32>,
          %add3A_130 = arith.constant 32 : i32
          %add3A_131 = vector.broadcast %add3A_130 : i32 to vector<16xi32>
          %add3A_132 = arith.addi %and3A_92, %add3A_131 : vector<16xi32>
          %add3A_133 = arith.constant 0 : i32
          %add3A_134 = vector.broadcast %add3A_133 : i32 to vector<16xi32>
          %add3A_135 = arith.addi %iota3A, %add3A_134 : vector<16xi32>
          %gather3A_136 = tpu.vector_load_idx %arg5[%add3A_135, %add3A_132] : memref<64x128xf32, #tpu.memory_space<vmem>>[vector<16xi32>, vector<16xi32>], vector<16xf32>,
          tpu.vector_store_idx %arg7[%add3A_113, %add3A_128], %gather3A_129 : memref<128x128xf32, #tpu.memory_space<vmem>>[vector<16xi32>, vector<16xi32>], vector<16xf32>,
          %add3A_137 = arith.constant 16 : i32
          %add3A_138 = vector.broadcast %add3A_137 : i32 to vector<16xi32>
          %add3A_139 = arith.addi %iota3A, %add3A_138 : vector<16xi32>
          %gather3A_140 = tpu.vector_load_idx %arg5[%add3A_139, %add3A_132] : memref<64x128xf32, #tpu.memory_space<vmem>>[vector<16xi32>, vector<16xi32>], vector<16xf32>,
          tpu.vector_store_idx %arg7[%add3A_132, %add3A_135], %gather3A_136 : memref<128x128xf32, #tpu.memory_space<vmem>>[vector<16xi32>, vector<16xi32>], vector<16xf32>,
          %add3A_141 = arith.constant 32 : i32
          %add3A_142 = vector.broadcast %add3A_141 : i32 to vector<16xi32>
          %add3A_143 = arith.addi %iota3A, %add3A_142 : vector<16xi32>
          %gather3A_144 = tpu.vector_load_idx %arg5[%add3A_143, %add3A_132] : memref<64x128xf32, #tpu.memory_space<vmem>>[vector<16xi32>, vector<16xi32>], vector<16xf32>,
          tpu.vector_store_idx %arg7[%add3A_132, %add3A_139], %gather3A_140 : memref<128x128xf32, #tpu.memory_space<vmem>>[vector<16xi32>, vector<16xi32>], vector<16xf32>,
          %add3A_145 = arith.constant 48 : i32
          %add3A_146 = vector.broadcast %add3A_145 : i32 to vector<16xi32>
          %add3A_147 = arith.addi %iota3A, %add3A_146 : vector<16xi32>
          %gather3A_148 = tpu.vector_load_idx %arg5[%add3A_147, %add3A_132] : memref<64x128xf32, #tpu.memory_space<vmem>>[vector<16xi32>, vector<16xi32>], vector<16xf32>,
          tpu.vector_store_idx %arg7[%add3A_132, %add3A_143], %gather3A_144 : memref<128x128xf32, #tpu.memory_space<vmem>>[vector<16xi32>, vector<16xi32>], vector<16xf32>,
          %add3A_149 = arith.constant 48 : i32
          %add3A_150 = vector.broadcast %add3A_149 : i32 to vector<16xi32>
          %add3A_151 = arith.addi %and3A_92, %add3A_150 : vector<16xi32>
          %add3A_152 = arith.constant 0 : i32
          %add3A_153 = vector.broadcast %add3A_152 : i32 to vector<16xi32>
          %add3A_154 = arith.addi %iota3A, %add3A_153 : vector<16xi32>
          %gather3A_155 = tpu.vector_load_idx %arg5[%add3A_154, %add3A_151] : memref<64x128xf32, #tpu.memory_space<vmem>>[vector<16xi32>, vector<16xi32>], vector<16xf32>,
          tpu.vector_store_idx %arg7[%add3A_132, %add3A_147], %gather3A_148 : memref<128x128xf32, #tpu.memory_space<vmem>>[vector<16xi32>, vector<16xi32>], vector<16xf32>,
          %add3A_156 = arith.constant 16 : i32
          %add3A_157 = vector.broadcast %add3A_156 : i32 to vector<16xi32>
          %add3A_158 = arith.addi %iota3A, %add3A_157 : vector<16xi32>
          %gather3A_159 = tpu.vector_load_idx %arg5[%add3A_158, %add3A_151] : memref<64x128xf32, #tpu.memory_space<vmem>>[vector<16xi32>, vector<16xi32>], vector<16xf32>,
          tpu.vector_store_idx %arg7[%add3A_151, %add3A_154], %gather3A_155 : memref<128x128xf32, #tpu.memory_space<vmem>>[vector<16xi32>, vector<16xi32>], vector<16xf32>,
          %add3A_160 = arith.constant 32 : i32
          %add3A_161 = vector.broadcast %add3A_160 : i32 to vector<16xi32>
          %add3A_162 = arith.addi %iota3A, %add3A_161 : vector<16xi32>
          %gather3A_163 = tpu.vector_load_idx %arg5[%add3A_162, %add3A_151] : memref<64x128xf32, #tpu.memory_space<vmem>>[vector<16xi32>, vector<16xi32>], vector<16xf32>,
          tpu.vector_store_idx %arg7[%add3A_151, %add3A_158], %gather3A_159 : memref<128x128xf32, #tpu.memory_space<vmem>>[vector<16xi32>, vector<16xi32>], vector<16xf32>,
          %add3A_164 = arith.constant 48 : i32
          %add3A_165 = vector.broadcast %add3A_164 : i32 to vector<16xi32>
          %add3A_166 = arith.addi %iota3A, %add3A_165 : vector<16xi32>
          %gather3A_167 = tpu.vector_load_idx %arg5[%add3A_166, %add3A_151] : memref<64x128xf32, #tpu.memory_space<vmem>>[vector<16xi32>, vector<16xi32>], vector<16xf32>,
          tpu.vector_store_idx %arg7[%add3A_151, %add3A_162], %gather3A_163 : memref<128x128xf32, #tpu.memory_space<vmem>>[vector<16xi32>, vector<16xi32>], vector<16xf32>,
          %add3A_168 = arith.constant 64 : i32
          %add3A_169 = vector.broadcast %add3A_168 : i32 to vector<16xi32>
          %add3A_170 = arith.addi %and3A_92, %add3A_169 : vector<16xi32>
          %add3A_171 = arith.constant 0 : i32
          %add3A_172 = vector.broadcast %add3A_171 : i32 to vector<16xi32>
          %add3A_173 = arith.addi %iota3A, %add3A_172 : vector<16xi32>
          %gather3A_174 = tpu.vector_load_idx %arg5[%add3A_173, %add3A_170] : memref<64x128xf32, #tpu.memory_space<vmem>>[vector<16xi32>, vector<16xi32>], vector<16xf32>,
          tpu.vector_store_idx %arg7[%add3A_151, %add3A_166], %gather3A_167 : memref<128x128xf32, #tpu.memory_space<vmem>>[vector<16xi32>, vector<16xi32>], vector<16xf32>,
          %add3A_175 = arith.constant 16 : i32
          %add3A_176 = vector.broadcast %add3A_175 : i32 to vector<16xi32>
          %add3A_177 = arith.addi %iota3A, %add3A_176 : vector<16xi32>
          %gather3A_178 = tpu.vector_load_idx %arg5[%add3A_177, %add3A_170] : memref<64x128xf32, #tpu.memory_space<vmem>>[vector<16xi32>, vector<16xi32>], vector<16xf32>,
          tpu.vector_store_idx %arg7[%add3A_170, %add3A_173], %gather3A_174 : memref<128x128xf32, #tpu.memory_space<vmem>>[vector<16xi32>, vector<16xi32>], vector<16xf32>,
          %add3A_179 = arith.constant 32 : i32
          %add3A_180 = vector.broadcast %add3A_179 : i32 to vector<16xi32>
          %add3A_181 = arith.addi %iota3A, %add3A_180 : vector<16xi32>
          %gather3A_182 = tpu.vector_load_idx %arg5[%add3A_181, %add3A_170] : memref<64x128xf32, #tpu.memory_space<vmem>>[vector<16xi32>, vector<16xi32>], vector<16xf32>,
          tpu.vector_store_idx %arg7[%add3A_170, %add3A_177], %gather3A_178 : memref<128x128xf32, #tpu.memory_space<vmem>>[vector<16xi32>, vector<16xi32>], vector<16xf32>,
          %add3A_183 = arith.constant 48 : i32
          %add3A_184 = vector.broadcast %add3A_183 : i32 to vector<16xi32>
          %add3A_185 = arith.addi %iota3A, %add3A_184 : vector<16xi32>
          %gather3A_186 = tpu.vector_load_idx %arg5[%add3A_185, %add3A_170] : memref<64x128xf32, #tpu.memory_space<vmem>>[vector<16xi32>, vector<16xi32>], vector<16xf32>,
          tpu.vector_store_idx %arg7[%add3A_170, %add3A_181], %gather3A_182 : memref<128x128xf32, #tpu.memory_space<vmem>>[vector<16xi32>, vector<16xi32>], vector<16xf32>,
          %add3A_187 = arith.constant 80 : i32
          %add3A_188 = vector.broadcast %add3A_187 : i32 to vector<16xi32>
          %add3A_189 = arith.addi %and3A_92, %add3A_188 : vector<16xi32>
          %add3A_190 = arith.constant 0 : i32
          %add3A_191 = vector.broadcast %add3A_190 : i32 to vector<16xi32>
          %add3A_192 = arith.addi %iota3A, %add3A_191 : vector<16xi32>
          %gather3A_193 = tpu.vector_load_idx %arg5[%add3A_192, %add3A_189] : memref<64x128xf32, #tpu.memory_space<vmem>>[vector<16xi32>, vector<16xi32>], vector<16xf32>,
          tpu.vector_store_idx %arg7[%add3A_170, %add3A_185], %gather3A_186 : memref<128x128xf32, #tpu.memory_space<vmem>>[vector<16xi32>, vector<16xi32>], vector<16xf32>,
          %add3A_194 = arith.constant 16 : i32
          %add3A_195 = vector.broadcast %add3A_194 : i32 to vector<16xi32>
          %add3A_196 = arith.addi %iota3A, %add3A_195 : vector<16xi32>
          %gather3A_197 = tpu.vector_load_idx %arg5[%add3A_196, %add3A_189] : memref<64x128xf32, #tpu.memory_space<vmem>>[vector<16xi32>, vector<16xi32>], vector<16xf32>,
          tpu.vector_store_idx %arg7[%add3A_189, %add3A_192], %gather3A_193 : memref<128x128xf32, #tpu.memory_space<vmem>>[vector<16xi32>, vector<16xi32>], vector<16xf32>,
          %add3A_198 = arith.constant 32 : i32
          %add3A_199 = vector.broadcast %add3A_198 : i32 to vector<16xi32>
          %add3A_200 = arith.addi %iota3A, %add3A_199 : vector<16xi32>
          %gather3A_201 = tpu.vector_load_idx %arg5[%add3A_200, %add3A_189] : memref<64x128xf32, #tpu.memory_space<vmem>>[vector<16xi32>, vector<16xi32>], vector<16xf32>,
          tpu.vector_store_idx %arg7[%add3A_189, %add3A_196], %gather3A_197 : memref<128x128xf32, #tpu.memory_space<vmem>>[vector<16xi32>, vector<16xi32>], vector<16xf32>,
          %add3A_202 = arith.constant 48 : i32
          %add3A_203 = vector.broadcast %add3A_202 : i32 to vector<16xi32>
          %add3A_204 = arith.addi %iota3A, %add3A_203 : vector<16xi32>
          %gather3A_205 = tpu.vector_load_idx %arg5[%add3A_204, %add3A_189] : memref<64x128xf32, #tpu.memory_space<vmem>>[vector<16xi32>, vector<16xi32>], vector<16xf32>,
          tpu.vector_store_idx %arg7[%add3A_189, %add3A_200], %gather3A_201 : memref<128x128xf32, #tpu.memory_space<vmem>>[vector<16xi32>, vector<16xi32>], vector<16xf32>,
          %add3A_206 = arith.constant 96 : i32
          %add3A_207 = vector.broadcast %add3A_206 : i32 to vector<16xi32>
          %add3A_208 = arith.addi %and3A_92, %add3A_207 : vector<16xi32>
          %add3A_209 = arith.constant 0 : i32
          %add3A_210 = vector.broadcast %add3A_209 : i32 to vector<16xi32>
          %add3A_211 = arith.addi %iota3A, %add3A_210 : vector<16xi32>
          %gather3A_212 = tpu.vector_load_idx %arg5[%add3A_211, %add3A_208] : memref<64x128xf32, #tpu.memory_space<vmem>>[vector<16xi32>, vector<16xi32>], vector<16xf32>,
          tpu.vector_store_idx %arg7[%add3A_189, %add3A_204], %gather3A_205 : memref<128x128xf32, #tpu.memory_space<vmem>>[vector<16xi32>, vector<16xi32>], vector<16xf32>,
          %add3A_213 = arith.constant 16 : i32
          %add3A_214 = vector.broadcast %add3A_213 : i32 to vector<16xi32>
          %add3A_215 = arith.addi %iota3A, %add3A_214 : vector<16xi32>
          %gather3A_216 = tpu.vector_load_idx %arg5[%add3A_215, %add3A_208] : memref<64x128xf32, #tpu.memory_space<vmem>>[vector<16xi32>, vector<16xi32>], vector<16xf32>,
          tpu.vector_store_idx %arg7[%add3A_208, %add3A_211], %gather3A_212 : memref<128x128xf32, #tpu.memory_space<vmem>>[vector<16xi32>, vector<16xi32>], vector<16xf32>,
          %add3A_217 = arith.constant 32 : i32
          %add3A_218 = vector.broadcast %add3A_217 : i32 to vector<16xi32>
          %add3A_219 = arith.addi %iota3A, %add3A_218 : vector<16xi32>
          %gather3A_220 = tpu.vector_load_idx %arg5[%add3A_219, %add3A_208] : memref<64x128xf32, #tpu.memory_space<vmem>>[vector<16xi32>, vector<16xi32>], vector<16xf32>,
          tpu.vector_store_idx %arg7[%add3A_208, %add3A_215], %gather3A_216 : memref<128x128xf32, #tpu.memory_space<vmem>>[vector<16xi32>, vector<16xi32>], vector<16xf32>,
          %add3A_221 = arith.constant 48 : i32
          %add3A_222 = vector.broadcast %add3A_221 : i32 to vector<16xi32>
          %add3A_223 = arith.addi %iota3A, %add3A_222 : vector<16xi32>
          %gather3A_224 = tpu.vector_load_idx %arg5[%add3A_223, %add3A_208] : memref<64x128xf32, #tpu.memory_space<vmem>>[vector<16xi32>, vector<16xi32>], vector<16xf32>,
          tpu.vector_store_idx %arg7[%add3A_208, %add3A_219], %gather3A_220 : memref<128x128xf32, #tpu.memory_space<vmem>>[vector<16xi32>, vector<16xi32>], vector<16xf32>,
          %add3A_225 = arith.constant 112 : i32
          %add3A_226 = vector.broadcast %add3A_225 : i32 to vector<16xi32>
          %add3A_227 = arith.addi %and3A_92, %add3A_226 : vector<16xi32>
          %add3A_228 = arith.constant 0 : i32
          %add3A_229 = vector.broadcast %add3A_228 : i32 to vector<16xi32>
          %add3A_230 = arith.addi %iota3A, %add3A_229 : vector<16xi32>
          %gather3A_231 = tpu.vector_load_idx %arg5[%add3A_230, %add3A_227] : memref<64x128xf32, #tpu.memory_space<vmem>>[vector<16xi32>, vector<16xi32>], vector<16xf32>,
          tpu.vector_store_idx %arg7[%add3A_208, %add3A_223], %gather3A_224 : memref<128x128xf32, #tpu.memory_space<vmem>>[vector<16xi32>, vector<16xi32>], vector<16xf32>,
          %add3A_232 = arith.constant 16 : i32
          %add3A_233 = vector.broadcast %add3A_232 : i32 to vector<16xi32>
          %add3A_234 = arith.addi %iota3A, %add3A_233 : vector<16xi32>
          %gather3A_235 = tpu.vector_load_idx %arg5[%add3A_234, %add3A_227] : memref<64x128xf32, #tpu.memory_space<vmem>>[vector<16xi32>, vector<16xi32>], vector<16xf32>,
          tpu.vector_store_idx %arg7[%add3A_227, %add3A_230], %gather3A_231 : memref<128x128xf32, #tpu.memory_space<vmem>>[vector<16xi32>, vector<16xi32>], vector<16xf32>,
          %add3A_236 = arith.constant 32 : i32
          %add3A_237 = vector.broadcast %add3A_236 : i32 to vector<16xi32>
          %add3A_238 = arith.addi %iota3A, %add3A_237 : vector<16xi32>
          %gather3A_239 = tpu.vector_load_idx %arg5[%add3A_238, %add3A_227] : memref<64x128xf32, #tpu.memory_space<vmem>>[vector<16xi32>, vector<16xi32>], vector<16xf32>,
          tpu.vector_store_idx %arg7[%add3A_227, %add3A_234], %gather3A_235 : memref<128x128xf32, #tpu.memory_space<vmem>>[vector<16xi32>, vector<16xi32>], vector<16xf32>,
          %add3A_240 = arith.constant 48 : i32
          %add3A_241 = vector.broadcast %add3A_240 : i32 to vector<16xi32>
          %add3A_242 = arith.addi %iota3A, %add3A_241 : vector<16xi32>
          %gather3A_243 = tpu.vector_load_idx %arg5[%add3A_242, %add3A_227] : memref<64x128xf32, #tpu.memory_space<vmem>>[vector<16xi32>, vector<16xi32>], vector<16xf32>,
          tpu.vector_store_idx %arg7[%add3A_227, %add3A_238], %gather3A_239 : memref<128x128xf32, #tpu.memory_space<vmem>>[vector<16xi32>, vector<16xi32>], vector<16xf32>,
          %add3A_244 = arith.constant 1 : i32
          %add3A_245 = arith.addi %add3A_86, %add3A_244 : i32
          %add3A_246 = vector.broadcast %add3A_245 : i32 to vector<16xi32>
          %add3A_247 = arith.addi %iota3A, %add3A_246 : vector<16xi32>
          %and3A_248 = arith.constant 15 : i32
          %and3A_249 = vector.broadcast %and3A_248 : i32 to vector<16xi32>
          %and3A_250 = arith.andi %add3A_247, %and3A_249 : vector<16xi32>
          %add3A_251 = arith.constant 0 : i32
          %add3A_252 = vector.broadcast %add3A_251 : i32 to vector<16xi32>
          %add3A_253 = arith.addi %and3A_250, %add3A_252 : vector<16xi32>
          %add3A_254 = arith.constant 0 : i32
          %add3A_255 = vector.broadcast %add3A_254 : i32 to vector<16xi32>
          %add3A_256 = arith.addi %iota3A, %add3A_255 : vector<16xi32>
          %gather3A_257 = tpu.vector_load_idx %arg5[%add3A_256, %add3A_253] : memref<64x128xf32, #tpu.memory_space<vmem>>[vector<16xi32>, vector<16xi32>], vector<16xf32>,
          tpu.vector_store_idx %arg7[%add3A_227, %add3A_242], %gather3A_243 : memref<128x128xf32, #tpu.memory_space<vmem>>[vector<16xi32>, vector<16xi32>], vector<16xf32>,
          %add3A_258 = arith.constant 16 : i32
          %add3A_259 = vector.broadcast %add3A_258 : i32 to vector<16xi32>
          %add3A_260 = arith.addi %iota3A, %add3A_259 : vector<16xi32>
          %gather3A_261 = tpu.vector_load_idx %arg5[%add3A_260, %add3A_253] : memref<64x128xf32, #tpu.memory_space<vmem>>[vector<16xi32>, vector<16xi32>], vector<16xf32>,
          tpu.vector_store_idx %arg7[%add3A_253, %add3A_256], %gather3A_257 : memref<128x128xf32, #tpu.memory_space<vmem>>[vector<16xi32>, vector<16xi32>], vector<16xf32>,
          %add3A_262 = arith.constant 32 : i32
          %add3A_263 = vector.broadcast %add3A_262 : i32 to vector<16xi32>
          %add3A_264 = arith.addi %iota3A, %add3A_263 : vector<16xi32>
          %gather3A_265 = tpu.vector_load_idx %arg5[%add3A_264, %add3A_253] : memref<64x128xf32, #tpu.memory_space<vmem>>[vector<16xi32>, vector<16xi32>], vector<16xf32>,
          tpu.vector_store_idx %arg7[%add3A_253, %add3A_260], %gather3A_261 : memref<128x128xf32, #tpu.memory_space<vmem>>[vector<16xi32>, vector<16xi32>], vector<16xf32>,
          %add3A_266 = arith.constant 48 : i32
          %add3A_267 = vector.broadcast %add3A_266 : i32 to vector<16xi32>
          %add3A_268 = arith.addi %iota3A, %add3A_267 : vector<16xi32>
          %gather3A_269 = tpu.vector_load_idx %arg5[%add3A_268, %add3A_253] : memref<64x128xf32, #tpu.memory_space<vmem>>[vector<16xi32>, vector<16xi32>], vector<16xf32>,
          tpu.vector_store_idx %arg7[%add3A_253, %add3A_264], %gather3A_265 : memref<128x128xf32, #tpu.memory_space<vmem>>[vector<16xi32>, vector<16xi32>], vector<16xf32>,
          %add3A_270 = arith.constant 16 : i32
          %add3A_271 = vector.broadcast %add3A_270 : i32 to vector<16xi32>
          %add3A_272 = arith.addi %and3A_250, %add3A_271 : vector<16xi32>
          %add3A_273 = arith.constant 0 : i32
          %add3A_274 = vector.broadcast %add3A_273 : i32 to vector<16xi32>
          %add3A_275 = arith.addi %iota3A, %add3A_274 : vector<16xi32>
          %gather3A_276 = tpu.vector_load_idx %arg5[%add3A_275, %add3A_272] : memref<64x128xf32, #tpu.memory_space<vmem>>[vector<16xi32>, vector<16xi32>], vector<16xf32>,
          tpu.vector_store_idx %arg7[%add3A_253, %add3A_268], %gather3A_269 : memref<128x128xf32, #tpu.memory_space<vmem>>[vector<16xi32>, vector<16xi32>], vector<16xf32>,
          %add3A_277 = arith.constant 16 : i32
          %add3A_278 = vector.broadcast %add3A_277 : i32 to vector<16xi32>
          %add3A_279 = arith.addi %iota3A, %add3A_278 : vector<16xi32>
          %gather3A_280 = tpu.vector_load_idx %arg5[%add3A_279, %add3A_272] : memref<64x128xf32, #tpu.memory_space<vmem>>[vector<16xi32>, vector<16xi32>], vector<16xf32>,
          tpu.vector_store_idx %arg7[%add3A_272, %add3A_275], %gather3A_276 : memref<128x128xf32, #tpu.memory_space<vmem>>[vector<16xi32>, vector<16xi32>], vector<16xf32>,
          %add3A_281 = arith.constant 32 : i32
          %add3A_282 = vector.broadcast %add3A_281 : i32 to vector<16xi32>
          %add3A_283 = arith.addi %iota3A, %add3A_282 : vector<16xi32>
          %gather3A_284 = tpu.vector_load_idx %arg5[%add3A_283, %add3A_272] : memref<64x128xf32, #tpu.memory_space<vmem>>[vector<16xi32>, vector<16xi32>], vector<16xf32>,
          tpu.vector_store_idx %arg7[%add3A_272, %add3A_279], %gather3A_280 : memref<128x128xf32, #tpu.memory_space<vmem>>[vector<16xi32>, vector<16xi32>], vector<16xf32>,
          %add3A_285 = arith.constant 48 : i32
          %add3A_286 = vector.broadcast %add3A_285 : i32 to vector<16xi32>
          %add3A_287 = arith.addi %iota3A, %add3A_286 : vector<16xi32>
          %gather3A_288 = tpu.vector_load_idx %arg5[%add3A_287, %add3A_272] : memref<64x128xf32, #tpu.memory_space<vmem>>[vector<16xi32>, vector<16xi32>], vector<16xf32>,
          tpu.vector_store_idx %arg7[%add3A_272, %add3A_283], %gather3A_284 : memref<128x128xf32, #tpu.memory_space<vmem>>[vector<16xi32>, vector<16xi32>], vector<16xf32>,
          %add3A_289 = arith.constant 32 : i32
          %add3A_290 = vector.broadcast %add3A_289 : i32 to vector<16xi32>
          %add3A_291 = arith.addi %and3A_250, %add3A_290 : vector<16xi32>
          %add3A_292 = arith.constant 0 : i32
          %add3A_293 = vector.broadcast %add3A_292 : i32 to vector<16xi32>
          %add3A_294 = arith.addi %iota3A, %add3A_293 : vector<16xi32>
          %gather3A_295 = tpu.vector_load_idx %arg5[%add3A_294, %add3A_291] : memref<64x128xf32, #tpu.memory_space<vmem>>[vector<16xi32>, vector<16xi32>], vector<16xf32>,
          tpu.vector_store_idx %arg7[%add3A_272, %add3A_287], %gather3A_288 : memref<128x128xf32, #tpu.memory_space<vmem>>[vector<16xi32>, vector<16xi32>], vector<16xf32>,
          %add3A_296 = arith.constant 16 : i32
          %add3A_297 = vector.broadcast %add3A_296 : i32 to vector<16xi32>
          %add3A_298 = arith.addi %iota3A, %add3A_297 : vector<16xi32>
          %gather3A_299 = tpu.vector_load_idx %arg5[%add3A_298, %add3A_291] : memref<64x128xf32, #tpu.memory_space<vmem>>[vector<16xi32>, vector<16xi32>], vector<16xf32>,
          tpu.vector_store_idx %arg7[%add3A_291, %add3A_294], %gather3A_295 : memref<128x128xf32, #tpu.memory_space<vmem>>[vector<16xi32>, vector<16xi32>], vector<16xf32>,
          %add3A_300 = arith.constant 32 : i32
          %add3A_301 = vector.broadcast %add3A_300 : i32 to vector<16xi32>
          %add3A_302 = arith.addi %iota3A, %add3A_301 : vector<16xi32>
          %gather3A_303 = tpu.vector_load_idx %arg5[%add3A_302, %add3A_291] : memref<64x128xf32, #tpu.memory_space<vmem>>[vector<16xi32>, vector<16xi32>], vector<16xf32>,
          tpu.vector_store_idx %arg7[%add3A_291, %add3A_298], %gather3A_299 : memref<128x128xf32, #tpu.memory_space<vmem>>[vector<16xi32>, vector<16xi32>], vector<16xf32>,
          %add3A_304 = arith.constant 48 : i32
          %add3A_305 = vector.broadcast %add3A_304 : i32 to vector<16xi32>
          %add3A_306 = arith.addi %iota3A, %add3A_305 : vector<16xi32>
          %gather3A_307 = tpu.vector_load_idx %arg5[%add3A_306, %add3A_291] : memref<64x128xf32, #tpu.memory_space<vmem>>[vector<16xi32>, vector<16xi32>], vector<16xf32>,
          tpu.vector_store_idx %arg7[%add3A_291, %add3A_302], %gather3A_303 : memref<128x128xf32, #tpu.memory_space<vmem>>[vector<16xi32>, vector<16xi32>], vector<16xf32>,
          %add3A_308 = arith.constant 48 : i32
          %add3A_309 = vector.broadcast %add3A_308 : i32 to vector<16xi32>
          %add3A_310 = arith.addi %and3A_250, %add3A_309 : vector<16xi32>
          %add3A_311 = arith.constant 0 : i32
          %add3A_312 = vector.broadcast %add3A_311 : i32 to vector<16xi32>
          %add3A_313 = arith.addi %iota3A, %add3A_312 : vector<16xi32>
          %gather3A_314 = tpu.vector_load_idx %arg5[%add3A_313, %add3A_310] : memref<64x128xf32, #tpu.memory_space<vmem>>[vector<16xi32>, vector<16xi32>], vector<16xf32>,
          tpu.vector_store_idx %arg7[%add3A_291, %add3A_306], %gather3A_307 : memref<128x128xf32, #tpu.memory_space<vmem>>[vector<16xi32>, vector<16xi32>], vector<16xf32>,
          %add3A_315 = arith.constant 16 : i32
          %add3A_316 = vector.broadcast %add3A_315 : i32 to vector<16xi32>
          %add3A_317 = arith.addi %iota3A, %add3A_316 : vector<16xi32>
          %gather3A_318 = tpu.vector_load_idx %arg5[%add3A_317, %add3A_310] : memref<64x128xf32, #tpu.memory_space<vmem>>[vector<16xi32>, vector<16xi32>], vector<16xf32>,
          tpu.vector_store_idx %arg7[%add3A_310, %add3A_313], %gather3A_314 : memref<128x128xf32, #tpu.memory_space<vmem>>[vector<16xi32>, vector<16xi32>], vector<16xf32>,
          %add3A_319 = arith.constant 32 : i32
          %add3A_320 = vector.broadcast %add3A_319 : i32 to vector<16xi32>
          %add3A_321 = arith.addi %iota3A, %add3A_320 : vector<16xi32>
          %gather3A_322 = tpu.vector_load_idx %arg5[%add3A_321, %add3A_310] : memref<64x128xf32, #tpu.memory_space<vmem>>[vector<16xi32>, vector<16xi32>], vector<16xf32>,
          tpu.vector_store_idx %arg7[%add3A_310, %add3A_317], %gather3A_318 : memref<128x128xf32, #tpu.memory_space<vmem>>[vector<16xi32>, vector<16xi32>], vector<16xf32>,
          %add3A_323 = arith.constant 48 : i32
          %add3A_324 = vector.broadcast %add3A_323 : i32 to vector<16xi32>
          %add3A_325 = arith.addi %iota3A, %add3A_324 : vector<16xi32>
          %gather3A_326 = tpu.vector_load_idx %arg5[%add3A_325, %add3A_310] : memref<64x128xf32, #tpu.memory_space<vmem>>[vector<16xi32>, vector<16xi32>], vector<16xf32>,
          tpu.vector_store_idx %arg7[%add3A_310, %add3A_321], %gather3A_322 : memref<128x128xf32, #tpu.memory_space<vmem>>[vector<16xi32>, vector<16xi32>], vector<16xf32>,
          %add3A_327 = arith.constant 64 : i32
          %add3A_328 = vector.broadcast %add3A_327 : i32 to vector<16xi32>
          %add3A_329 = arith.addi %and3A_250, %add3A_328 : vector<16xi32>
          %add3A_330 = arith.constant 0 : i32
          %add3A_331 = vector.broadcast %add3A_330 : i32 to vector<16xi32>
          %add3A_332 = arith.addi %iota3A, %add3A_331 : vector<16xi32>
          %gather3A_333 = tpu.vector_load_idx %arg5[%add3A_332, %add3A_329] : memref<64x128xf32, #tpu.memory_space<vmem>>[vector<16xi32>, vector<16xi32>], vector<16xf32>,
          tpu.vector_store_idx %arg7[%add3A_310, %add3A_325], %gather3A_326 : memref<128x128xf32, #tpu.memory_space<vmem>>[vector<16xi32>, vector<16xi32>], vector<16xf32>,
          %add3A_334 = arith.constant 16 : i32
          %add3A_335 = vector.broadcast %add3A_334 : i32 to vector<16xi32>
          %add3A_336 = arith.addi %iota3A, %add3A_335 : vector<16xi32>
          %gather3A_337 = tpu.vector_load_idx %arg5[%add3A_336, %add3A_329] : memref<64x128xf32, #tpu.memory_space<vmem>>[vector<16xi32>, vector<16xi32>], vector<16xf32>,
          tpu.vector_store_idx %arg7[%add3A_329, %add3A_332], %gather3A_333 : memref<128x128xf32, #tpu.memory_space<vmem>>[vector<16xi32>, vector<16xi32>], vector<16xf32>,
          %add3A_338 = arith.constant 32 : i32
          %add3A_339 = vector.broadcast %add3A_338 : i32 to vector<16xi32>
          %add3A_340 = arith.addi %iota3A, %add3A_339 : vector<16xi32>
          %gather3A_341 = tpu.vector_load_idx %arg5[%add3A_340, %add3A_329] : memref<64x128xf32, #tpu.memory_space<vmem>>[vector<16xi32>, vector<16xi32>], vector<16xf32>,
          tpu.vector_store_idx %arg7[%add3A_329, %add3A_336], %gather3A_337 : memref<128x128xf32, #tpu.memory_space<vmem>>[vector<16xi32>, vector<16xi32>], vector<16xf32>,
          %add3A_342 = arith.constant 48 : i32
          %add3A_343 = vector.broadcast %add3A_342 : i32 to vector<16xi32>
          %add3A_344 = arith.addi %iota3A, %add3A_343 : vector<16xi32>
          %gather3A_345 = tpu.vector_load_idx %arg5[%add3A_344, %add3A_329] : memref<64x128xf32, #tpu.memory_space<vmem>>[vector<16xi32>, vector<16xi32>], vector<16xf32>,
          tpu.vector_store_idx %arg7[%add3A_329, %add3A_340], %gather3A_341 : memref<128x128xf32, #tpu.memory_space<vmem>>[vector<16xi32>, vector<16xi32>], vector<16xf32>,
          %add3A_346 = arith.constant 80 : i32
          %add3A_347 = vector.broadcast %add3A_346 : i32 to vector<16xi32>
          %add3A_348 = arith.addi %and3A_250, %add3A_347 : vector<16xi32>
          %add3A_349 = arith.constant 0 : i32
          %add3A_350 = vector.broadcast %add3A_349 : i32 to vector<16xi32>
          %add3A_351 = arith.addi %iota3A, %add3A_350 : vector<16xi32>
          %gather3A_352 = tpu.vector_load_idx %arg5[%add3A_351, %add3A_348] : memref<64x128xf32, #tpu.memory_space<vmem>>[vector<16xi32>, vector<16xi32>], vector<16xf32>,
          tpu.vector_store_idx %arg7[%add3A_329, %add3A_344], %gather3A_345 : memref<128x128xf32, #tpu.memory_space<vmem>>[vector<16xi32>, vector<16xi32>], vector<16xf32>,
          %add3A_353 = arith.constant 16 : i32
          %add3A_354 = vector.broadcast %add3A_353 : i32 to vector<16xi32>
          %add3A_355 = arith.addi %iota3A, %add3A_354 : vector<16xi32>
          %gather3A_356 = tpu.vector_load_idx %arg5[%add3A_355, %add3A_348] : memref<64x128xf32, #tpu.memory_space<vmem>>[vector<16xi32>, vector<16xi32>], vector<16xf32>,
          tpu.vector_store_idx %arg7[%add3A_348, %add3A_351], %gather3A_352 : memref<128x128xf32, #tpu.memory_space<vmem>>[vector<16xi32>, vector<16xi32>], vector<16xf32>,
          %add3A_357 = arith.constant 32 : i32
          %add3A_358 = vector.broadcast %add3A_357 : i32 to vector<16xi32>
          %add3A_359 = arith.addi %iota3A, %add3A_358 : vector<16xi32>
          %gather3A_360 = tpu.vector_load_idx %arg5[%add3A_359, %add3A_348] : memref<64x128xf32, #tpu.memory_space<vmem>>[vector<16xi32>, vector<16xi32>], vector<16xf32>,
          tpu.vector_store_idx %arg7[%add3A_348, %add3A_355], %gather3A_356 : memref<128x128xf32, #tpu.memory_space<vmem>>[vector<16xi32>, vector<16xi32>], vector<16xf32>,
          %add3A_361 = arith.constant 48 : i32
          %add3A_362 = vector.broadcast %add3A_361 : i32 to vector<16xi32>
          %add3A_363 = arith.addi %iota3A, %add3A_362 : vector<16xi32>
          %gather3A_364 = tpu.vector_load_idx %arg5[%add3A_363, %add3A_348] : memref<64x128xf32, #tpu.memory_space<vmem>>[vector<16xi32>, vector<16xi32>], vector<16xf32>,
          tpu.vector_store_idx %arg7[%add3A_348, %add3A_359], %gather3A_360 : memref<128x128xf32, #tpu.memory_space<vmem>>[vector<16xi32>, vector<16xi32>], vector<16xf32>,
          %add3A_365 = arith.constant 96 : i32
          %add3A_366 = vector.broadcast %add3A_365 : i32 to vector<16xi32>
          %add3A_367 = arith.addi %and3A_250, %add3A_366 : vector<16xi32>
          %add3A_368 = arith.constant 0 : i32
          %add3A_369 = vector.broadcast %add3A_368 : i32 to vector<16xi32>
          %add3A_370 = arith.addi %iota3A, %add3A_369 : vector<16xi32>
          %gather3A_371 = tpu.vector_load_idx %arg5[%add3A_370, %add3A_367] : memref<64x128xf32, #tpu.memory_space<vmem>>[vector<16xi32>, vector<16xi32>], vector<16xf32>,
          tpu.vector_store_idx %arg7[%add3A_348, %add3A_363], %gather3A_364 : memref<128x128xf32, #tpu.memory_space<vmem>>[vector<16xi32>, vector<16xi32>], vector<16xf32>,
          %add3A_372 = arith.constant 16 : i32
          %add3A_373 = vector.broadcast %add3A_372 : i32 to vector<16xi32>
          %add3A_374 = arith.addi %iota3A, %add3A_373 : vector<16xi32>
          %gather3A_375 = tpu.vector_load_idx %arg5[%add3A_374, %add3A_367] : memref<64x128xf32, #tpu.memory_space<vmem>>[vector<16xi32>, vector<16xi32>], vector<16xf32>,
          tpu.vector_store_idx %arg7[%add3A_367, %add3A_370], %gather3A_371 : memref<128x128xf32, #tpu.memory_space<vmem>>[vector<16xi32>, vector<16xi32>], vector<16xf32>,
          %add3A_376 = arith.constant 32 : i32
          %add3A_377 = vector.broadcast %add3A_376 : i32 to vector<16xi32>
          %add3A_378 = arith.addi %iota3A, %add3A_377 : vector<16xi32>
          %gather3A_379 = tpu.vector_load_idx %arg5[%add3A_378, %add3A_367] : memref<64x128xf32, #tpu.memory_space<vmem>>[vector<16xi32>, vector<16xi32>], vector<16xf32>,
          tpu.vector_store_idx %arg7[%add3A_367, %add3A_374], %gather3A_375 : memref<128x128xf32, #tpu.memory_space<vmem>>[vector<16xi32>, vector<16xi32>], vector<16xf32>,
          %add3A_380 = arith.constant 48 : i32
          %add3A_381 = vector.broadcast %add3A_380 : i32 to vector<16xi32>
          %add3A_382 = arith.addi %iota3A, %add3A_381 : vector<16xi32>
          %gather3A_383 = tpu.vector_load_idx %arg5[%add3A_382, %add3A_367] : memref<64x128xf32, #tpu.memory_space<vmem>>[vector<16xi32>, vector<16xi32>], vector<16xf32>,
          tpu.vector_store_idx %arg7[%add3A_367, %add3A_378], %gather3A_379 : memref<128x128xf32, #tpu.memory_space<vmem>>[vector<16xi32>, vector<16xi32>], vector<16xf32>,
          %add3A_384 = arith.constant 112 : i32
          %add3A_385 = vector.broadcast %add3A_384 : i32 to vector<16xi32>
          %add3A_386 = arith.addi %and3A_250, %add3A_385 : vector<16xi32>
          %add3A_387 = arith.constant 0 : i32
          %add3A_388 = vector.broadcast %add3A_387 : i32 to vector<16xi32>
          %add3A_389 = arith.addi %iota3A, %add3A_388 : vector<16xi32>
          %gather3A_390 = tpu.vector_load_idx %arg5[%add3A_389, %add3A_386] : memref<64x128xf32, #tpu.memory_space<vmem>>[vector<16xi32>, vector<16xi32>], vector<16xf32>,
          tpu.vector_store_idx %arg7[%add3A_367, %add3A_382], %gather3A_383 : memref<128x128xf32, #tpu.memory_space<vmem>>[vector<16xi32>, vector<16xi32>], vector<16xf32>,
          %add3A_391 = arith.constant 16 : i32
          %add3A_392 = vector.broadcast %add3A_391 : i32 to vector<16xi32>
          %add3A_393 = arith.addi %iota3A, %add3A_392 : vector<16xi32>
          %gather3A_394 = tpu.vector_load_idx %arg5[%add3A_393, %add3A_386] : memref<64x128xf32, #tpu.memory_space<vmem>>[vector<16xi32>, vector<16xi32>], vector<16xf32>,
          tpu.vector_store_idx %arg7[%add3A_386, %add3A_389], %gather3A_390 : memref<128x128xf32, #tpu.memory_space<vmem>>[vector<16xi32>, vector<16xi32>], vector<16xf32>,
          %add3A_395 = arith.constant 32 : i32
          %add3A_396 = vector.broadcast %add3A_395 : i32 to vector<16xi32>
          %add3A_397 = arith.addi %iota3A, %add3A_396 : vector<16xi32>
          %gather3A_398 = tpu.vector_load_idx %arg5[%add3A_397, %add3A_386] : memref<64x128xf32, #tpu.memory_space<vmem>>[vector<16xi32>, vector<16xi32>], vector<16xf32>,
          tpu.vector_store_idx %arg7[%add3A_386, %add3A_393], %gather3A_394 : memref<128x128xf32, #tpu.memory_space<vmem>>[vector<16xi32>, vector<16xi32>], vector<16xf32>,
          %add3A_399 = arith.constant 48 : i32
          %add3A_400 = vector.broadcast %add3A_399 : i32 to vector<16xi32>
          %add3A_401 = arith.addi %iota3A, %add3A_400 : vector<16xi32>
          %gather3A_402 = tpu.vector_load_idx %arg5[%add3A_401, %add3A_386] : memref<64x128xf32, #tpu.memory_space<vmem>>[vector<16xi32>, vector<16xi32>], vector<16xf32>,
          tpu.vector_store_idx %arg7[%add3A_386, %add3A_397], %gather3A_398 : memref<128x128xf32, #tpu.memory_space<vmem>>[vector<16xi32>, vector<16xi32>], vector<16xf32>,
          tpu.vector_store_idx %arg7[%add3A_386, %add3A_401], %gather3A_402 : memref<128x128xf32, #tpu.memory_space<vmem>>[vector<16xi32>, vector<16xi32>], vector<16xf32>,
        }
        %scan3A_68 = arith.constant 8 : i32
        %dma_start3A = arith.constant 0 : i32
        %dma_start3A_69 = tpu.memref_slice %arg3[%multiple_of3A, %dma_start3A] : memref<100096x128xf32, #tpu.memory_space<hbm>> -> memref<128x128xf32, #tpu.memory_space<hbm>>
        %dma_start3A_70 = arith.constant 0 : i32
        %dma_start3A_71 = tpu.memref_slice %arg3[%multiple_of3A, %dma_start3A_70] : memref<100096x128xf32, #tpu.memory_space<hbm>> -> memref<128x128xf32, #tpu.memory_space<hbm>>
        tpu.enqueue_dma source(%arg7 : memref<128x128xf32, #tpu.memory_space<vmem>>) target(%dma_start3A_71 : memref<128x128xf32, #tpu.memory_space<hbm>>) target_semaphore(%arg11 : memref<!tpu.dma_semaphore, #tpu.memory_space<semaphore_mem>>)
        %add3A_72 = arith.constant 2 : i32
        %add3A_73 = arith.addi %add3A_43, %add3A_72 : i32
        %mul3A_74 = arith.constant 32 : i32
        %mul3A_75 = arith.muli %mul3A_74, %add3A_73 : i32
        %add3A_76 = arith.addi %add3A, %mul3A_75 : i32
        %lt3A_77 = arith.constant 782 : i32
        %lt3A_78 = arith.cmpi slt, %add3A_76, %lt3A_77 : i32
        %convert_element_type3A_79 = arith.extui %lt3A_78 : i1 to i32
        %cond3A_80 = arith.constant 0 : i32
        %cond3A_81 = arith.cmpi ne, %convert_element_type3A_79, %cond3A_80 : i32
        scf.if %cond3A_81 {
          %mul3A_82 = arith.constant 128 : i32
          %mul3A_83 = arith.muli %add3A_76, %mul3A_82 : i32
          %multiple_of3A_84 = tpu.assume_multiple %mul3A_83, 128 : i32
          %dma_start3A_85 = arith.constant 0 : i32
          %dma_start3A_86 = tpu.memref_slice %arg2[%dma_start3A_85, %multiple_of3A_84] : memref<64x100000xf32, #tpu.memory_space<hbm>> -> memref<64x128xf32, #tpu.memory_space<hbm>>
          %dma_start3A_87 = arith.constant 0 : i32
          %dma_start3A_88 = tpu.memref_slice %arg2[%dma_start3A_87, %multiple_of3A_84] : memref<64x100000xf32, #tpu.memory_space<hbm>> -> memref<64x128xf32, #tpu.memory_space<hbm>>
          tpu.enqueue_dma source(%dma_start3A_88 : memref<64x128xf32, #tpu.memory_space<hbm>>) target(%arg5 : memref<64x128xf32, #tpu.memory_space<vmem>>) target_semaphore(%arg9 : memref<!tpu.dma_semaphore, #tpu.memory_space<semaphore_mem>>)
        } else {
        }
      } else {
      }
    }
    %scan3A_15 = arith.constant 13 : i32
    %dma_wait3A = arith.constant 0 : i32
    %dma_wait3A_16 = arith.constant 0 : i32
    %dma_wait3A_17 = tpu.memref_slice %arg3[%dma_wait3A, %dma_wait3A_16] : memref<100096x128xf32, #tpu.memory_space<hbm>> -> memref<128x128xf32, #tpu.memory_space<hbm>>
    %dma_wait3A_18 = arith.constant 0 : i32
    %dma_wait3A_19 = arith.constant 0 : i32
    %dma_wait3A_20 = tpu.memref_slice %arg3[%dma_wait3A_18, %dma_wait3A_19] : memref<100096x128xf32, #tpu.memory_space<hbm>> -> memref<128x128xf32, #tpu.memory_space<hbm>>
    tpu.wait_dma2 semaphore(%arg10 : memref<!tpu.dma_semaphore, #tpu.memory_space<semaphore_mem>>) src(%arg6 : memref<128x128xf32, #tpu.memory_space<vmem>>) dst(%dma_wait3A_20 : memref<128x128xf32, #tpu.memory_space<hbm>>)
    %dma_wait3A_21 = arith.constant 0 : i32
    %dma_wait3A_22 = arith.constant 0 : i32
    %dma_wait3A_23 = tpu.memref_slice %arg3[%dma_wait3A_21, %dma_wait3A_22] : memref<100096x128xf32, #tpu.memory_space<hbm>> -> memref<128x128xf32, #tpu.memory_space<hbm>>
    %dma_wait3A_24 = arith.constant 0 : i32
    %dma_wait3A_25 = arith.constant 0 : i32
    %dma_wait3A_26 = tpu.memref_slice %arg3[%dma_wait3A_24, %dma_wait3A_25] : memref<100096x128xf32, #tpu.memory_space<hbm>> -> memref<128x128xf32, #tpu.memory_space<hbm>>
    tpu.wait_dma2 semaphore(%arg11 : memref<!tpu.dma_semaphore, #tpu.memory_space<semaphore_mem>>) src(%arg7 : memref<128x128xf32, #tpu.memory_space<vmem>>) dst(%dma_wait3A_26 : memref<128x128xf32, #tpu.memory_space<hbm>>)
    return
  }
}

</mosaic_0001>

<sc_bundles>
// kernel: _format_table.3.cloned.1.call-start
scs
__scs_entry_jumppad:
0x0: {  	(pc) =	sbr.rel $0x88, $3  }
0x1: {  	(tag) =	ssettag $0x0;
	lr =	simm.s32 $0x1  }
0x2: {  	[smem:$0x3FA0] =	sst lr;
	_ =	strace $0xD0000000  }
0x3: {  	_ = 	snop  }
0x4: {  	_ = 	snop  }
0x5: {  	_ = 	snop  }
0x6: {  	_ = 	snop  }
0x7: {  	_ = 	snop  }
__scs_overlays_trampoline_lowered:
0x8: {  	[smem:$0x3FAF] =	sst s0  }
0x9: {  	[smem:$0x3FB0] =	sst s1  }
0xa: {  	[smem:$0x3FB1] =	sst s2  }
0xb: {  	[smem:$0x3FB2] =	sst s3  }
0xc: {  	[smem:$0x3FB3] =	sst s4  }
0xd: {  	[smem:$0x3FB4] =	sst s5  }
0xe: {  	[smem:$0x3FB5] =	sst s6  }
0xf: {  	[smem:$0x3FB6] =	sst s7  }
0x10: {  	[smem:$0x3FB7] =	sst s8  }
0x11: {  	[smem:$0x3FB8] =	sst s9;
	s0 =	simm.s32 @!p0 $0x0  }
0x12: {  	s1 =	sld [smem:$0x3F9E];
	s0 =	simm.s32 @p0 $0x1  }
0x13: {  	[smem:$0x3FB9] =	sst s0;
	s0 =	simm.s32 @!p1 $0x0  }
0x14: {  	s2 =	sld [smem:$0x3F9D];
	s0 =	simm.s32 @p1 $0x1  }
0x15: {  	[smem:$0x3FBA] =	sst s0;
	s0 =	simm.s32 @!p2 $0x0  }
0x16: {  	s3 =	sld [smem:$0x3FDB];
	s0 =	simm.s32 @p2 $0x1  }
0x17: {  	s4 =	simm.s32 $0x1BF5;
	[smem:$0x3FBC] =	sst s0  }
0x18: {  	s0 =	sld [smem:$0x3F9F];
	_ =	swait.ge [sflag:s4], $0x0  }
0x19: {  	s7 =	sld [smem:$0x3FA0]  }
0x1a: {  	s8 =	sadd.s32 $0xFFFFE003, lr  }
0x1b: {  	s9 =	sadd.s32 $0xFFFFFEF7, lr;
	s5 =	simm.s32 $0xFFFFFFFF;
	p2 =	slt.u32 s8, $0xFFFFF086  }
0x1c: {  	p1 =	slt.u32 s9, $0xF7A;
	s5 =	simm.s32 @!p2 $0x0  }
0x1d: {  	s5 =	simm.s32 @p1 $0x1;
	p0 =	seq.s32 s7, s2  }
0x1e: {  	s7 =	smul.u32 @!p0 $0xF7A, s2;
	p2 =	seq.s32 @!p0 s5, $0x0  }
0x1f: {  	s9 =	smul.u32 $0xF7A, s1;
	s8 =	simm.s32 @!p0 $0x1BF5;
	p2 =	por !p2, p0  }
0x20: {  	[sflag:s8] =	ssyncset.s32 @!p0 $0xFFFFF086;
	s6 =	sadd.s32 @!p0 s3, s7;
	s7 =	simm.s32 @!p0 $0x108  }
0x21: {  	s3 =	sadd.s32 s3, s9;
	s6 =	sadd.s32 @!p0 $0x88, s6;
	s7 =	simm.s32 @p2 $0x1082  }
0x22: {  	[simem:s7], [sflag:s8] =	dma.local @!p0 [hbm:s6], $0xF7A  }
0x23: {  	s9 =	sor.u32 $0xD0000000, s2;
	s6 =	simm.s32 $0x108;
	_ =	swait.ge @!p0 [sflag:s8], $0x0  }
0x24: {  	s3 =	sadd.s32 $0x88, s3;
	s6 =	simm.s32 @!p1 $0x1082;
	[sflag:s4] =	ssyncset.s32 $0xFFFFF086  }
0x25: {  	[simem:s6], [sflag:s4] =	dma.local [hbm:s3], $0xF7A  }
0x26: {  	[smem:$0x3FA0] =	sst s1;
	(tag) =	ssettag s2;
	_ =	strace s9  }
0x27: {  	s1 =	sld [smem:$0x3FB0]  }
0x28: {  	s2 =	sld [smem:$0x3FB1]  }
0x29: {  	s4 =	sld [smem:$0x3FB3]  }
0x2a: {  	p0 =	seq.s32 s5, $0x0;
	s5 =	sld [smem:$0x3FB4]  }
0x2b: {  	s6 =	sld [smem:$0x3FB5]  }
0x2c: {  	s7 =	sld [smem:$0x3FB6]  }
0x2d: {  	s3 =	simm.s32 $0x108;
	s8 =	sld [smem:$0x3FB7]  }
0x2e: {  	s3 =	simm.s32 @!p0 $0x1082;
	s9 =	sld [smem:$0x3FB8]  }
0x2f: {  	lr =	sadd.s32 s0, s3;
	s0 =	sld [smem:$0x3FAF]  }
0x30: {  	s3 =	sld [smem:$0x3FB2]  }
0x31: {  	[smem:$0x3FBB] =	sst s10  }
0x32: {  	s10 =	sld [smem:$0x3FB9];
	_ =	sdelay $0x3  }
0x33: {  	p0 =	seq.s32 s10, $0x1;
	s10 =	sld [smem:$0x3FBB];
	_ =	sdelay $0x3  }
0x34: {  	[smem:$0x3FBB] =	sst s10  }
0x35: {  	s10 =	sld [smem:$0x3FBA];
	_ =	sdelay $0x3  }
0x36: {  	p1 =	seq.s32 s10, $0x1;
	s10 =	sld [smem:$0x3FBB];
	_ =	sdelay $0x3  }
0x37: {  	[smem:$0x3FBB] =	sst s10  }
0x38: {  	s10 =	sld [smem:$0x3FBC]  }
0x39: {  	_ = 	snop;
	(pc) =	sbr.ind lr, $3  }
0x3a: {  	_ = 	snop  }
0x3b: {  	_ = 	snop  }
0x3c: {  	p2 =	seq.s32 s10, $0x1;
	s10 =	sld [smem:$0x3FBB]  }
0x3d: {  	_ =	shalt  }
0x3e: {  	_ =	shalt  }
0x3f: {  	_ =	shalt  }
0x40: {  	_ =	shalt  }
0x41: {  	_ =	shalt  }
0x42: {  	_ =	shalt  }
0x43: {  	_ =	shalt  }
0x44: {  	_ =	shalt  }
0x45: {  	_ =	shalt  }
0x46: {  	_ =	shalt  }
0x47: {  	_ =	shalt  }
0x48: {  	_ =	shalt  }
0x49: {  	_ =	shalt  }
0x4a: {  	_ =	shalt  }
0x4b: {  	_ =	shalt  }
0x4c: {  	_ =	shalt  }
0x4d: {  	_ =	shalt  }
0x4e: {  	_ =	shalt  }
0x4f: {  	_ =	shalt  }
0x50: {  	_ =	shalt  }
0x51: {  	_ =	shalt  }
0x52: {  	_ =	shalt  }
0x53: {  	_ =	shalt  }
0x54: {  	_ =	shalt  }
0x55: {  	_ =	shalt  }
0x56: {  	_ =	shalt  }
0x57: {  	_ =	shalt  }
0x58: {  	_ =	shalt  }
0x59: {  	_ =	shalt  }
0x5a: {  	_ =	shalt  }
0x5b: {  	_ =	shalt  }
0x5c: {  	_ =	shalt  }
0x5d: {  	_ =	shalt  }
0x5e: {  	_ =	shalt  }
0x5f: {  	_ =	shalt  }
0x60: {  	_ =	shalt  }
0x61: {  	_ =	shalt  }
0x62: {  	_ =	shalt  }
0x63: {  	_ =	shalt  }
0x64: {  	_ =	shalt  }
0x65: {  	_ =	shalt  }
0x66: {  	_ =	shalt  }
0x67: {  	_ =	shalt  }
0x68: {  	_ =	shalt  }
0x69: {  	_ =	shalt  }
0x6a: {  	_ =	shalt  }
0x6b: {  	_ =	shalt  }
0x6c: {  	_ =	shalt  }
0x6d: {  	_ =	shalt  }
0x6e: {  	_ =	shalt  }
0x6f: {  	_ =	shalt  }
0x70: {  	_ =	shalt  }
0x71: {  	_ =	shalt  }
0x72: {  	_ =	shalt  }
0x73: {  	_ =	shalt  }
0x74: {  	_ =	shalt  }
0x75: {  	_ =	shalt  }
0x76: {  	_ =	shalt  }
0x77: {  	_ =	shalt  }
0x78: {  	_ =	shalt  }
0x79: {  	_ =	shalt  }
0x7a: {  	_ =	shalt  }
0x7b: {  	_ =	shalt  }
0x7c: {  	_ =	shalt  }
0x7d: {  	_ =	shalt  }
0x7e: {  	_ =	shalt  }
0x7f: {  	_ =	shalt  }
0x80: {  	_ =	shalt  }
0x81: {  	_ =	shalt  }
0x82: {  	_ =	shalt  }
0x83: {  	_ =	shalt  }
0x84: {  	_ =	shalt  }
0x85: {  	_ =	shalt  }
0x86: {  	_ =	shalt  }
0x87: {  	_ =	shalt  }
.Lfunc_end0:
.L_simem_size_0:
called_computation_lowered:
.L_overlay_start_0:
0x88: {  	s2 =	sld [smem:$0x3FD9]  }
0x89: {  	s3 =	sld [smem:$0x3FFE];
	_ =	sdelay $0x1  }
0x8a: {  	s1 =	srdreg.scid  }
0x8b: {  	s0 =	sand.u32 $0x1, s1  }
0x8c: {  	s18 =	sshll.u32 s0, $0xA;
	s2 =	sadd.s32 s3, s2  }
0x8d: {  	s2 =	sadd.s32 s2, s18  }
0x8e: {  	[smem:$0x3FC7] =	sst s2  }
0x8f: {  	_ = 	snop  }
0x90: {  	s2 =	sld [smem:$0x3FC9]  }
0x91: {  	s19 =	sld [smem:$0x3FD0];
	(tm) =	ssettm $0x1  }
0x92: {  	s4 =	sld [smem:$0x3FFB];
	_ =	sdelay $0x3  }
0x93: {  	_ =	strace s4  }
0x94: {  	s4 =	sld [smem:$0x3FFC];
	_ =	sdelay $0x3  }
0x95: {  	_ =	strace s4  }
0x96: {  	s4 =	sld [smem:$0x3FFD];
	_ =	sdelay $0x3  }
0x97: {  	_ =	strace s4  }
0x98: {  	_ =	strace $0x8FFFFFFF  }
0x99: {  	s20 =	sld [smem:$0x3FDB];
	_ =	sdelay $0x1  }
0x9a: {  	s5 =	simm.s32 $_scs_section_size  }
0x9b: {  	s6 =	simm.s32 $_size__tile_overlayer_lowered;
	s7 =	simm.s32 $_tile_overlayer_lowered  }
0x9c: {  	s23 =	simm.s32 $0x1BFF;
	s22 =	sshll.u32 s7, $0x1;
	s4 =	sadd.s32 s5, s20  }
0x9d: {  	s8 =	simm.s32 $0x0;
	s21 =	sshll.u32 s6, $0x1;
	s6 =	sadd.s32 s22, s4  }
0x9e: {  	[timem:s8], [sflag:s23] =	dma.local [hbm:s6], s21  }
0x9f: {  	_ =	swait.ge [sflag:s23], s21  }
0xa0: {  	s5 =	ssub.s32 $0x0, s21;
	[sflag:s23] =	ssyncset.done $0x0  }
0xa1: {  	[sflag:s23] =	ssyncadd.s32 s5;
	_ =	sdelay $0x1  }
0xa2: {  	s24 =	simm.s32 $0x1B8B  }
0xa3: {  	_ =	swait.ge [sflag:s24], $0x1  }
0xa4: {  	[sflag:s24] =	ssyncset.done $0x0  }
0xa5: {  	s25 =	simm.s32 $0x1B8E;
	[sflag:s24] =	ssyncadd.s32 $0xFFFFFFFF  }
0xa6: {  	s26 =	simm.s32 $execute0_lowered;
	[smem:$0x3FD2] =	sst s25  }
0xa7: {  	s5 =	sshll.u32 s26, $0x1;
	_ =	strace $0x80000046;
	[dreg:$0x1] =	wrdreg $0xFFFFFFFF  }
0xa8: {  	s28 =	simm.s32 $_size_execute0_lowered;
	s4 =	sadd.s32 s4, s5;
	[dreg:$0x0] =	wrdreg $0x0  }
0xa9: {  	s5 =	sshll.u32 s28, $0x1;
	[dreg:$0x2] =	wrdreg s4  }
0xaa: {  	[dreg:$0x3] =	wrdreg s5  }
0xab: {  	[dreg:$0x4] =	wrdreg $0xC0  }
0xac: {  	_ =	task [dreg:s8], $0x5FFFF  }
0xad: {  	[dreg:$0x1] =	wrdreg $0xFFFFFFFF  }
0xae: {  	[dreg:$0x0] =	wrdreg $0x60  }
0xaf: {  	[dreg:$0x2] =	wrdreg s2  }
0xb0: {  	[dreg:$0x3] =	wrdreg s19  }
0xb1: {  	[dreg:$0x4] =	wrdreg $0x9  }
0xb2: {  	_ =	task.clear_ibuf [dreg:s8], $0x5FFFF;
	_ =	strace $0x90000046  }
0xb3: {  	s29 =	simm.s32 $0x9;
	_ =	strace $0x80000048  }
0xb4: {  	_ =	swait.ge [sflag:s29], $0x1  }
0xb5: {  	[sflag:s29] =	ssyncadd.s32 $0xFFFFFFFF  }
0xb6: {  	_ =	strace $0x90000048  }
0xb7: {  	_ =	sfence  }
0xb8: {  	s30 =	sld [smem:$0x0];
	_ =	sdelay $0x2  }
0xb9: {  	s31 =	sshll.u32 s1, $0xD;
	s1 =	sshrl.u32 s1, $0x2  }
0xba: {  	s3 =	sand.u32 $0x4000, s31;
	s1 =	sadd.s32 s1, s30  }
0xbb: {  	s0 =	sor.u32 s3, s0;
	s1 =	sshll.u32 s1, $0x11  }
0xbc: {  	s0 =	sor.u32 s1, s0  }
0xbd: {  	s0 =	sadd.s32 $0x8F2B, s0  }
0xbe: {  	[sflag:s0] =	ssyncadd.remote.s32 $0x1  }
0xbf: {  	_ =	sfence.sel $0xFFFF  }
0xc0: {  	[dreg:$0x0] =	wrdreg $0xFFFFFFFF;
	(pc) =	sbr.abs _section_cstart, $3  }
0xc1: {  	[dreg:$0x1] =	wrdreg $0xFFFFFFFF  }
0xc2: {  	_ =	task.clear_ibuf [dreg:s8], $0x2FFFF;
	_ =	strace $0x9FFFFFFF  }
0xc3: {  	(tm) =	ssettm $0x7FFFFFFF  }
tec
execute0_lowered:
.L_overlay_start_1:
0x0: {  	(tag) =	ssettag $0x1  }
0x1: {  	v8 =	vlaneseq.u32  }
0x2: {  	v2 =	vmul.u32 $0x80, v8  }
0x3: {  	v1 =	vor.u32 $0x10, v8  }
0x4: {  	[tilespmem:$0x1FC10] =	vst v1;
	v4 =	vor.u32 $0x1020, v2  }
0x5: {  	[tilespmem:$0x1FC20] =	vst v4;
	v4 =	vor.u32 $0x1030, v8  }
0x6: {  	[tilespmem:$0x1FC30] =	vst v4;
	v4 =	vor.u32 $0x1800, v8  }
0x7: {  	[tilespmem:$0x1FC40] =	vst v4;
	v4 =	vor.u32 $0x1830, v2  }
0x8: {  	[tilespmem:$0x1FC50] =	vst v4;
	v4 =	vor.u32 $0x40, v2  }
0x9: {  	[tilespmem:$0x1FC60] =	vst v4;
	v4 =	vor.u32 $0x1830, v8  }
0xa: {  	[tilespmem:$0x1FC70] =	vst v4;
	v4 =	vor.u32 $0x840, v2  }
0xb: {  	[tilespmem:$0x1FC80] =	vst v4;
	v4 =	vor.u32 $0x2000, v8  }
0xc: {  	[tilespmem:$0x1FC90] =	vst v4;
	v4 =	vor.u32 $0x1040, v2  }
0xd: {  	[tilespmem:$0x1FCA0] =	vst v4;
	v4 =	vor.u32 $0x2010, v8  }
0xe: {  	[tilespmem:$0x1FCB0] =	vst v4;
	v4 =	vor.u32 $0x1840, v2  }
0xf: {  	[tilespmem:$0x1FCC0] =	vst v4;
	v4 =	vor.u32 $0x50, v2  }
0x10: {  	[tilespmem:$0x1FCD0] =	vst v4;
	v4 =	vor.u32 $0x2030, v8  }
0x11: {  	[tilespmem:$0x1FCE0] =	vst v4;
	v4 =	vor.u32 $0x850, v2  }
0x12: {  	[tilespmem:$0x1FCF0] =	vst v4;
	v4 =	vor.u32 $0x2800, v8  }
0x13: {  	[tilespmem:$0x1FD00] =	vst v4;
	v4 =	vor.u32 $0x1050, v2  }
0x14: {  	s0 =	rddreg [dreg:$0x0];
	[tilespmem:$0x1FD10] =	vst v4;
	v4 =	vor.u32 $0x2810, v8  }
0x15: {  	s3 =	rddreg [dreg:$0x1];
	s4 =	simm.s32 $0x0;
	[tilespmem:$0x1FD20] =	vst v4;
	v4 =	vor.u32 $0x1850, v2  }
0x16: {  	s2 =	srdreg.scid;
	[smem:$0x7FF] =	sst s4;
	[tilespmem:$0x1FD30] =	vst v4;
	v4 =	vor.u32 $0x2820, v8  }
0x17: {  	s6 =	sand.u32 $0x1, s2;
	s2 =	rddreg [dreg:$0x2];
	v27 =	vor.u32 $0x3820, v8;
	_ =	strace $0x80000047;
	[tilespmem:$0x1FD40] =	vst v4  }
0x18: {  	v5 =	vor.u32 $0x3830, v8;
	[tilespmem:$0x1FDE0] =	vst v27  }
0x19: {  	[tilespmem:$0x1FDF0] =	vst v5  }
0x1a: {  	v18 =	vor.u32 $0x1800, v2;
	[tilespmem:$0x1FE00] =	vst v2  }
0x1b: {  	v3 =	vor.u32 $0x800, v2;
	[tilespmem:$0x1FE10] =	vst v18  }
0x1c: {  	v1 =	vor.u32 $0x20, v8;
	[tilespmem:$0x1FE20] =	vst v3  }
0x1d: {  	v46 =	vor.u32 $0x10, v2;
	[tilespmem:$0x1FE30] =	vst v1  }
0x1e: {  	v28 =	vor.u32 $0x30, v8;
	[tilespmem:$0x1FE40] =	vst v46  }
0x1f: {  	v29 =	vor.u32 $0x810, v2;
	[tilespmem:$0x1FE50] =	vst v28  }
0x20: {  	v25 =	vor.u32 $0x800, v8;
	[tilespmem:$0x1FE60] =	vst v29  }
0x21: {  	v31 =	vor.u32 $0x1010, v2;
	[tilespmem:$0x1FE70] =	vst v25  }
0x22: {  	v48 =	vor.u32 $0x810, v8;
	[tilespmem:$0x1FE80] =	vst v31  }
0x23: {  	v42 =	vor.u32 $0x1810, v2;
	[tilespmem:$0x1FE90] =	vst v48  }
0x24: {  	v37 =	vor.u32 $0x820, v8;
	[tilespmem:$0x1FEA0] =	vst v42  }
0x25: {  	v26 =	vor.u32 $0x20, v2;
	[tilespmem:$0x1FEB0] =	vst v37  }
0x26: {  	v34 =	vor.u32 $0x830, v8;
	[tilespmem:$0x1FEC0] =	vst v26  }
0x27: {  	v14 =	vor.u32 $0x820, v2;
	[tilespmem:$0x1FED0] =	vst v34  }
0x28: {  	v30 =	vor.u32 $0x1000, v8;
	[tilespmem:$0x1FEE0] =	vst v14  }
0x29: {  	v35 =	vor.u32 $0x1010, v8;
	[tilespmem:$0x1FEF0] =	vst v30  }
0x2a: {  	v36 =	vor.u32 $0x1820, v2;
	[tilespmem:$0x1FF00] =	vst v35  }
0x2b: {  	v0 =	vor.u32 $0x1000, v2;
	[tilespmem:$0x1FF10] =	vst v36  }
0x2c: {  	v38 =	vor.u32 $0x1020, v8;
	[tilespmem:$0x1FF20] =	vst v0  }
0x2d: {  	v43 =	vor.u32 $0x30, v2;
	[tilespmem:$0x1FF30] =	vst v38  }
0x2e: {  	v23 =	vor.u32 $0x830, v2;
	[tilespmem:$0x1FF40] =	vst v43  }
0x2f: {  	v41 =	vor.u32 $0x1030, v2;
	[tilespmem:$0x1FF50] =	vst v23  }
0x30: {  	v21 =	vor.u32 $0x1810, v8;
	[tilespmem:$0x1FF60] =	vst v41  }
0x31: {  	v33 =	vor.u32 $0x1820, v8;
	[tilespmem:$0x1FF70] =	vst v21  }
0x32: {  	v51 =	vor.u32 $0x2020, v8;
	[tilespmem:$0x1FF80] =	vst v33  }
0x33: {  	v32 =	vor.u32 $0x3010, v8;
	[tilespmem:$0x1FF90] =	vst v51  }
0x34: {  	v50 =	vor.u32 $0x3800, v8;
	[tilespmem:$0x1FFA0] =	vst v32  }
0x35: {  	v11 =	vor.u32 $0x1070, v2;
	[tilespmem:$0x1FFB0] =	vst v50  }
0x36: {  	v58 =	vor.u32 $0x3030, v8;
	[tilespmem:$0x1FFC0] =	vst v11  }
0x37: {  	v10 =	vor.u32 $0x3810, v8;
	[tilespmem:$0x1FFD0] =	vst v58  }
0x38: {  	v9 =	vor.u32 $0x1870, v2;
	[tilespmem:$0x1FFE0] =	vst v10  }
0x39: {  	v4 =	vor.u32 $0x60, v2;
	[tilespmem:$0x1FFF0] =	vst v9  }
0x3a: {  	[tilespmem:$0x1FD50] =	vst v4;
	v4 =	vor.u32 $0x2830, v8  }
0x3b: {  	s1 =	stileid.u32;
	s11 =	simm.s32 $0x400;
	[tilespmem:$0x1FD60] =	vst v4;
	v4 =	vor.u32 $0x860, v2  }
0x3c: {  	s12 =	simm.s32 $0xC3800;
	s13 =	simm.s32 $0x2000;
	s14 =	simm.s32 $0x1;
	[tilespmem:$0x1FD70] =	vst v4;
	v4 =	vor.u32 $0x3000, v8  }
0x3d: {  	s15 =	simm.s32 $0x4000;
	s16 =	simm.s32 $0x2;
	s17 =	simm.s32 $0x8000;
	[tilespmem:$0x1FD80] =	vst v4;
	v4 =	vor.u32 $0x1060, v2  }
.Ltmp0:
0x3e: {  	s18 =	simm.s32 $0x3;
	s5 =	sshll.u32 s1, $0x1;
	[tilespmem:$0x1FD90] =	vst v4;
	v4 =	vor.u32 $0x1860, v2;
	(pc) =	sbr.rel .LBB2_1-.Ltmp0, $4  }
0x3f: {  	s19 =	simm.s32 $0x4;
	s5 =	sor.u32 s6, s5;
	s7 =	ssub.s32 $0x2, s6;
	[tilespmem:$0x1FDA0] =	vst v4;
	v4 =	vor.u32 $0x3020, v8  }
0x40: {  	s20 =	simm.s32 $0x0;
	s31 =	sshll.u32 s5, $0x7;
	s8 =	sshrl.u32 s7, $0x1;
	[tilespmem:$0x1FDB0] =	vst v4;
	v4 =	vor.u32 $0x70, v2  }
0x41: {  	s9 =	sor.u32 $0x60, s5;
	s6 =	sadd.s32 s0, s31;
	s10 =	ssub.s32 s7, s8;
	[tilespmem:$0x1FDC0] =	vst v4;
	v4 =	vor.u32 $0x870, v2  }
0x42: {  	s8 =	sor.u32 $0x40, s5;
	s7 =	sadd.s32 $0x1000, s6;
	s10 =	smax.u32 s10, $0x1;
	[tilespmem:$0x1FDD0] =	vst v4  }
.LBB2_11:
0x43: {  	s20 =	sadd.s32 $0x1, s20  }
0x44: {  	_ =	swait.ge [sflag:s18], $0x4000;
	p0 =	sne.s32 s20, s10  }
.Ltmp1:
0x45: {  	[sflag:s18] =	ssyncset.done $0x0;
	(pc) =	sbr.rel @!p0 .LBB2_12-.Ltmp1, $4  }
0x46: {  	[sflag:s18] =	ssyncadd.s32 $0xFFFFC000  }
0x47: {  	_ =	swait.ge [sflag:s19], $0x4000  }
0x48: {  	[sflag:s19] =	ssyncset.done $0x0  }
0x49: {  	[sflag:s19] =	ssyncadd.s32 $0xFFFFC000  }
.LBB2_1:
.Ltmp2:
0x4a: {  	(pc) =	sbr.rel .LBB2_2-.Ltmp2, $4  }
0x4b: {  	_ = 	snop  }
0x4c: {  	[tilespmem:s4], [sflag:$0x1] =	stream.strided.gather [hbm4b:s6+s11], $0x2000, s12, s11, $0x38;
	[tilespmem:$0xC000] =	vst v63  }
0x4d: {  	s21 =	simm.s32 $0x0  }
0x4e: {  	[tilespmem:s13], [sflag:$0x2] =	stream.strided.gather [hbm4b:s7+s11], $0x2000, s12, s11, $0x38;
	[tilespmem:$0xC000] =	vst v63  }
.LBB2_10:
0x4f: {  	s21 =	sadd.s32 $0x1, s21  }
0x50: {  	p0 =	sne.s32 s21, $0xD  }
.Ltmp3:
0x51: {  	_ = 	snop;
	(pc) =	sbr.rel @!p0 .LBB2_11-.Ltmp3, $1  }
0x52: {  	_ =	sdelay $0x3  }
.LBB2_2:
0x53: {  	s22 =	sshll.u32 s21, $0x6  }
0x54: {  	s23 =	sor.u32 s5, s22  }
0x55: {  	p1 =	sgt.u32 s23, $0x30D  }
.Ltmp4:
0x56: {  	_ = 	snop;
	(pc) =	sbr.rel @p1 .LBB2_6-.Ltmp4, $2  }
0x57: {  	_ =	sdelay $0x2  }
0x58: {  	p0 =	seq.s32 s21, $0x0  }
0x59: {  	s24 =	simm.s32 $0x0  }
0x5a: {  	v12 =	vmov v0;
	_ =	swait.ge [sflag:s14], $0x2000;
	v0 =	vadd.s32 s24, v8  }
0x5b: {  	v13 =	vmov v1;
	[sflag:s14] =	ssyncset.done $0x0;
	v1 =	vand.u32 $0xF, v0  }
0x5c: {  	v17 =	vmov v2;
	s24 =	simm.s32 @!p0 $0x3;
	[sflag:s14] =	ssyncadd.s32 $0xFFFFE000;
	v2 =	vor.u32 v2, v1  }
0x5d: {  	_ =	swait.ge @!p0 [sflag:s24], $0x4000  }
0x5e: {  	v6 =	vor.u32 v3, v1;
	v63 =	vld [tilespmem:$0x1FC10]  }
0x5f: {  	[sflag:s24] =	ssyncset.done @!p0 $0x0  }
0x60: {  	v4 =	vshll.u32 v1, $0x7;
	[sflag:s24] =	ssyncadd.s32 @!p0 $0xFFFFC000  }
0x61: {  	v7 =	vmov v5;
	v5 =	vor.u32 v8, v4;
	v20 =	vld.idx.msk [tilespmem:v2+s4+$0x0], $0xffff  }
0x62: {  	v2 =	vor.u32 v12, v1  }
0x63: {  	v6 =	vld.idx.msk [tilespmem:v6+s4+$0x0], $0xffff;
	v3 =	vor.u32 v63, v4  }
0x64: {  	v15 =	vor.u32 v18, v1;
	_ =	sdelay $0x1  }
0x65: {  	[tilespmem:v5+s15+$0x0] =	vst.idx.msk $0xffff, v20  }
0x66: {  	v5 =	vor.u32 v13, v4;
	v53 =	vld.idx.msk [tilespmem:v2+s4+$0x0], $0xffff  }
0x67: {  	[tilespmem:v3+s15+$0x0] =	vst.idx.msk $0xffff, v6;
	v3 =	vor.u32 v46, v0  }
0x68: {  	v2 =	vor.u32 v28, v4;
	v54 =	vld.idx.msk [tilespmem:v15+s4+$0x0], $0xffff  }
0x69: {  	v19 =	vor.u32 v29, v0;
	_ =	sdelay $0x1  }
0x6a: {  	[tilespmem:v5+s15+$0x0] =	vst.idx.msk $0xffff, v53  }
0x6b: {  	v55 =	vmov v12;
	v5 =	vor.u32 v25, v4;
	v12 =	vld.idx.msk [tilespmem:v3+s4+$0x0], $0xffff  }
0x6c: {  	[tilespmem:v2+s15+$0x0] =	vst.idx.msk $0xffff, v54;
	v2 =	vor.u32 v31, v0  }
0x6d: {  	v61 =	vmov v13;
	v3 =	vor.u32 v48, v4;
	v13 =	vld.idx.msk [tilespmem:v19+s4+$0x0], $0xffff  }
0x6e: {  	v57 =	vor.u32 v42, v0;
	_ =	sdelay $0x1  }
0x6f: {  	[tilespmem:v5+s15+$0x0] =	vst.idx.msk $0xffff, v12  }
0x70: {  	v5 =	vor.u32 v37, v4;
	v12 =	vld.idx.msk [tilespmem:v2+s4+$0x0], $0xffff  }
0x71: {  	[tilespmem:v3+s15+$0x0] =	vst.idx.msk $0xffff, v13;
	v3 =	vor.u32 v26, v1  }
0x72: {  	v2 =	vor.u32 v34, v4;
	v13 =	vld.idx.msk [tilespmem:v57+s4+$0x0], $0xffff;
	_ =	sdelay $0x2  }
0x73: {  	[tilespmem:v5+s15+$0x0] =	vst.idx.msk $0xffff, v12  }
0x74: {  	v12 =	vld.idx.msk [tilespmem:v3+s4+$0x0], $0xffff  }
0x75: {  	[tilespmem:v2+s15+$0x0] =	vst.idx.msk $0xffff, v13;
	v2 =	vld [tilespmem:$0x1FC20]  }
0x76: {  	v14 =	vor.u32 v14, v1;
	_ =	sdelay $0x2  }
0x77: {  	v5 =	vor.u32 v30, v4  }
0x78: {  	v2 =	vor.u32 v2, v1  }
0x79: {  	v3 =	vor.u32 v35, v4;
	v14 =	vld.idx.msk [tilespmem:v14+s4+$0x0], $0xffff  }
0x7a: {  	v56 =	vmov v33;
	v59 =	vor.u32 v36, v1;
	v33 =	vld [tilespmem:$0x1FC30];
	_ =	sdelay $0x1  }
0x7b: {  	[tilespmem:v5+s15+$0x0] =	vst.idx.msk $0xffff, v12  }
0x7c: {  	v24 =	vmov v10;
	v5 =	vor.u32 v38, v4;
	v10 =	vld.idx.msk [tilespmem:v2+s4+$0x0], $0xffff  }
0x7d: {  	v16 =	vmov v51;
	v51 =	vmov v27;
	v27 =	vld [tilespmem:$0x1FC40];
	[tilespmem:v3+s15+$0x0] =	vst.idx.msk $0xffff, v14;
	v3 =	vor.u32 v43, v0  }
0x7e: {  	v2 =	vor.u32 v33, v4;
	v19 =	vld.idx.msk [tilespmem:v59+s4+$0x0], $0xffff  }
0x7f: {  	v60 =	vor.u32 v23, v0  }
0x80: {  	v42 =	vld [tilespmem:$0x1FC50]  }
0x81: {  	[tilespmem:v5+s15+$0x0] =	vst.idx.msk $0xffff, v10  }
0x82: {  	v5 =	vor.u32 v27, v4;
	v14 =	vld.idx.msk [tilespmem:v3+s4+$0x0], $0xffff  }
0x83: {  	v44 =	vld [tilespmem:$0x1FC60];
	[tilespmem:v2+s15+$0x0] =	vst.idx.msk $0xffff, v19;
	v2 =	vor.u32 v41, v0  }
0x84: {  	v3 =	vor.u32 v21, v4;
	v19 =	vld.idx.msk [tilespmem:v60+s4+$0x0], $0xffff  }
0x85: {  	v62 =	vor.u32 v42, v0;
	v13 =	vld [tilespmem:$0x1FC70]  }
0x86: {  	v6 =	vmov v46;
	v46 =	vld [tilespmem:$0x1FC80]  }
0x87: {  	v48 =	vld [tilespmem:$0x1FCA0];
	[tilespmem:v5+s15+$0x0] =	vst.idx.msk $0xffff, v14  }
0x88: {  	v5 =	vor.u32 v56, v4;
	v14 =	vld.idx.msk [tilespmem:v2+s4+$0x0], $0xffff  }
0x89: {  	v12 =	vld [tilespmem:$0x1FC90];
	[tilespmem:v3+s15+$0x0] =	vst.idx.msk $0xffff, v19;
	v3 =	vor.u32 v44, v1  }
0x8a: {  	v31 =	vmov v23;
	v2 =	vor.u32 v13, v4;
	v23 =	vld.idx.msk [tilespmem:v62+s4+$0x0], $0xffff  }
0x8b: {  	v29 =	vor.u32 v46, v1;
	v10 =	vld [tilespmem:$0x1FCB0]  }
0x8c: {  	v39 =	vmov v28;
	v28 =	vmov v11;
	v11 =	vld [tilespmem:$0x1FCC0]  }
0x8d: {  	[tilespmem:v5+s15+$0x0] =	vst.idx.msk $0xffff, v14  }
0x8e: {  	v5 =	vor.u32 v12, v4;
	v14 =	vld.idx.msk [tilespmem:v3+s4+$0x0], $0xffff  }
0x8f: {  	v52 =	vld [tilespmem:$0x1FCD0];
	[tilespmem:v2+s15+$0x0] =	vst.idx.msk $0xffff, v23;
	v2 =	vor.u32 v48, v1  }
0x90: {  	v3 =	vor.u32 v10, v4;
	v15 =	vld.idx.msk [tilespmem:v29+s4+$0x0], $0xffff  }
0x91: {  	v40 =	vmov v30;
	v53 =	vld [tilespmem:$0x1FCE0];
	v30 =	vor.u32 v11, v1  }
0x92: {  	v54 =	vld [tilespmem:$0x1FCF0]  }
0x93: {  	v57 =	vld [tilespmem:$0x1FD00];
	[tilespmem:v5+s15+$0x0] =	vst.idx.msk $0xffff, v14  }
0x94: {  	v5 =	vor.u32 v16, v4;
	v14 =	vld.idx.msk [tilespmem:v2+s4+$0x0], $0xffff  }
0x95: {  	v16 =	vld [tilespmem:$0x1FD10];
	[tilespmem:v3+s15+$0x0] =	vst.idx.msk $0xffff, v15;
	v3 =	vor.u32 v52, v0  }
0x96: {  	v2 =	vor.u32 v53, v4;
	v15 =	vld.idx.msk [tilespmem:v30+s4+$0x0], $0xffff  }
0x97: {  	v34 =	vor.u32 v54, v0;
	v59 =	vld [tilespmem:$0x1FD20]  }
0x98: {  	v56 =	vld [tilespmem:$0x1FD30]  }
0x99: {  	v20 =	vld [tilespmem:$0x1FD40];
	[tilespmem:v5+s15+$0x0] =	vst.idx.msk $0xffff, v14  }
0x9a: {  	v5 =	vor.u32 v57, v4;
	v14 =	vld.idx.msk [tilespmem:v3+s4+$0x0], $0xffff  }
0x9b: {  	v60 =	vld [tilespmem:$0x1FD50];
	[tilespmem:v2+s15+$0x0] =	vst.idx.msk $0xffff, v15;
	v2 =	vor.u32 v16, v0  }
0x9c: {  	v3 =	vor.u32 v59, v4;
	v15 =	vld.idx.msk [tilespmem:v34+s4+$0x0], $0xffff  }
0x9d: {  	v62 =	vld [tilespmem:$0x1FD60];
	v35 =	vor.u32 v56, v0;
	_ =	sdelay $0x1  }
0x9e: {  	[tilespmem:v5+s15+$0x0] =	vst.idx.msk $0xffff, v14  }
0x9f: {  	v5 =	vor.u32 v20, v4;
	v14 =	vld.idx.msk [tilespmem:v2+s4+$0x0], $0xffff  }
0xa0: {  	[tilespmem:v3+s15+$0x0] =	vst.idx.msk $0xffff, v15;
	v3 =	vor.u32 v60, v1  }
0xa1: {  	v2 =	vor.u32 v62, v4;
	v15 =	vld.idx.msk [tilespmem:v35+s4+$0x0], $0xffff  }
0xa2: {  	v49 =	vld [tilespmem:$0x1FD70];
	_ =	sdelay $0x1  }
0xa3: {  	v19 =	vld [tilespmem:$0x1FD80];
	[tilespmem:v5+s15+$0x0] =	vst.idx.msk $0xffff, v14  }
0xa4: {  	v47 =	vmov v37;
	v37 =	vld.idx.msk [tilespmem:v3+s4+$0x0], $0xffff  }
0xa5: {  	[tilespmem:v2+s15+$0x0] =	vst.idx.msk $0xffff, v15;
	v15 =	vld [tilespmem:$0x1FD90]  }
0xa6: {  	v36 =	vor.u32 v49, v1;
	_ =	sdelay $0x2  }
0xa7: {  	v5 =	vor.u32 v19, v4  }
0xa8: {  	v14 =	vld [tilespmem:$0x1FDA0];
	v2 =	vor.u32 v15, v1  }
0xa9: {  	v3 =	vor.u32 v32, v4;
	v29 =	vld.idx.msk [tilespmem:v36+s4+$0x0], $0xffff;
	_ =	sdelay $0x1  }
0xaa: {  	v25 =	vmov v21;
	v21 =	vld [tilespmem:$0x1FDB0]  }
0xab: {  	[tilespmem:v5+s15+$0x0] =	vst.idx.msk $0xffff, v37;
	v37 =	vld [tilespmem:$0x1FDC0]  }
0xac: {  	v45 =	vmov v26;
	v26 =	vmov v41;
	v1 =	vor.u32 v14, v1;
	v41 =	vld.idx.msk [tilespmem:v2+s4+$0x0], $0xffff  }
0xad: {  	[tilespmem:v3+s15+$0x0] =	vst.idx.msk $0xffff, v29;
	v29 =	vld [tilespmem:$0x1FDD0];
	_ =	sdelay $0x1  }
0xae: {  	v5 =	vor.u32 v21, v4  }
0xaf: {  	v3 =	vor.u32 v37, v0  }
0xb0: {  	v2 =	vld.idx.msk [tilespmem:v1+s4+$0x0], $0xffff;
	v1 =	vor.u32 v58, v4  }
0xb1: {  	v22 =	vor.u32 v29, v0;
	_ =	sdelay $0x1  }
0xb2: {  	[tilespmem:v5+s15+$0x0] =	vst.idx.msk $0xffff, v41  }
0xb3: {  	v5 =	vor.u32 v50, v4;
	v3 =	vld.idx.msk [tilespmem:v3+s4+$0x0], $0xffff  }
0xb4: {  	[tilespmem:v1+s15+$0x0] =	vst.idx.msk $0xffff, v2;
	v1 =	vor.u32 v28, v0  }
0xb5: {  	v2 =	vor.u32 v24, v4;
	v22 =	vld.idx.msk [tilespmem:v22+s4+$0x0], $0xffff  }
0xb6: {  	v0 =	vor.u32 v9, v0  }
0xb7: {  	s31 =	simm.s32 $0x1;
	v24 =	vld [tilespmem:$0x1FE20]  }
0xb8: {  	[tilespmem:v5+s15+$0x0] =	vst.idx.msk $0xffff, v3;
	v3 =	vadd.s32 s31, v8  }
0xb9: {  	v5 =	vor.u32 v51, v4;
	v1 =	vld.idx.msk [tilespmem:v1+s4+$0x0], $0xffff;
	v3 =	vand.u32 $0xF, v3  }
0xba: {  	[tilespmem:v2+s15+$0x0] =	vst.idx.msk $0xffff, v22;
	v2 =	vor.u32 v17, v3  }
0xbb: {  	v4 =	vor.u32 v7, v4;
	v0 =	vld.idx.msk [tilespmem:v0+s4+$0x0], $0xffff  }
0xbc: {  	v7 =	vor.u32 v24, v3;
	_ =	sdelay $0x1  }
0xbd: {  	[tilespmem:v5+s15+$0x0] =	vst.idx.msk $0xffff, v1;
	v1 =	vshll.u32 v3, $0x7  }
0xbe: {  	v5 =	vor.u32 v8, v1;
	v9 =	vld.idx.msk [tilespmem:v2+s4+$0x0], $0xffff  }
0xbf: {  	[tilespmem:v4+s15+$0x0] =	vst.idx.msk $0xffff, v0;
	v0 =	vor.u32 v55, v3  }
0xc0: {  	v2 =	vor.u32 v63, v1;
	v4 =	vld.idx.msk [tilespmem:v7+s4+$0x0], $0xffff  }
0xc1: {  	v30 =	vor.u32 v18, v3  }
0xc2: {  	v34 =	vld [tilespmem:$0x1FE60]  }
0xc3: {  	v35 =	vld [tilespmem:$0x1FE70];
	[tilespmem:v5+s15+$0x0] =	vst.idx.msk $0xffff, v9  }
0xc4: {  	v5 =	vor.u32 v61, v1;
	v7 =	vld.idx.msk [tilespmem:v0+s4+$0x0], $0xffff  }
0xc5: {  	v36 =	vld [tilespmem:$0x1FE80];
	[tilespmem:v2+s15+$0x0] =	vst.idx.msk $0xffff, v4;
	v2 =	vor.u32 v6, v3  }
0xc6: {  	v0 =	vor.u32 v39, v1;
	v4 =	vld.idx.msk [tilespmem:v30+s4+$0x0], $0xffff  }
0xc7: {  	v9 =	vor.u32 v34, v3;
	v39 =	vld [tilespmem:$0x1FE90];
	_ =	sdelay $0x1  }
0xc8: {  	[tilespmem:v5+s15+$0x0] =	vst.idx.msk $0xffff, v7  }
0xc9: {  	v5 =	vor.u32 v35, v1;
	v6 =	vld.idx.msk [tilespmem:v2+s4+$0x0], $0xffff  }
0xca: {  	v41 =	vld [tilespmem:$0x1FEA0];
	[tilespmem:v0+s15+$0x0] =	vst.idx.msk $0xffff, v4;
	v0 =	vor.u32 v36, v3  }
0xcb: {  	v2 =	vor.u32 v39, v1;
	v4 =	vld.idx.msk [tilespmem:v9+s4+$0x0], $0xffff;
	_ =	sdelay $0x2  }
0xcc: {  	[tilespmem:v5+s15+$0x0] =	vst.idx.msk $0xffff, v6  }
0xcd: {  	v6 =	vld.idx.msk [tilespmem:v0+s4+$0x0], $0xffff  }
0xce: {  	v7 =	vor.u32 v41, v3;
	[tilespmem:v2+s15+$0x0] =	vst.idx.msk $0xffff, v4;
	v2 =	vor.u32 v45, v3;
	v45 =	vld [tilespmem:$0x1FED0]  }
0xcf: {  	v5 =	vor.u32 v47, v1;
	v47 =	vld [tilespmem:$0x1FEE0];
	_ =	sdelay $0x2  }
0xd0: {  	v51 =	vld [tilespmem:$0x1FC20]  }
0xd1: {  	v4 =	vld.idx.msk [tilespmem:v7+s4+$0x0], $0xffff;
	v0 =	vor.u32 v45, v1  }
0xd2: {  	v55 =	vld [tilespmem:$0x1FF00];
	v7 =	vor.u32 v47, v3;
	_ =	sdelay $0x1  }
0xd3: {  	v58 =	vld [tilespmem:$0x1FF10];
	[tilespmem:v5+s15+$0x0] =	vst.idx.msk $0xffff, v6  }
0xd4: {  	v5 =	vor.u32 v40, v1;
	v6 =	vld.idx.msk [tilespmem:v2+s4+$0x0], $0xffff  }
0xd5: {  	[tilespmem:v0+s15+$0x0] =	vst.idx.msk $0xffff, v4;
	v0 =	vor.u32 v51, v3  }
0xd6: {  	v2 =	vor.u32 v55, v1;
	v4 =	vld.idx.msk [tilespmem:v7+s4+$0x0], $0xffff;
	_ =	sdelay $0x2  }
0xd7: {  	v7 =	vor.u32 v58, v3;
	[tilespmem:v5+s15+$0x0] =	vst.idx.msk $0xffff, v6  }
0xd8: {  	v5 =	vor.u32 v38, v1;
	v6 =	vld.idx.msk [tilespmem:v0+s4+$0x0], $0xffff  }
0xd9: {  	[tilespmem:v2+s15+$0x0] =	vst.idx.msk $0xffff, v4;
	v2 =	vor.u32 v43, v3;
	_ =	sdelay $0x2  }
0xda: {  	v0 =	vor.u32 v33, v1;
	v4 =	vld.idx.msk [tilespmem:v7+s4+$0x0], $0xffff  }
0xdb: {  	v7 =	vor.u32 v31, v3;
	[tilespmem:v5+s15+$0x0] =	vst.idx.msk $0xffff, v6  }
0xdc: {  	v5 =	vor.u32 v27, v1;
	v6 =	vld.idx.msk [tilespmem:v2+s4+$0x0], $0xffff;
	_ =	sdelay $0x2  }
0xdd: {  	[tilespmem:v0+s15+$0x0] =	vst.idx.msk $0xffff, v4  }
0xde: {  	v4 =	vld.idx.msk [tilespmem:v7+s4+$0x0], $0xffff  }
0xdf: {  	v0 =	vor.u32 v26, v3;
	[tilespmem:v5+s15+$0x0] =	vst.idx.msk $0xffff, v6;
	v6 =	vld [tilespmem:$0x1FF80]  }
0xe0: {  	v2 =	vor.u32 v25, v1  }
0xe1: {  	v9 =	vor.u32 v42, v3;
	_ =	sdelay $0x2  }
0xe2: {  	v7 =	vld.idx.msk [tilespmem:v0+s4+$0x0], $0xffff;
	v5 =	vor.u32 v6, v1  }
0xe3: {  	[tilespmem:v2+s15+$0x0] =	vst.idx.msk $0xffff, v4;
	v2 =	vor.u32 v44, v3  }
0xe4: {  	v0 =	vor.u32 v13, v1;
	v4 =	vld.idx.msk [tilespmem:v9+s4+$0x0], $0xffff  }
0xe5: {  	v9 =	vor.u32 v46, v3;
	_ =	sdelay $0x1  }
0xe6: {  	[tilespmem:v5+s15+$0x0] =	vst.idx.msk $0xffff, v7  }
0xe7: {  	v5 =	vor.u32 v12, v1;
	v7 =	vld.idx.msk [tilespmem:v2+s4+$0x0], $0xffff  }
0xe8: {  	v61 =	vld [tilespmem:$0x1FF90];
	[tilespmem:v0+s15+$0x0] =	vst.idx.msk $0xffff, v4;
	v0 =	vor.u32 v48, v3  }
0xe9: {  	v2 =	vor.u32 v10, v1;
	v4 =	vld.idx.msk [tilespmem:v9+s4+$0x0], $0xffff  }
0xea: {  	v9 =	vor.u32 v11, v3;
	_ =	sdelay $0x1  }
0xeb: {  	[tilespmem:v5+s15+$0x0] =	vst.idx.msk $0xffff, v7  }
0xec: {  	v5 =	vor.u32 v61, v1;
	v7 =	vld.idx.msk [tilespmem:v0+s4+$0x0], $0xffff  }
0xed: {  	[tilespmem:v2+s15+$0x0] =	vst.idx.msk $0xffff, v4;
	v2 =	vor.u32 v52, v3  }
0xee: {  	v0 =	vor.u32 v53, v1;
	v4 =	vld.idx.msk [tilespmem:v9+s4+$0x0], $0xffff  }
0xef: {  	v9 =	vor.u32 v54, v3;
	_ =	sdelay $0x1  }
0xf0: {  	[tilespmem:v5+s15+$0x0] =	vst.idx.msk $0xffff, v7  }
0xf1: {  	v5 =	vor.u32 v57, v1;
	v7 =	vld.idx.msk [tilespmem:v2+s4+$0x0], $0xffff  }
0xf2: {  	[tilespmem:v0+s15+$0x0] =	vst.idx.msk $0xffff, v4;
	v0 =	vor.u32 v16, v3  }
0xf3: {  	v2 =	vor.u32 v59, v1;
	v4 =	vld.idx.msk [tilespmem:v9+s4+$0x0], $0xffff  }
0xf4: {  	v9 =	vor.u32 v56, v3;
	_ =	sdelay $0x1  }
0xf5: {  	[tilespmem:v5+s15+$0x0] =	vst.idx.msk $0xffff, v7  }
0xf6: {  	v5 =	vor.u32 v20, v1;
	v7 =	vld.idx.msk [tilespmem:v0+s4+$0x0], $0xffff  }
0xf7: {  	[tilespmem:v2+s15+$0x0] =	vst.idx.msk $0xffff, v4;
	v2 =	vor.u32 v60, v3  }
0xf8: {  	v0 =	vor.u32 v62, v1;
	v4 =	vld.idx.msk [tilespmem:v9+s4+$0x0], $0xffff  }
0xf9: {  	v9 =	vor.u32 v49, v3;
	_ =	sdelay $0x1  }
0xfa: {  	[tilespmem:v5+s15+$0x0] =	vst.idx.msk $0xffff, v7  }
0xfb: {  	v5 =	vor.u32 v19, v1;
	v7 =	vld.idx.msk [tilespmem:v2+s4+$0x0], $0xffff  }
0xfc: {  	[tilespmem:v0+s15+$0x0] =	vst.idx.msk $0xffff, v4;
	v0 =	vor.u32 v15, v3  }
0xfd: {  	v2 =	vor.u32 v32, v1;
	v4 =	vld.idx.msk [tilespmem:v9+s4+$0x0], $0xffff;
	_ =	sdelay $0x2  }
0xfe: {  	v9 =	vor.u32 v14, v3;
	[tilespmem:v5+s15+$0x0] =	vst.idx.msk $0xffff, v7  }
0xff: {  	v5 =	vor.u32 v21, v1;
	v7 =	vld.idx.msk [tilespmem:v0+s4+$0x0], $0xffff  }
0x100: {  	[tilespmem:v2+s15+$0x0] =	vst.idx.msk $0xffff, v4;
	v2 =	vor.u32 v37, v3;
	_ =	sdelay $0x2  }
0x101: {  	v4 =	vld.idx.msk [tilespmem:v9+s4+$0x0], $0xffff  }
0x102: {  	v9 =	vld [tilespmem:$0x1FFD0];
	[tilespmem:v5+s15+$0x0] =	vst.idx.msk $0xffff, v7  }
0x103: {  	v2 =	vld.idx.msk [tilespmem:v2+s4+$0x0], $0xffff;
	_ =	sdelay $0x2  }
0x104: {  	v62 =	vor.u32 v29, v3  }
0x105: {  	[tilespmem:$0x1FBE0] =	vst v62;
	v7 =	vld [tilespmem:$0x1FFF0]  }
0x106: {  	v0 =	vor.u32 v9, v1;
	[tilespmem:$0x1FBF0] =	vst v2;
	v2 =	vld [tilespmem:$0x1FBE0];
	_ =	sdelay $0x2  }
0x107: {  	v63 =	vld [tilespmem:$0x1FFE0];
	_ =	sdelay $0x1  }
0x108: {  	[tilespmem:v0+s15+$0x0] =	vst.idx.msk $0xffff, v4;
	v0 =	vor.u32 v28, v3;
	v3 =	vor.u32 v7, v3  }
0x109: {  	v5 =	vor.u32 v50, v1;
	[tilespmem:$0x1FC00] =	vst v3;
	v3 =	vld [tilespmem:$0x1FBF0];
	_ =	sdelay $0x1  }
0x10a: {  	v4 =	vld.idx.msk [tilespmem:v2+s4+$0x0], $0xffff;
	v2 =	vor.u32 v63, v1;
	_ =	sdelay $0x2  }
0x10b: {  	[tilespmem:v5+s15+$0x0] =	vst.idx.msk $0xffff, v3  }
0x10c: {  	v3 =	vld.idx.msk [tilespmem:v0+s4+$0x0], $0xffff  }
0x10d: {  	[tilespmem:v2+s15+$0x0] =	vst.idx.msk $0xffff, v4;
	v2 =	vld [tilespmem:$0x1FC00];
	_ =	sdelay $0x7  }
0x10e: {  	v4 =	vld.idx.msk [tilespmem:v2+s4+$0x0], $0xffff  }
0x10f: {  	v2 =	vld [tilespmem:$0x1FDE0];
	_ =	sdelay $0x3  }
0x110: {  	s24 =	simm.s32 $0x2  }
0x111: {  	s25 =	simm.s32 $0x4;
	v0 =	vadd.s32 s24, v8;
	v5 =	vor.u32 v2, v1  }
.LBB2_4:
0x112: {  	v15 =	vld [tilespmem:$0x1FDF0]  }
0x113: {  	v17 =	vld [tilespmem:$0x1FE00]  }
0x114: {  	v12 =	vld [tilespmem:$0x1FE20];
	_ =	sdelay $0x2  }
0x115: {  	v2 =	vand.u32 $0xF, v0;
	v1 =	vor.u32 v15, v1  }
0x116: {  	v27 =	vld [tilespmem:$0x1FF20];
	v6 =	vor.u32 v17, v2  }
0x117: {  	v14 =	vld [tilespmem:$0x1FC10];
	v7 =	vor.u32 v12, v2  }
0x118: {  	v29 =	vld [tilespmem:$0x1FE10]  }
0x119: {  	v16 =	vld [tilespmem:$0x1FE30];
	[tilespmem:v5+s15+$0x0] =	vst.idx.msk $0xffff, v3  }
0x11a: {  	v31 =	vld [tilespmem:$0x1FE40];
	[tilespmem:v1+s15+$0x0] =	vst.idx.msk $0xffff, v4;
	v1 =	vshll.u32 v2, $0x7  }
0x11b: {  	v3 =	vld.idx.msk [tilespmem:v6+s4+$0x0], $0xffff;
	v5 =	vor.u32 v8, v1  }
0x11c: {  	v4 =	vld.idx.msk [tilespmem:v7+s4+$0x0], $0xffff;
	v6 =	vor.u32 v27, v2;
	v7 =	vor.u32 v14, v1  }
0x11d: {  	v18 =	vld [tilespmem:$0x1FE50];
	v8 =	vor.u32 v29, v2  }
0x11e: {  	v33 =	vld [tilespmem:$0x1FE60]  }
0x11f: {  	v20 =	vld [tilespmem:$0x1FE70]  }
0x120: {  	v35 =	vld [tilespmem:$0x1FE80];
	[tilespmem:v5+s15+$0x0] =	vst.idx.msk $0xffff, v3  }
0x121: {  	v5 =	vor.u32 v16, v1;
	v3 =	vld.idx.msk [tilespmem:v6+s4+$0x0], $0xffff;
	[tilespmem:v7+s15+$0x0] =	vst.idx.msk $0xffff, v4  }
0x122: {  	v6 =	vor.u32 v31, v0;
	v7 =	vor.u32 v18, v1;
	v4 =	vld.idx.msk [tilespmem:v8+s4+$0x0], $0xffff  }
0x123: {  	v22 =	vld [tilespmem:$0x1FE90];
	v8 =	vor.u32 v33, v0  }
0x124: {  	v37 =	vld [tilespmem:$0x1FEA0]  }
0x125: {  	v24 =	vld [tilespmem:$0x1FEB0]  }
0x126: {  	v39 =	vld [tilespmem:$0x1FEC0];
	[tilespmem:v5+s15+$0x0] =	vst.idx.msk $0xffff, v3  }
0x127: {  	v5 =	vor.u32 v20, v1;
	v3 =	vld.idx.msk [tilespmem:v6+s4+$0x0], $0xffff;
	[tilespmem:v7+s15+$0x0] =	vst.idx.msk $0xffff, v4  }
0x128: {  	v6 =	vor.u32 v35, v0;
	v7 =	vor.u32 v22, v1;
	v4 =	vld.idx.msk [tilespmem:v8+s4+$0x0], $0xffff  }
0x129: {  	v26 =	vld [tilespmem:$0x1FED0];
	v8 =	vor.u32 v37, v0  }
0x12a: {  	v41 =	vld [tilespmem:$0x1FEE0]  }
0x12b: {  	v28 =	vld [tilespmem:$0x1FEF0]  }
0x12c: {  	v43 =	vld [tilespmem:$0x1FC20];
	[tilespmem:v5+s15+$0x0] =	vst.idx.msk $0xffff, v3  }
0x12d: {  	v5 =	vor.u32 v24, v1;
	v3 =	vld.idx.msk [tilespmem:v6+s4+$0x0], $0xffff;
	[tilespmem:v7+s15+$0x0] =	vst.idx.msk $0xffff, v4  }
0x12e: {  	v6 =	vor.u32 v39, v2;
	v7 =	vor.u32 v26, v1;
	v4 =	vld.idx.msk [tilespmem:v8+s4+$0x0], $0xffff  }
0x12f: {  	v30 =	vld [tilespmem:$0x1FF00];
	v8 =	vor.u32 v41, v2  }
0x130: {  	v45 =	vld [tilespmem:$0x1FF10]  }
0x131: {  	v32 =	vld [tilespmem:$0x1FF30]  }
0x132: {  	v47 =	vld [tilespmem:$0x1FF40];
	[tilespmem:v5+s15+$0x0] =	vst.idx.msk $0xffff, v3  }
0x133: {  	v5 =	vor.u32 v28, v1;
	v3 =	vld.idx.msk [tilespmem:v6+s4+$0x0], $0xffff;
	[tilespmem:v7+s15+$0x0] =	vst.idx.msk $0xffff, v4  }
0x134: {  	v6 =	vor.u32 v43, v2;
	v7 =	vor.u32 v30, v1;
	v4 =	vld.idx.msk [tilespmem:v8+s4+$0x0], $0xffff  }
0x135: {  	v34 =	vld [tilespmem:$0x1FC30];
	v8 =	vor.u32 v45, v2  }
0x136: {  	v49 =	vld [tilespmem:$0x1FF50]  }
0x137: {  	v36 =	vld [tilespmem:$0x1FC40]  }
0x138: {  	v51 =	vld [tilespmem:$0x1FF60];
	[tilespmem:v5+s15+$0x0] =	vst.idx.msk $0xffff, v3  }
0x139: {  	v5 =	vor.u32 v32, v1;
	v3 =	vld.idx.msk [tilespmem:v6+s4+$0x0], $0xffff;
	[tilespmem:v7+s15+$0x0] =	vst.idx.msk $0xffff, v4  }
0x13a: {  	v6 =	vor.u32 v47, v0;
	v7 =	vor.u32 v34, v1;
	v4 =	vld.idx.msk [tilespmem:v8+s4+$0x0], $0xffff  }
0x13b: {  	v38 =	vld [tilespmem:$0x1FF70];
	v8 =	vor.u32 v49, v0  }
0x13c: {  	v53 =	vld [tilespmem:$0x1FC50]  }
0x13d: {  	v40 =	vld [tilespmem:$0x1FF80]  }
0x13e: {  	v55 =	vld [tilespmem:$0x1FC60];
	[tilespmem:v5+s15+$0x0] =	vst.idx.msk $0xffff, v3  }
0x13f: {  	v5 =	vor.u32 v36, v1;
	v3 =	vld.idx.msk [tilespmem:v6+s4+$0x0], $0xffff;
	[tilespmem:v7+s15+$0x0] =	vst.idx.msk $0xffff, v4  }
0x140: {  	v6 =	vor.u32 v51, v0;
	v7 =	vor.u32 v38, v1;
	v4 =	vld.idx.msk [tilespmem:v8+s4+$0x0], $0xffff  }
0x141: {  	v42 =	vld [tilespmem:$0x1FC70];
	v8 =	vor.u32 v53, v0  }
0x142: {  	v57 =	vld [tilespmem:$0x1FC80]  }
0x143: {  	v44 =	vld [tilespmem:$0x1FC90]  }
0x144: {  	v59 =	vld [tilespmem:$0x1FCA0];
	[tilespmem:v5+s15+$0x0] =	vst.idx.msk $0xffff, v3  }
0x145: {  	v5 =	vor.u32 v40, v1;
	v3 =	vld.idx.msk [tilespmem:v6+s4+$0x0], $0xffff;
	[tilespmem:v7+s15+$0x0] =	vst.idx.msk $0xffff, v4  }
0x146: {  	v6 =	vor.u32 v55, v2;
	v7 =	vor.u32 v42, v1;
	v4 =	vld.idx.msk [tilespmem:v8+s4+$0x0], $0xffff  }
0x147: {  	v46 =	vld [tilespmem:$0x1FCB0];
	v8 =	vor.u32 v57, v2  }
0x148: {  	v61 =	vld [tilespmem:$0x1FCC0];
	_ =	sdelay $0x1  }
0x149: {  	[tilespmem:v5+s15+$0x0] =	vst.idx.msk $0xffff, v3  }
0x14a: {  	v5 =	vor.u32 v44, v1;
	v3 =	vld.idx.msk [tilespmem:v6+s4+$0x0], $0xffff;
	[tilespmem:v7+s15+$0x0] =	vst.idx.msk $0xffff, v4  }
0x14b: {  	v6 =	vor.u32 v59, v2;
	v7 =	vor.u32 v46, v1;
	v4 =	vld.idx.msk [tilespmem:v8+s4+$0x0], $0xffff  }
0x14c: {  	v8 =	vor.u32 v61, v2  }
0x14d: {  	v48 =	vld [tilespmem:$0x1FF90]  }
0x14e: {  	v63 =	vld [tilespmem:$0x1FCD0]  }
0x14f: {  	v50 =	vld [tilespmem:$0x1FCE0];
	[tilespmem:v5+s15+$0x0] =	vst.idx.msk $0xffff, v3  }
0x150: {  	v3 =	vld.idx.msk [tilespmem:v6+s4+$0x0], $0xffff;
	[tilespmem:v7+s15+$0x0] =	vst.idx.msk $0xffff, v4  }
0x151: {  	v4 =	vld.idx.msk [tilespmem:v8+s4+$0x0], $0xffff  }
0x152: {  	v8 =	vld [tilespmem:$0x1FCF0];
	_ =	sdelay $0x1  }
0x153: {  	v5 =	vor.u32 v48, v1  }
0x154: {  	v52 =	vld [tilespmem:$0x1FD00];
	v6 =	vor.u32 v63, v0  }
0x155: {  	v10 =	vld [tilespmem:$0x1FD10];
	v7 =	vor.u32 v50, v1  }
0x156: {  	v54 =	vld [tilespmem:$0x1FD20];
	v8 =	vor.u32 v8, v0  }
0x157: {  	v56 =	vld [tilespmem:$0x1FD30]  }
0x158: {  	v58 =	vld [tilespmem:$0x1FD40];
	[tilespmem:v5+s15+$0x0] =	vst.idx.msk $0xffff, v3  }
0x159: {  	v5 =	vor.u32 v52, v1;
	v3 =	vld.idx.msk [tilespmem:v6+s4+$0x0], $0xffff  }
0x15a: {  	v60 =	vld [tilespmem:$0x1FD50];
	[tilespmem:v7+s15+$0x0] =	vst.idx.msk $0xffff, v4;
	v6 =	vor.u32 v10, v0  }
0x15b: {  	v7 =	vor.u32 v54, v1;
	v4 =	vld.idx.msk [tilespmem:v8+s4+$0x0], $0xffff  }
0x15c: {  	v8 =	vor.u32 v56, v0  }
0x15d: {  	v62 =	vld [tilespmem:$0x1FD60]  }
0x15e: {  	[tilespmem:v5+s15+$0x0] =	vst.idx.msk $0xffff, v3  }
0x15f: {  	v5 =	vor.u32 v58, v1;
	v3 =	vld.idx.msk [tilespmem:v6+s4+$0x0], $0xffff  }
0x160: {  	v6 =	vor.u32 v60, v2;
	[tilespmem:v7+s15+$0x0] =	vst.idx.msk $0xffff, v4  }
0x161: {  	v4 =	vld.idx.msk [tilespmem:v8+s4+$0x0], $0xffff  }
0x162: {  	v7 =	vor.u32 v62, v1;
	v8 =	vld [tilespmem:$0x1FD70];
	_ =	sdelay $0x1  }
0x163: {  	v9 =	vld [tilespmem:$0x1FD80];
	[tilespmem:v5+s15+$0x0] =	vst.idx.msk $0xffff, v3  }
0x164: {  	v3 =	vld.idx.msk [tilespmem:v6+s4+$0x0], $0xffff  }
0x165: {  	v6 =	vld [tilespmem:$0x1FD90]  }
0x166: {  	v8 =	vor.u32 v8, v2;
	[tilespmem:v7+s15+$0x0] =	vst.idx.msk $0xffff, v4;
	v7 =	vld [tilespmem:$0x1FFA0];
	_ =	sdelay $0x2  }
0x167: {  	v5 =	vor.u32 v9, v1  }
0x168: {  	v6 =	vor.u32 v6, v2  }
0x169: {  	v4 =	vld.idx.msk [tilespmem:v8+s4+$0x0], $0xffff;
	v7 =	vor.u32 v7, v1  }
0x16a: {  	v11 =	vld [tilespmem:$0x1FDA0];
	_ =	sdelay $0x1  }
0x16b: {  	[tilespmem:v5+s15+$0x0] =	vst.idx.msk $0xffff, v3;
	v5 =	vld [tilespmem:$0x1FDC0]  }
0x16c: {  	v3 =	vld.idx.msk [tilespmem:v6+s4+$0x0], $0xffff  }
0x16d: {  	[tilespmem:v7+s15+$0x0] =	vst.idx.msk $0xffff, v4;
	v4 =	vld [tilespmem:$0x1FDB0]  }
0x16e: {  	v2 =	vor.u32 v11, v2;
	v6 =	vld [tilespmem:$0x1FFD0]  }
0x16f: {  	v25 =	vld [tilespmem:$0x1FDD0];
	_ =	sdelay $0x1  }
0x170: {  	v19 =	vld [tilespmem:$0x1FFC0]  }
0x171: {  	v11 =	vld [tilespmem:$0x1FFB0];
	v4 =	vor.u32 v4, v1  }
0x172: {  	v5 =	vor.u32 v5, v0;
	v2 =	vld.idx.msk [tilespmem:v2+s4+$0x0], $0xffff;
	v6 =	vor.u32 v6, v1  }
0x173: {  	v21 =	vld [tilespmem:$0x1FFE0];
	v7 =	vor.u32 v25, v0  }
0x174: {  	v23 =	vld [tilespmem:$0x1FFF0];
	_ =	sdelay $0x1  }
0x175: {  	[tilespmem:v4+s15+$0x0] =	vst.idx.msk $0xffff, v3  }
0x176: {  	v4 =	vor.u32 v11, v1;
	v3 =	vld.idx.msk [tilespmem:v5+s4+$0x0], $0xffff;
	[tilespmem:v6+s15+$0x0] =	vst.idx.msk $0xffff, v2  }
0x177: {  	v5 =	vor.u32 v19, v0;
	v6 =	vor.u32 v21, v1;
	v2 =	vld.idx.msk [tilespmem:v7+s4+$0x0], $0xffff  }
0x178: {  	v13 =	vld [tilespmem:$0x1FDE0];
	v0 =	vor.u32 v23, v0;
	_ =	sdelay $0x2  }
0x179: {  	s26 =	sadd.s32 $0x1, s24;
	v8 =	vlaneseq.u32;
	[tilespmem:v4+s15+$0x0] =	vst.idx.msk $0xffff, v3  }
0x17a: {  	v3 =	vld.idx.msk [tilespmem:v5+s4+$0x0], $0xffff;
	[tilespmem:v6+s15+$0x0] =	vst.idx.msk $0xffff, v2;
	v2 =	vadd.s32 s26, v8  }
0x17b: {  	v5 =	vor.u32 v13, v1;
	v4 =	vld.idx.msk [tilespmem:v0+s4+$0x0], $0xffff;
	v0 =	vand.u32 $0xF, v2  }
0x17c: {  	v1 =	vor.u32 v15, v1;
	v2 =	vor.u32 v17, v0;
	_ =	sdelay $0x1  }
0x17d: {  	v6 =	vor.u32 v12, v0;
	_ =	sdelay $0x1  }
0x17e: {  	[tilespmem:v5+s15+$0x0] =	vst.idx.msk $0xffff, v3  }
0x17f: {  	v2 =	vld.idx.msk [tilespmem:v2+s4+$0x0], $0xffff;
	[tilespmem:v1+s15+$0x0] =	vst.idx.msk $0xffff, v4;
	v1 =	vshll.u32 v0, $0x7  }
0x180: {  	v4 =	vor.u32 v8, v1  }
0x181: {  	v5 =	vor.u32 v27, v0;
	v3 =	vld.idx.msk [tilespmem:v6+s4+$0x0], $0xffff;
	v6 =	vor.u32 v14, v1  }
0x182: {  	v7 =	vor.u32 v29, v0;
	_ =	sdelay $0x2  }
0x183: {  	[tilespmem:v4+s15+$0x0] =	vst.idx.msk $0xffff, v2  }
0x184: {  	v4 =	vor.u32 v16, v1;
	v2 =	vld.idx.msk [tilespmem:v5+s4+$0x0], $0xffff;
	[tilespmem:v6+s15+$0x0] =	vst.idx.msk $0xffff, v3  }
0x185: {  	v5 =	vor.u32 v31, v0;
	v6 =	vor.u32 v18, v1;
	v3 =	vld.idx.msk [tilespmem:v7+s4+$0x0], $0xffff  }
0x186: {  	v7 =	vor.u32 v33, v0;
	_ =	sdelay $0x2  }
0x187: {  	[tilespmem:v4+s15+$0x0] =	vst.idx.msk $0xffff, v2  }
0x188: {  	v4 =	vor.u32 v20, v1;
	v2 =	vld.idx.msk [tilespmem:v5+s4+$0x0], $0xffff;
	[tilespmem:v6+s15+$0x0] =	vst.idx.msk $0xffff, v3  }
0x189: {  	v5 =	vor.u32 v35, v0;
	v6 =	vor.u32 v22, v1;
	v3 =	vld.idx.msk [tilespmem:v7+s4+$0x0], $0xffff  }
0x18a: {  	v7 =	vor.u32 v37, v0;
	_ =	sdelay $0x2  }
0x18b: {  	[tilespmem:v4+s15+$0x0] =	vst.idx.msk $0xffff, v2  }
0x18c: {  	v4 =	vor.u32 v24, v1;
	v2 =	vld.idx.msk [tilespmem:v5+s4+$0x0], $0xffff;
	[tilespmem:v6+s15+$0x0] =	vst.idx.msk $0xffff, v3  }
0x18d: {  	v5 =	vor.u32 v39, v0;
	v6 =	vor.u32 v26, v1;
	v3 =	vld.idx.msk [tilespmem:v7+s4+$0x0], $0xffff  }
0x18e: {  	v7 =	vor.u32 v41, v0;
	_ =	sdelay $0x2  }
0x18f: {  	[tilespmem:v4+s15+$0x0] =	vst.idx.msk $0xffff, v2  }
0x190: {  	v4 =	vor.u32 v28, v1;
	v2 =	vld.idx.msk [tilespmem:v5+s4+$0x0], $0xffff;
	[tilespmem:v6+s15+$0x0] =	vst.idx.msk $0xffff, v3  }
0x191: {  	v5 =	vor.u32 v43, v0;
	v6 =	vor.u32 v30, v1;
	v3 =	vld.idx.msk [tilespmem:v7+s4+$0x0], $0xffff  }
0x192: {  	v7 =	vor.u32 v45, v0;
	_ =	sdelay $0x2  }
0x193: {  	[tilespmem:v4+s15+$0x0] =	vst.idx.msk $0xffff, v2  }
0x194: {  	v4 =	vor.u32 v32, v1;
	v2 =	vld.idx.msk [tilespmem:v5+s4+$0x0], $0xffff;
	[tilespmem:v6+s15+$0x0] =	vst.idx.msk $0xffff, v3  }
0x195: {  	v5 =	vor.u32 v47, v0;
	v6 =	vor.u32 v34, v1;
	v3 =	vld.idx.msk [tilespmem:v7+s4+$0x0], $0xffff  }
0x196: {  	v7 =	vor.u32 v49, v0;
	_ =	sdelay $0x2  }
0x197: {  	[tilespmem:v4+s15+$0x0] =	vst.idx.msk $0xffff, v2  }
0x198: {  	v4 =	vor.u32 v36, v1;
	v2 =	vld.idx.msk [tilespmem:v5+s4+$0x0], $0xffff;
	[tilespmem:v6+s15+$0x0] =	vst.idx.msk $0xffff, v3  }
0x199: {  	v5 =	vor.u32 v51, v0;
	v6 =	vor.u32 v38, v1;
	v3 =	vld.idx.msk [tilespmem:v7+s4+$0x0], $0xffff  }
0x19a: {  	v7 =	vor.u32 v53, v0;
	_ =	sdelay $0x2  }
0x19b: {  	[tilespmem:v4+s15+$0x0] =	vst.idx.msk $0xffff, v2  }
0x19c: {  	v4 =	vor.u32 v40, v1;
	v2 =	vld.idx.msk [tilespmem:v5+s4+$0x0], $0xffff;
	[tilespmem:v6+s15+$0x0] =	vst.idx.msk $0xffff, v3  }
0x19d: {  	v5 =	vor.u32 v55, v0;
	v6 =	vor.u32 v42, v1;
	v3 =	vld.idx.msk [tilespmem:v7+s4+$0x0], $0xffff  }
0x19e: {  	v7 =	vor.u32 v57, v0;
	_ =	sdelay $0x2  }
0x19f: {  	[tilespmem:v4+s15+$0x0] =	vst.idx.msk $0xffff, v2  }
0x1a0: {  	v4 =	vor.u32 v44, v1;
	v2 =	vld.idx.msk [tilespmem:v5+s4+$0x0], $0xffff;
	[tilespmem:v6+s15+$0x0] =	vst.idx.msk $0xffff, v3  }
0x1a1: {  	v5 =	vor.u32 v59, v0;
	v6 =	vor.u32 v46, v1;
	v3 =	vld.idx.msk [tilespmem:v7+s4+$0x0], $0xffff  }
0x1a2: {  	v7 =	vor.u32 v61, v0;
	_ =	sdelay $0x2  }
0x1a3: {  	[tilespmem:v4+s15+$0x0] =	vst.idx.msk $0xffff, v2  }
0x1a4: {  	v2 =	vld.idx.msk [tilespmem:v5+s4+$0x0], $0xffff;
	[tilespmem:v6+s15+$0x0] =	vst.idx.msk $0xffff, v3  }
0x1a5: {  	v3 =	vld.idx.msk [tilespmem:v7+s4+$0x0], $0xffff  }
0x1a6: {  	v7 =	vld [tilespmem:$0x1FCF0];
	_ =	sdelay $0x1  }
0x1a7: {  	v4 =	vor.u32 v48, v1  }
0x1a8: {  	v5 =	vor.u32 v63, v0  }
0x1a9: {  	v6 =	vor.u32 v50, v1  }
0x1aa: {  	v7 =	vor.u32 v7, v0;
	_ =	sdelay $0x1  }
0x1ab: {  	[tilespmem:v4+s15+$0x0] =	vst.idx.msk $0xffff, v2  }
0x1ac: {  	v4 =	vor.u32 v52, v1;
	v2 =	vld.idx.msk [tilespmem:v5+s4+$0x0], $0xffff  }
0x1ad: {  	[tilespmem:v6+s15+$0x0] =	vst.idx.msk $0xffff, v3;
	v5 =	vor.u32 v10, v0  }
0x1ae: {  	v6 =	vor.u32 v54, v1;
	v3 =	vld.idx.msk [tilespmem:v7+s4+$0x0], $0xffff  }
0x1af: {  	v7 =	vor.u32 v56, v0;
	_ =	sdelay $0x1  }
0x1b0: {  	[tilespmem:v4+s15+$0x0] =	vst.idx.msk $0xffff, v2  }
0x1b1: {  	v4 =	vor.u32 v58, v1;
	v2 =	vld.idx.msk [tilespmem:v5+s4+$0x0], $0xffff  }
0x1b2: {  	v5 =	vor.u32 v60, v0;
	[tilespmem:v6+s15+$0x0] =	vst.idx.msk $0xffff, v3  }
0x1b3: {  	v3 =	vld.idx.msk [tilespmem:v7+s4+$0x0], $0xffff  }
0x1b4: {  	v7 =	vld [tilespmem:$0x1FD70]  }
0x1b5: {  	v6 =	vor.u32 v62, v1  }
0x1b6: {  	[tilespmem:v4+s15+$0x0] =	vst.idx.msk $0xffff, v2  }
0x1b7: {  	v2 =	vld.idx.msk [tilespmem:v5+s4+$0x0], $0xffff  }
0x1b8: {  	v5 =	vld [tilespmem:$0x1FD90]  }
0x1b9: {  	v7 =	vor.u32 v7, v0  }
0x1ba: {  	[tilespmem:v6+s15+$0x0] =	vst.idx.msk $0xffff, v3;
	v6 =	vld [tilespmem:$0x1FFA0];
	_ =	sdelay $0x1  }
0x1bb: {  	v4 =	vor.u32 v9, v1  }
0x1bc: {  	v5 =	vor.u32 v5, v0  }
0x1bd: {  	v3 =	vld.idx.msk [tilespmem:v7+s4+$0x0], $0xffff  }
0x1be: {  	v6 =	vor.u32 v6, v1;
	v7 =	vld [tilespmem:$0x1FDA0];
	_ =	sdelay $0x1  }
0x1bf: {  	[tilespmem:v4+s15+$0x0] =	vst.idx.msk $0xffff, v2;
	v4 =	vld [tilespmem:$0x1FDB0]  }
0x1c0: {  	v2 =	vld.idx.msk [tilespmem:v5+s4+$0x0], $0xffff  }
0x1c1: {  	v5 =	vld [tilespmem:$0x1FDC0]  }
0x1c2: {  	v7 =	vor.u32 v7, v0;
	[tilespmem:v6+s15+$0x0] =	vst.idx.msk $0xffff, v3;
	v6 =	vld [tilespmem:$0x1FFD0];
	_ =	sdelay $0x3  }
0x1c3: {  	v4 =	vor.u32 v4, v1  }
0x1c4: {  	v5 =	vor.u32 v5, v0;
	v3 =	vld.idx.msk [tilespmem:v7+s4+$0x0], $0xffff;
	v6 =	vor.u32 v6, v1  }
0x1c5: {  	v7 =	vor.u32 v25, v0;
	_ =	sdelay $0x2  }
0x1c6: {  	[tilespmem:v4+s15+$0x0] =	vst.idx.msk $0xffff, v2  }
0x1c7: {  	v2 =	vld.idx.msk [tilespmem:v5+s4+$0x0], $0xffff;
	[tilespmem:v6+s15+$0x0] =	vst.idx.msk $0xffff, v3;
	v3 =	vor.u32 v11, v1  }
0x1c8: {  	v5 =	vor.u32 v19, v0;
	v6 =	vor.u32 v21, v1;
	v4 =	vld.idx.msk [tilespmem:v7+s4+$0x0], $0xffff  }
0x1c9: {  	p1 =	sne.s32 s25, $0xE;
	v7 =	vor.u32 v23, v0  }
.Ltmp5:
0x1ca: {  	_ = 	snop;
	(pc) =	sbr.rel @p1 .LBB2_4-.Ltmp5, $4  }
0x1cb: {  	_ = 	snop  }
0x1cc: {  	[tilespmem:v3+s15+$0x0] =	vst.idx.msk $0xffff, v2  }
0x1cd: {  	s24 =	smov.u32 s25;
	v8 =	vlaneseq.u32;
	v3 =	vld.idx.msk [tilespmem:v5+s4+$0x0], $0xffff;
	[tilespmem:v6+s15+$0x0] =	vst.idx.msk $0xffff, v4  }
0x1ce: {  	s25 =	sadd.s32 $0x2, s25;
	v0 =	vadd.s32 s24, v8;
	v5 =	vor.u32 v13, v1;
	v4 =	vld.idx.msk [tilespmem:v7+s4+$0x0], $0xffff  }
0x1cf: {  	v16 =	vld [tilespmem:$0x1FDF0]  }
0x1d0: {  	v12 =	vld [tilespmem:$0x1FE00]  }
0x1d1: {  	v7 =	vld [tilespmem:$0x1FE20];
	_ =	sdelay $0x2  }
0x1d2: {  	v2 =	vand.u32 $0xF, v0;
	v1 =	vor.u32 v16, v1  }
0x1d3: {  	v6 =	vor.u32 v12, v2  }
0x1d4: {  	v7 =	vor.u32 v7, v2;
	_ =	sdelay $0x1  }
0x1d5: {  	[tilespmem:v5+s15+$0x0] =	vst.idx.msk $0xffff, v3  }
0x1d6: {  	v18 =	vld [tilespmem:$0x1FF20];
	[tilespmem:v1+s15+$0x0] =	vst.idx.msk $0xffff, v4  }
0x1d7: {  	v3 =	vld.idx.msk [tilespmem:v6+s4+$0x0], $0xffff  }
0x1d8: {  	v6 =	vld.idx.msk [tilespmem:v7+s4+$0x0], $0xffff  }
0x1d9: {  	v1 =	vshll.u32 v2, $0x7;
	v7 =	vld [tilespmem:$0x1FC10]  }
0x1da: {  	v4 =	vor.u32 v8, v1;
	v8 =	vld [tilespmem:$0x1FE10];
	_ =	sdelay $0x2  }
0x1db: {  	v14 =	vld [tilespmem:$0x1FE30]  }
0x1dc: {  	v32 =	vld [tilespmem:$0x1FE40];
	v5 =	vor.u32 v18, v2;
	v7 =	vor.u32 v7, v1  }
0x1dd: {  	v61 =	vld [tilespmem:$0x1FE50];
	v8 =	vor.u32 v8, v2  }
0x1de: {  	v29 =	vld [tilespmem:$0x1FE60];
	_ =	sdelay $0x1  }
0x1df: {  	[tilespmem:v4+s15+$0x0] =	vst.idx.msk $0xffff, v3  }
0x1e0: {  	v4 =	vor.u32 v14, v1;
	v3 =	vld.idx.msk [tilespmem:v5+s4+$0x0], $0xffff;
	[tilespmem:v7+s15+$0x0] =	vst.idx.msk $0xffff, v6  }
0x1e1: {  	v5 =	vor.u32 v32, v0;
	v7 =	vor.u32 v61, v1;
	v6 =	vld.idx.msk [tilespmem:v8+s4+$0x0], $0xffff  }
0x1e2: {  	v25 =	vld [tilespmem:$0x1FE70];
	v8 =	vor.u32 v29, v0  }
0x1e3: {  	v31 =	vld [tilespmem:$0x1FE80]  }
0x1e4: {  	v37 =	vld [tilespmem:$0x1FE90]  }
0x1e5: {  	v22 =	vld [tilespmem:$0x1FEB0];
	[tilespmem:v4+s15+$0x0] =	vst.idx.msk $0xffff, v3  }
0x1e6: {  	v3 =	vld.idx.msk [tilespmem:v5+s4+$0x0], $0xffff;
	[tilespmem:v7+s15+$0x0] =	vst.idx.msk $0xffff, v6  }
0x1e7: {  	v4 =	vor.u32 v25, v1;
	v6 =	vld.idx.msk [tilespmem:v8+s4+$0x0], $0xffff  }
0x1e8: {  	v5 =	vor.u32 v31, v0;
	v8 =	vld [tilespmem:$0x1FEA0]  }
0x1e9: {  	v36 =	vld [tilespmem:$0x1FEC0];
	_ =	sdelay $0x2  }
0x1ea: {  	v7 =	vor.u32 v37, v1;
	[tilespmem:v4+s15+$0x0] =	vst.idx.msk $0xffff, v3  }
0x1eb: {  	v4 =	vor.u32 v22, v1;
	v3 =	vld.idx.msk [tilespmem:v5+s4+$0x0], $0xffff;
	v8 =	vor.u32 v8, v0  }
0x1ec: {  	v5 =	vor.u32 v36, v2  }
0x1ed: {  	v40 =	vld [tilespmem:$0x1FED0]  }
0x1ee: {  	v35 =	vld [tilespmem:$0x1FEE0]  }
0x1ef: {  	v44 =	vld [tilespmem:$0x1FEF0];
	[tilespmem:v7+s15+$0x0] =	vst.idx.msk $0xffff, v6  }
0x1f0: {  	v6 =	vld.idx.msk [tilespmem:v8+s4+$0x0], $0xffff;
	[tilespmem:v4+s15+$0x0] =	vst.idx.msk $0xffff, v3  }
0x1f1: {  	v3 =	vld.idx.msk [tilespmem:v5+s4+$0x0], $0xffff  }
0x1f2: {  	v7 =	vor.u32 v40, v1;
	v5 =	vld [tilespmem:$0x1FC20]  }
0x1f3: {  	v49 =	vld [tilespmem:$0x1FF00];
	v8 =	vor.u32 v35, v2  }
0x1f4: {  	v41 =	vld [tilespmem:$0x1FF10];
	_ =	sdelay $0x1  }
0x1f5: {  	v30 =	vld [tilespmem:$0x1FF30];
	v4 =	vor.u32 v44, v1  }
0x1f6: {  	v43 =	vld [tilespmem:$0x1FF40];
	[tilespmem:v7+s15+$0x0] =	vst.idx.msk $0xffff, v6;
	v5 =	vor.u32 v5, v2  }
0x1f7: {  	v7 =	vor.u32 v49, v1;
	v6 =	vld.idx.msk [tilespmem:v8+s4+$0x0], $0xffff  }
0x1f8: {  	v9 =	vld [tilespmem:$0x1FC30];
	v8 =	vor.u32 v41, v2;
	_ =	sdelay $0x1  }
0x1f9: {  	[tilespmem:v4+s15+$0x0] =	vst.idx.msk $0xffff, v3  }
0x1fa: {  	v4 =	vor.u32 v30, v1;
	v3 =	vld.idx.msk [tilespmem:v5+s4+$0x0], $0xffff  }
0x1fb: {  	v45 =	vld [tilespmem:$0x1FF50];
	[tilespmem:v7+s15+$0x0] =	vst.idx.msk $0xffff, v6;
	v5 =	vor.u32 v43, v0  }
0x1fc: {  	v7 =	vor.u32 v9, v1;
	v6 =	vld.idx.msk [tilespmem:v8+s4+$0x0], $0xffff;
	_ =	sdelay $0x1  }
0x1fd: {  	v34 =	vld [tilespmem:$0x1FC40]  }
0x1fe: {  	v47 =	vld [tilespmem:$0x1FF60];
	[tilespmem:v4+s15+$0x0] =	vst.idx.msk $0xffff, v3  }
0x1ff: {  	v3 =	vld.idx.msk [tilespmem:v5+s4+$0x0], $0xffff  }
0x200: {  	v8 =	vor.u32 v45, v0;
	[tilespmem:v7+s15+$0x0] =	vst.idx.msk $0xffff, v6;
	v7 =	vld [tilespmem:$0x1FF70];
	_ =	sdelay $0x2  }
0x201: {  	v4 =	vor.u32 v34, v1  }
0x202: {  	v38 =	vld [tilespmem:$0x1FC50];
	v5 =	vor.u32 v47, v0  }
0x203: {  	v6 =	vld.idx.msk [tilespmem:v8+s4+$0x0], $0xffff;
	v7 =	vor.u32 v7, v1;
	_ =	sdelay $0x1  }
0x204: {  	v33 =	vld [tilespmem:$0x1FF80]  }
0x205: {  	v51 =	vld [tilespmem:$0x1FC60];
	[tilespmem:v4+s15+$0x0] =	vst.idx.msk $0xffff, v3  }
0x206: {  	v3 =	vld.idx.msk [tilespmem:v5+s4+$0x0], $0xffff  }
0x207: {  	v8 =	vor.u32 v38, v0;
	[tilespmem:v7+s15+$0x0] =	vst.idx.msk $0xffff, v6;
	v7 =	vld [tilespmem:$0x1FC70];
	_ =	sdelay $0x2  }
0x208: {  	v4 =	vor.u32 v33, v1  }
0x209: {  	v46 =	vld [tilespmem:$0x1FC80];
	v5 =	vor.u32 v51, v2  }
0x20a: {  	v6 =	vld.idx.msk [tilespmem:v8+s4+$0x0], $0xffff;
	v7 =	vor.u32 v7, v1;
	_ =	sdelay $0x1  }
0x20b: {  	v42 =	vld [tilespmem:$0x1FC90]  }
0x20c: {  	v55 =	vld [tilespmem:$0x1FCA0];
	[tilespmem:v4+s15+$0x0] =	vst.idx.msk $0xffff, v3  }
0x20d: {  	v3 =	vld.idx.msk [tilespmem:v5+s4+$0x0], $0xffff  }
0x20e: {  	v8 =	vor.u32 v46, v2;
	[tilespmem:v7+s15+$0x0] =	vst.idx.msk $0xffff, v6;
	v7 =	vld [tilespmem:$0x1FCB0]  }
0x20f: {  	v57 =	vld [tilespmem:$0x1FCC0];
	_ =	sdelay $0x1  }
0x210: {  	v53 =	vld [tilespmem:$0x1FF90];
	v4 =	vor.u32 v42, v1  }
0x211: {  	v59 =	vld [tilespmem:$0x1FCD0];
	v5 =	vor.u32 v55, v2  }
0x212: {  	v6 =	vld.idx.msk [tilespmem:v8+s4+$0x0], $0xffff;
	v7 =	vor.u32 v7, v1  }
0x213: {  	v48 =	vld [tilespmem:$0x1FCE0];
	v8 =	vor.u32 v57, v2  }
0x214: {  	v28 =	vld [tilespmem:$0x1FCF0]  }
0x215: {  	v50 =	vld [tilespmem:$0x1FD00];
	[tilespmem:v4+s15+$0x0] =	vst.idx.msk $0xffff, v3  }
0x216: {  	v4 =	vor.u32 v53, v1;
	v3 =	vld.idx.msk [tilespmem:v5+s4+$0x0], $0xffff  }
0x217: {  	v26 =	vld [tilespmem:$0x1FD10];
	v5 =	vor.u32 v59, v0;
	[tilespmem:v7+s15+$0x0] =	vst.idx.msk $0xffff, v6  }
0x218: {  	v7 =	vor.u32 v48, v1;
	v6 =	vld.idx.msk [tilespmem:v8+s4+$0x0], $0xffff  }
0x219: {  	v52 =	vld [tilespmem:$0x1FD20];
	v8 =	vor.u32 v28, v0  }
0x21a: {  	v54 =	vld [tilespmem:$0x1FD30]  }
0x21b: {  	v56 =	vld [tilespmem:$0x1FD40];
	[tilespmem:v4+s15+$0x0] =	vst.idx.msk $0xffff, v3  }
0x21c: {  	v4 =	vor.u32 v50, v1;
	v3 =	vld.idx.msk [tilespmem:v5+s4+$0x0], $0xffff  }
0x21d: {  	v58 =	vld [tilespmem:$0x1FD50];
	v5 =	vor.u32 v26, v0;
	[tilespmem:v7+s15+$0x0] =	vst.idx.msk $0xffff, v6  }
0x21e: {  	v7 =	vor.u32 v52, v1;
	v6 =	vld.idx.msk [tilespmem:v8+s4+$0x0], $0xffff  }
0x21f: {  	v60 =	vld [tilespmem:$0x1FD60];
	v8 =	vor.u32 v54, v0  }
0x220: {  	v62 =	vld [tilespmem:$0x1FD70]  }
0x221: {  	v63 =	vld [tilespmem:$0x1FD80];
	[tilespmem:v4+s15+$0x0] =	vst.idx.msk $0xffff, v3  }
0x222: {  	v4 =	vor.u32 v56, v1;
	v3 =	vld.idx.msk [tilespmem:v5+s4+$0x0], $0xffff  }
0x223: {  	v20 =	vld [tilespmem:$0x1FD90];
	v5 =	vor.u32 v58, v2;
	[tilespmem:v7+s15+$0x0] =	vst.idx.msk $0xffff, v6  }
0x224: {  	v7 =	vor.u32 v60, v1;
	v6 =	vld.idx.msk [tilespmem:v8+s4+$0x0], $0xffff  }
0x225: {  	v24 =	vld [tilespmem:$0x1FFA0];
	v8 =	vor.u32 v62, v2  }
0x226: {  	v23 =	vld [tilespmem:$0x1FDA0]  }
0x227: {  	v15 =	vld [tilespmem:$0x1FDB0];
	[tilespmem:v4+s15+$0x0] =	vst.idx.msk $0xffff, v3  }
0x228: {  	v4 =	vor.u32 v63, v1;
	v3 =	vld.idx.msk [tilespmem:v5+s4+$0x0], $0xffff  }
0x229: {  	v13 =	vld [tilespmem:$0x1FDC0];
	v5 =	vor.u32 v20, v2;
	[tilespmem:v7+s15+$0x0] =	vst.idx.msk $0xffff, v6  }
0x22a: {  	v7 =	vor.u32 v24, v1;
	v6 =	vld.idx.msk [tilespmem:v8+s4+$0x0], $0xffff  }
0x22b: {  	v10 =	vld [tilespmem:$0x1FFD0];
	v2 =	vor.u32 v23, v2  }
0x22c: {  	v21 =	vld [tilespmem:$0x1FDD0]  }
0x22d: {  	v39 =	vld [tilespmem:$0x1FFB0];
	[tilespmem:v4+s15+$0x0] =	vst.idx.msk $0xffff, v3  }
0x22e: {  	v4 =	vor.u32 v15, v1;
	v3 =	vld.idx.msk [tilespmem:v5+s4+$0x0], $0xffff  }
0x22f: {  	v11 =	vld [tilespmem:$0x1FFC0];
	v5 =	vor.u32 v13, v0;
	[tilespmem:v7+s15+$0x0] =	vst.idx.msk $0xffff, v6  }
0x230: {  	v6 =	vor.u32 v10, v1;
	v2 =	vld.idx.msk [tilespmem:v2+s4+$0x0], $0xffff  }
0x231: {  	v17 =	vld [tilespmem:$0x1FFE0];
	v7 =	vor.u32 v21, v0;
	_ =	sdelay $0x1  }
0x232: {  	v19 =	vld [tilespmem:$0x1FFF0];
	[tilespmem:v4+s15+$0x0] =	vst.idx.msk $0xffff, v3  }
0x233: {  	v4 =	vor.u32 v39, v1;
	v3 =	vld.idx.msk [tilespmem:v5+s4+$0x0], $0xffff  }
0x234: {  	v27 =	vld [tilespmem:$0x1FDE0];
	[tilespmem:v6+s15+$0x0] =	vst.idx.msk $0xffff, v2;
	v2 =	vor.u32 v11, v0  }
0x235: {  	v6 =	vor.u32 v17, v1;
	v5 =	vld.idx.msk [tilespmem:v7+s4+$0x0], $0xffff;
	_ =	sdelay $0x1  }
0x236: {  	s24 =	sadd.s32 $0x1, s24;
	v8 =	vlaneseq.u32  }
0x237: {  	[tilespmem:v4+s15+$0x0] =	vst.idx.msk $0xffff, v3;
	v3 =	vadd.s32 s24, v8  }
0x238: {  	v0 =	vor.u32 v19, v0;
	v4 =	vor.u32 v27, v1;
	v3 =	vand.u32 $0xF, v3;
	v2 =	vld.idx.msk [tilespmem:v2+s4+$0x0], $0xffff  }
0x239: {  	v1 =	vor.u32 v16, v1;
	[tilespmem:v6+s15+$0x0] =	vst.idx.msk $0xffff, v5;
	v5 =	vor.u32 v12, v3;
	v12 =	vmov v16;
	v16 =	vld [tilespmem:$0x1FE20];
	_ =	sdelay $0x3  }
0x23a: {  	v0 =	vld.idx.msk [tilespmem:v0+s4+$0x0], $0xffff  }
0x23b: {  	v6 =	vor.u32 v16, v3;
	_ =	sdelay $0x2  }
0x23c: {  	[tilespmem:v4+s15+$0x0] =	vst.idx.msk $0xffff, v2  }
0x23d: {  	v4 =	vld.idx.msk [tilespmem:v5+s4+$0x0], $0xffff;
	[tilespmem:v1+s15+$0x0] =	vst.idx.msk $0xffff, v0  }
0x23e: {  	v1 =	vld.idx.msk [tilespmem:v6+s4+$0x0], $0xffff  }
0x23f: {  	v6 =	vld [tilespmem:$0x1FC10];
	_ =	sdelay $0x1  }
0x240: {  	v2 =	vshll.u32 v3, $0x7  }
0x241: {  	v5 =	vor.u32 v8, v2  }
0x242: {  	v0 =	vor.u32 v18, v3;
	v18 =	vld [tilespmem:$0x1FE10]  }
0x243: {  	v6 =	vor.u32 v6, v2;
	_ =	sdelay $0x2  }
0x244: {  	[tilespmem:v5+s15+$0x0] =	vst.idx.msk $0xffff, v4  }
0x245: {  	v4 =	vor.u32 v14, v2;
	v7 =	vor.u32 v18, v3;
	v0 =	vld.idx.msk [tilespmem:v0+s4+$0x0], $0xffff  }
0x246: {  	[tilespmem:v6+s15+$0x0] =	vst.idx.msk $0xffff, v1;
	v1 =	vor.u32 v32, v3;
	_ =	sdelay $0x3  }
0x247: {  	v6 =	vor.u32 v61, v2;
	v5 =	vld.idx.msk [tilespmem:v7+s4+$0x0], $0xffff;
	[tilespmem:v4+s15+$0x0] =	vst.idx.msk $0xffff, v0  }
0x248: {  	v7 =	vor.u32 v29, v3;
	v0 =	vld.idx.msk [tilespmem:v1+s4+$0x0], $0xffff;
	v1 =	vor.u32 v25, v2  }
0x249: {  	v14 =	vmov v32;
	v32 =	vld [tilespmem:$0x1FEA0];
	v4 =	vor.u32 v31, v3;
	_ =	sdelay $0x2  }
0x24a: {  	[tilespmem:v6+s15+$0x0] =	vst.idx.msk $0xffff, v5  }
0x24b: {  	v6 =	vor.u32 v37, v2;
	v5 =	vld.idx.msk [tilespmem:v7+s4+$0x0], $0xffff;
	[tilespmem:v1+s15+$0x0] =	vst.idx.msk $0xffff, v0  }
0x24c: {  	v7 =	vor.u32 v32, v3;
	v1 =	vor.u32 v22, v2;
	v0 =	vld.idx.msk [tilespmem:v4+s4+$0x0], $0xffff  }
0x24d: {  	v4 =	vor.u32 v36, v3;
	_ =	sdelay $0x2  }
0x24e: {  	[tilespmem:v6+s15+$0x0] =	vst.idx.msk $0xffff, v5  }
0x24f: {  	v5 =	vld.idx.msk [tilespmem:v7+s4+$0x0], $0xffff;
	[tilespmem:v1+s15+$0x0] =	vst.idx.msk $0xffff, v0  }
0x250: {  	v0 =	vld.idx.msk [tilespmem:v4+s4+$0x0], $0xffff  }
0x251: {  	v6 =	vor.u32 v40, v2;
	v4 =	vld [tilespmem:$0x1FC20]  }
0x252: {  	v7 =	vor.u32 v35, v3;
	_ =	sdelay $0x2  }
0x253: {  	v1 =	vor.u32 v44, v2  }
0x254: {  	[tilespmem:v6+s15+$0x0] =	vst.idx.msk $0xffff, v5;
	v4 =	vor.u32 v4, v3  }
0x255: {  	v6 =	vor.u32 v49, v2;
	v5 =	vld.idx.msk [tilespmem:v7+s4+$0x0], $0xffff  }
0x256: {  	v7 =	vor.u32 v41, v3;
	_ =	sdelay $0x1  }
0x257: {  	[tilespmem:v1+s15+$0x0] =	vst.idx.msk $0xffff, v0  }
0x258: {  	v1 =	vor.u32 v30, v2;
	v0 =	vld.idx.msk [tilespmem:v4+s4+$0x0], $0xffff  }
0x259: {  	[tilespmem:v6+s15+$0x0] =	vst.idx.msk $0xffff, v5;
	v4 =	vor.u32 v43, v3  }
0x25a: {  	v6 =	vor.u32 v9, v2;
	v5 =	vld.idx.msk [tilespmem:v7+s4+$0x0], $0xffff  }
0x25b: {  	v9 =	vld [tilespmem:$0x1FF70];
	v7 =	vor.u32 v45, v3;
	_ =	sdelay $0x1  }
0x25c: {  	[tilespmem:v1+s15+$0x0] =	vst.idx.msk $0xffff, v0  }
0x25d: {  	v1 =	vor.u32 v34, v2;
	v0 =	vld.idx.msk [tilespmem:v4+s4+$0x0], $0xffff  }
0x25e: {  	[tilespmem:v6+s15+$0x0] =	vst.idx.msk $0xffff, v5;
	v4 =	vor.u32 v47, v3  }
0x25f: {  	v6 =	vor.u32 v9, v2;
	v5 =	vld.idx.msk [tilespmem:v7+s4+$0x0], $0xffff;
	_ =	sdelay $0x2  }
0x260: {  	[tilespmem:v1+s15+$0x0] =	vst.idx.msk $0xffff, v0  }
0x261: {  	v0 =	vld.idx.msk [tilespmem:v4+s4+$0x0], $0xffff  }
0x262: {  	v7 =	vor.u32 v38, v3;
	[tilespmem:v6+s15+$0x0] =	vst.idx.msk $0xffff, v5;
	v6 =	vld [tilespmem:$0x1FC70];
	_ =	sdelay $0x2  }
0x263: {  	v1 =	vor.u32 v33, v2  }
0x264: {  	v4 =	vor.u32 v51, v3  }
0x265: {  	v5 =	vld.idx.msk [tilespmem:v7+s4+$0x0], $0xffff;
	v6 =	vor.u32 v6, v2;
	_ =	sdelay $0x2  }
0x266: {  	[tilespmem:v1+s15+$0x0] =	vst.idx.msk $0xffff, v0  }
0x267: {  	v0 =	vld.idx.msk [tilespmem:v4+s4+$0x0], $0xffff  }
0x268: {  	v7 =	vor.u32 v46, v3;
	[tilespmem:v6+s15+$0x0] =	vst.idx.msk $0xffff, v5;
	v6 =	vld [tilespmem:$0x1FCB0];
	_ =	sdelay $0x3  }
0x269: {  	v1 =	vor.u32 v42, v2  }
0x26a: {  	v4 =	vor.u32 v55, v3;
	v5 =	vld.idx.msk [tilespmem:v7+s4+$0x0], $0xffff;
	v6 =	vor.u32 v6, v2  }
0x26b: {  	v7 =	vor.u32 v57, v3;
	_ =	sdelay $0x2  }
0x26c: {  	[tilespmem:v1+s15+$0x0] =	vst.idx.msk $0xffff, v0  }
0x26d: {  	v1 =	vor.u32 v53, v2;
	v0 =	vld.idx.msk [tilespmem:v4+s4+$0x0], $0xffff;
	[tilespmem:v6+s15+$0x0] =	vst.idx.msk $0xffff, v5  }
0x26e: {  	v4 =	vor.u32 v59, v3;
	v6 =	vor.u32 v48, v2;
	v5 =	vld.idx.msk [tilespmem:v7+s4+$0x0], $0xffff  }
0x26f: {  	v7 =	vor.u32 v28, v3;
	_ =	sdelay $0x2  }
0x270: {  	[tilespmem:v1+s15+$0x0] =	vst.idx.msk $0xffff, v0  }
0x271: {  	v1 =	vor.u32 v50, v2;
	v0 =	vld.idx.msk [tilespmem:v4+s4+$0x0], $0xffff;
	[tilespmem:v6+s15+$0x0] =	vst.idx.msk $0xffff, v5  }
0x272: {  	v4 =	vor.u32 v26, v3;
	v6 =	vor.u32 v52, v2;
	v5 =	vld.idx.msk [tilespmem:v7+s4+$0x0], $0xffff  }
0x273: {  	v7 =	vor.u32 v54, v3;
	_ =	sdelay $0x2  }
0x274: {  	[tilespmem:v1+s15+$0x0] =	vst.idx.msk $0xffff, v0  }
0x275: {  	v1 =	vor.u32 v56, v2;
	v0 =	vld.idx.msk [tilespmem:v4+s4+$0x0], $0xffff;
	[tilespmem:v6+s15+$0x0] =	vst.idx.msk $0xffff, v5  }
0x276: {  	v4 =	vor.u32 v58, v3;
	v6 =	vor.u32 v60, v2;
	v5 =	vld.idx.msk [tilespmem:v7+s4+$0x0], $0xffff  }
0x277: {  	v7 =	vor.u32 v62, v3;
	_ =	sdelay $0x2  }
0x278: {  	[tilespmem:v1+s15+$0x0] =	vst.idx.msk $0xffff, v0  }
0x279: {  	v1 =	vor.u32 v63, v2;
	v0 =	vld.idx.msk [tilespmem:v4+s4+$0x0], $0xffff;
	[tilespmem:v6+s15+$0x0] =	vst.idx.msk $0xffff, v5  }
0x27a: {  	v4 =	vor.u32 v20, v3;
	v6 =	vor.u32 v24, v2;
	v5 =	vld.idx.msk [tilespmem:v7+s4+$0x0], $0xffff  }
0x27b: {  	v7 =	vor.u32 v23, v3;
	_ =	sdelay $0x2  }
0x27c: {  	[tilespmem:v1+s15+$0x0] =	vst.idx.msk $0xffff, v0  }
0x27d: {  	v1 =	vor.u32 v15, v2;
	v0 =	vld.idx.msk [tilespmem:v4+s4+$0x0], $0xffff;
	[tilespmem:v6+s15+$0x0] =	vst.idx.msk $0xffff, v5  }
0x27e: {  	v4 =	vor.u32 v13, v3;
	v6 =	vor.u32 v10, v2;
	v5 =	vld.idx.msk [tilespmem:v7+s4+$0x0], $0xffff  }
0x27f: {  	v7 =	vor.u32 v21, v3;
	_ =	sdelay $0x2  }
0x280: {  	[tilespmem:v1+s15+$0x0] =	vst.idx.msk $0xffff, v0  }
0x281: {  	v1 =	vor.u32 v39, v2;
	v0 =	vld.idx.msk [tilespmem:v4+s4+$0x0], $0xffff;
	[tilespmem:v6+s15+$0x0] =	vst.idx.msk $0xffff, v5  }
0x282: {  	v4 =	vor.u32 v11, v3;
	v6 =	vor.u32 v17, v2;
	v5 =	vld.idx.msk [tilespmem:v7+s4+$0x0], $0xffff  }
0x283: {  	v3 =	vor.u32 v19, v3;
	_ =	sdelay $0x2  }
0x284: {  	[tilespmem:v1+s15+$0x0] =	vst.idx.msk $0xffff, v0  }
0x285: {  	v1 =	vor.u32 v27, v2;
	v0 =	vld.idx.msk [tilespmem:v4+s4+$0x0], $0xffff;
	[tilespmem:v6+s15+$0x0] =	vst.idx.msk $0xffff, v5  }
0x286: {  	v2 =	vor.u32 v12, v2;
	v3 =	vld.idx.msk [tilespmem:v3+s4+$0x0], $0xffff;
	_ =	sdelay $0x3  }
0x287: {  	s31 =	sshll.u32 s23, $0xB;
	[tilespmem:v1+s15+$0x0] =	vst.idx.msk $0xffff, v0  }
0x288: {  	s24 =	sadd.s32 s3, s31;
	[tilespmem:v2+s15+$0x0] =	vst.idx.msk $0xffff, v3  }
0x289: {  	[hbm4b:s24+s4] =	stream.linear.scatter [tilespmem:s15], [sflag:$0x3], $0x4000, $0x38;
	[tilespmem:$0xC000] =	vst v63  }
0x28a: {  	v34 =	vmov v40;
	v38 =	vmov v30;
	v30 =	vmov v44;
	s24 =	sadd.s32 s8, s22  }
0x28b: {  	v51 =	vmovc v53;
	v46 =	vmovc v14;
	v14 =	vmov v35;
	v35 =	vmov v49;
	v42 =	vmov v32;
	p1 =	sgt.u32 s24, $0x30D  }
0x28c: {  	v32 =	vmovc v24;
	v48 =	vmovc v37;
	v37 =	vmov v22;
	v28 =	vmov v61;
	v50 =	vmov v39;
	v0 =	vld [tilespmem:$0x1FF20];
	s24 =	sshll.u32 @!p1 s24, $0x7;
	s25 =	simm.s32 @!p1 $0x400  }
0x28d: {  	v26 =	vmovc v36;
	v36 =	vmovc v41;
	v41 =	vmov v47;
	v58 =	vmov v10;
	v23 =	vmov v45;
	v1 =	vld [tilespmem:$0x1FE30];
	s26 =	simm.s32 @!p1 $0xC3800;
	s28 =	simm.s32 @!p1 $0x0;
	s24 =	sadd.s32 @!p1 s0, s24  }
0x28e: {  	v10 =	vmovc v17;
	v21 =	vmovc v9;
	v9 =	vmov v19;
	v5 =	vmov v12;
	v2 =	vld [tilespmem:$0x1FE00];
	v3 =	vmov v16;
	[tilespmem:s28], [sflag:$0x1] =	stream.strided.gather @!p1 [hbm4b:s24+s25], $0x2000, s26, s25, $0x38  }
.LBB2_6:
0x28f: {  	s23 =	sor.u32 $0x20, s23  }
0x290: {  	p1 =	sgt.u32 s23, $0x30D  }
.Ltmp6:
0x291: {  	_ = 	snop;
	(pc) =	sbr.rel @p1 .LBB2_10-.Ltmp6, $1  }
0x292: {  	_ =	sdelay $0x3  }
0x293: {  	s24 =	simm.s32 $0x0  }
0x294: {  	v63 =	vmov v11;
	v11 =	vmov v0;
	_ =	swait.ge [sflag:s16], $0x2000;
	v0 =	vadd.s32 s24, v8  }
0x295: {  	v20 =	vmov v1;
	[sflag:s16] =	ssyncset.done $0x0;
	v1 =	vand.u32 $0xF, v0  }
0x296: {  	s24 =	simm.s32 @!p0 $0x4;
	[sflag:s16] =	ssyncadd.s32 $0xFFFFE000;
	v2 =	vor.u32 v2, v1  }
0x297: {  	_ =	swait.ge @!p0 [sflag:s24], $0x4000  }
0x298: {  	v3 =	vor.u32 v3, v1;
	v6 =	vor.u32 v11, v1;
	v11 =	vld [tilespmem:$0x1FC10]  }
0x299: {  	[sflag:s24] =	ssyncset.done @!p0 $0x0  }
0x29a: {  	v4 =	vshll.u32 v1, $0x7;
	[sflag:s24] =	ssyncadd.s32 @!p0 $0xFFFFC000  }
0x29b: {  	v5 =	vor.u32 v8, v4;
	v2 =	vld.idx.msk [tilespmem:v2+s13+$0x0], $0xffff;
	_ =	sdelay $0x1  }
0x29c: {  	v15 =	vmov v18;
	v3 =	vld.idx.msk [tilespmem:v3+s13+$0x0], $0xffff;
	v7 =	vor.u32 v11, v4  }
0x29d: {  	v8 =	vor.u32 v15, v1;
	_ =	sdelay $0x1  }
0x29e: {  	[tilespmem:v5+s17+$0x0] =	vst.idx.msk $0xffff, v2  }
0x29f: {  	v5 =	vor.u32 v20, v4;
	v2 =	vld.idx.msk [tilespmem:v6+s13+$0x0], $0xffff  }
0x2a0: {  	[tilespmem:v7+s17+$0x0] =	vst.idx.msk $0xffff, v3;
	v3 =	vor.u32 v46, v0  }
0x2a1: {  	v7 =	vor.u32 v28, v4;
	v6 =	vld.idx.msk [tilespmem:v8+s13+$0x0], $0xffff  }
0x2a2: {  	v8 =	vor.u32 v29, v0;
	_ =	sdelay $0x1  }
0x2a3: {  	[tilespmem:v5+s17+$0x0] =	vst.idx.msk $0xffff, v2  }
0x2a4: {  	v2 =	vld.idx.msk [tilespmem:v3+s13+$0x0], $0xffff;
	v3 =	vor.u32 v25, v4  }
0x2a5: {  	v5 =	vor.u32 v31, v0;
	[tilespmem:v7+s17+$0x0] =	vst.idx.msk $0xffff, v6  }
0x2a6: {  	v7 =	vor.u32 v48, v4;
	v6 =	vld.idx.msk [tilespmem:v8+s13+$0x0], $0xffff  }
0x2a7: {  	v8 =	vor.u32 v42, v0;
	_ =	sdelay $0x1  }
0x2a8: {  	[tilespmem:v3+s17+$0x0] =	vst.idx.msk $0xffff, v2  }
0x2a9: {  	v3 =	vor.u32 v37, v4;
	v2 =	vld.idx.msk [tilespmem:v5+s13+$0x0], $0xffff  }
0x2aa: {  	v9 =	vld [tilespmem:$0x1FC20];
	[tilespmem:v7+s17+$0x0] =	vst.idx.msk $0xffff, v6;
	v5 =	vor.u32 v26, v1  }
0x2ab: {  	v7 =	vor.u32 v34, v4;
	v6 =	vld.idx.msk [tilespmem:v8+s13+$0x0], $0xffff  }
0x2ac: {  	v8 =	vor.u32 v14, v1;
	_ =	sdelay $0x1  }
0x2ad: {  	[tilespmem:v3+s17+$0x0] =	vst.idx.msk $0xffff, v2  }
0x2ae: {  	v3 =	vor.u32 v30, v4;
	v2 =	vld.idx.msk [tilespmem:v5+s13+$0x0], $0xffff  }
0x2af: {  	[tilespmem:v7+s17+$0x0] =	vst.idx.msk $0xffff, v6;
	v5 =	vor.u32 v9, v1  }
0x2b0: {  	v7 =	vor.u32 v35, v4;
	v6 =	vld.idx.msk [tilespmem:v8+s13+$0x0], $0xffff  }
0x2b1: {  	v13 =	vld [tilespmem:$0x1FC30];
	v8 =	vor.u32 v36, v1;
	_ =	sdelay $0x1  }
0x2b2: {  	v12 =	vmov v38;
	[tilespmem:v3+s17+$0x0] =	vst.idx.msk $0xffff, v2  }
0x2b3: {  	v38 =	vmov v43;
	v3 =	vor.u32 v12, v4;
	v2 =	vld.idx.msk [tilespmem:v5+s13+$0x0], $0xffff  }
0x2b4: {  	v16 =	vld [tilespmem:$0x1FC40];
	[tilespmem:v7+s17+$0x0] =	vst.idx.msk $0xffff, v6;
	v5 =	vor.u32 v38, v0  }
0x2b5: {  	v45 =	vmov v23;
	v7 =	vor.u32 v13, v4;
	v6 =	vld.idx.msk [tilespmem:v8+s13+$0x0], $0xffff  }
0x2b6: {  	v8 =	vor.u32 v45, v0  }
0x2b7: {  	v17 =	vld [tilespmem:$0x1FC50]  }
0x2b8: {  	[tilespmem:v3+s17+$0x0] =	vst.idx.msk $0xffff, v2  }
0x2b9: {  	v3 =	vor.u32 v16, v4;
	v2 =	vld.idx.msk [tilespmem:v5+s13+$0x0], $0xffff  }
0x2ba: {  	v18 =	vld [tilespmem:$0x1FC60];
	[tilespmem:v7+s17+$0x0] =	vst.idx.msk $0xffff, v6;
	v5 =	vor.u32 v41, v0  }
0x2bb: {  	v7 =	vor.u32 v21, v4;
	v6 =	vld.idx.msk [tilespmem:v8+s13+$0x0], $0xffff  }
0x2bc: {  	v19 =	vld [tilespmem:$0x1FC70];
	v8 =	vor.u32 v17, v0  }
0x2bd: {  	v23 =	vld [tilespmem:$0x1FC80]  }
0x2be: {  	v22 =	vmov v33;
	v24 =	vld [tilespmem:$0x1FC90];
	[tilespmem:v3+s17+$0x0] =	vst.idx.msk $0xffff, v2  }
0x2bf: {  	v3 =	vor.u32 v22, v4;
	v2 =	vld.idx.msk [tilespmem:v5+s13+$0x0], $0xffff  }
0x2c0: {  	v27 =	vld [tilespmem:$0x1FCA0];
	[tilespmem:v7+s17+$0x0] =	vst.idx.msk $0xffff, v6;
	v5 =	vor.u32 v18, v1  }
0x2c1: {  	v7 =	vor.u32 v19, v4;
	v6 =	vld.idx.msk [tilespmem:v8+s13+$0x0], $0xffff  }
0x2c2: {  	v33 =	vld [tilespmem:$0x1FCB0];
	v8 =	vor.u32 v23, v1  }
0x2c3: {  	v32 =	vld [tilespmem:$0x1FCC0]  }
0x2c4: {  	[tilespmem:v3+s17+$0x0] =	vst.idx.msk $0xffff, v2  }
0x2c5: {  	v3 =	vor.u32 v24, v4;
	v2 =	vld.idx.msk [tilespmem:v5+s13+$0x0], $0xffff  }
0x2c6: {  	v39 =	vld [tilespmem:$0x1FCD0];
	[tilespmem:v7+s17+$0x0] =	vst.idx.msk $0xffff, v6;
	v5 =	vor.u32 v27, v1  }
0x2c7: {  	v7 =	vor.u32 v33, v4;
	v6 =	vld.idx.msk [tilespmem:v8+s13+$0x0], $0xffff  }
0x2c8: {  	v43 =	vld [tilespmem:$0x1FCE0];
	v8 =	vor.u32 v32, v1  }
0x2c9: {  	v40 =	vld [tilespmem:$0x1FCF0]  }
0x2ca: {  	v44 =	vld [tilespmem:$0x1FD00];
	[tilespmem:v3+s17+$0x0] =	vst.idx.msk $0xffff, v2  }
0x2cb: {  	v3 =	vor.u32 v51, v4;
	v2 =	vld.idx.msk [tilespmem:v5+s13+$0x0], $0xffff  }
0x2cc: {  	v47 =	vld [tilespmem:$0x1FD10];
	[tilespmem:v7+s17+$0x0] =	vst.idx.msk $0xffff, v6;
	v5 =	vor.u32 v39, v0  }
0x2cd: {  	v7 =	vor.u32 v43, v4;
	v6 =	vld.idx.msk [tilespmem:v8+s13+$0x0], $0xffff  }
0x2ce: {  	v49 =	vld [tilespmem:$0x1FD20];
	v8 =	vor.u32 v40, v0  }
0x2cf: {  	v62 =	vmov v50;
	v50 =	vld [tilespmem:$0x1FD30]  }
0x2d0: {  	v52 =	vld [tilespmem:$0x1FD40];
	[tilespmem:v3+s17+$0x0] =	vst.idx.msk $0xffff, v2  }
0x2d1: {  	v3 =	vor.u32 v44, v4;
	v2 =	vld.idx.msk [tilespmem:v5+s13+$0x0], $0xffff  }
0x2d2: {  	v53 =	vld [tilespmem:$0x1FD50];
	[tilespmem:v7+s17+$0x0] =	vst.idx.msk $0xffff, v6;
	v5 =	vor.u32 v47, v0  }
0x2d3: {  	v7 =	vor.u32 v49, v4;
	v6 =	vld.idx.msk [tilespmem:v8+s13+$0x0], $0xffff  }
0x2d4: {  	v55 =	vld [tilespmem:$0x1FD60];
	v8 =	vor.u32 v50, v0  }
0x2d5: {  	v54 =	vld [tilespmem:$0x1FD70]  }
0x2d6: {  	v57 =	vld [tilespmem:$0x1FD80];
	[tilespmem:v3+s17+$0x0] =	vst.idx.msk $0xffff, v2  }
0x2d7: {  	v3 =	vor.u32 v52, v4;
	v2 =	vld.idx.msk [tilespmem:v5+s13+$0x0], $0xffff  }
0x2d8: {  	v56 =	vld [tilespmem:$0x1FD90];
	[tilespmem:v7+s17+$0x0] =	vst.idx.msk $0xffff, v6;
	v5 =	vor.u32 v53, v1  }
0x2d9: {  	v7 =	vor.u32 v55, v4;
	v6 =	vld.idx.msk [tilespmem:v8+s13+$0x0], $0xffff  }
0x2da: {  	v33 =	vld [tilespmem:$0x1FFA0];
	v8 =	vor.u32 v54, v1  }
0x2db: {  	v61 =	vmov v58;
	v58 =	vld [tilespmem:$0x1FDA0]  }
0x2dc: {  	v59 =	vld [tilespmem:$0x1FDB0];
	[tilespmem:v3+s17+$0x0] =	vst.idx.msk $0xffff, v2  }
0x2dd: {  	v3 =	vor.u32 v57, v4;
	v2 =	vld.idx.msk [tilespmem:v5+s13+$0x0], $0xffff  }
0x2de: {  	v60 =	vld [tilespmem:$0x1FDC0];
	[tilespmem:v7+s17+$0x0] =	vst.idx.msk $0xffff, v6;
	v5 =	vor.u32 v56, v1  }
0x2df: {  	v7 =	vor.u32 v33, v4;
	v6 =	vld.idx.msk [tilespmem:v8+s13+$0x0], $0xffff  }
0x2e0: {  	v1 =	vor.u32 v58, v1;
	_ =	sdelay $0x1  }
0x2e1: {  	[tilespmem:v3+s17+$0x0] =	vst.idx.msk $0xffff, v2  }
0x2e2: {  	v3 =	vor.u32 v59, v4;
	v2 =	vld.idx.msk [tilespmem:v5+s13+$0x0], $0xffff  }
0x2e3: {  	v10 =	vld [tilespmem:$0x1FDD0];
	[tilespmem:v7+s17+$0x0] =	vst.idx.msk $0xffff, v6;
	v5 =	vor.u32 v60, v0  }
0x2e4: {  	v6 =	vor.u32 v61, v4;
	v1 =	vld.idx.msk [tilespmem:v1+s13+$0x0], $0xffff;
	_ =	sdelay $0x2  }
0x2e5: {  	[tilespmem:v3+s17+$0x0] =	vst.idx.msk $0xffff, v2  }
0x2e6: {  	v2 =	vld.idx.msk [tilespmem:v5+s13+$0x0], $0xffff  }
0x2e7: {  	v7 =	vor.u32 v10, v0;
	[tilespmem:v6+s17+$0x0] =	vst.idx.msk $0xffff, v1;
	v6 =	vld [tilespmem:$0x1FFE0];
	_ =	sdelay $0x2  }
0x2e8: {  	v3 =	vor.u32 v62, v4  }
0x2e9: {  	v1 =	vor.u32 v63, v0  }
0x2ea: {  	v5 =	vld.idx.msk [tilespmem:v7+s13+$0x0], $0xffff;
	v6 =	vor.u32 v6, v4  }
0x2eb: {  	v43 =	vld [tilespmem:$0x1FFF0];
	_ =	sdelay $0x1  }
0x2ec: {  	v39 =	vmov v10;
	v10 =	vld [tilespmem:$0x1FDE0];
	[tilespmem:v3+s17+$0x0] =	vst.idx.msk $0xffff, v2  }
0x2ed: {  	v1 =	vld.idx.msk [tilespmem:v1+s13+$0x0], $0xffff  }
0x2ee: {  	[tilespmem:v6+s17+$0x0] =	vst.idx.msk $0xffff, v5;
	v5 =	vld [tilespmem:$0x1FE00]  }
0x2ef: {  	v0 =	vor.u32 v43, v0;
	v6 =	vld [tilespmem:$0x1FDF0]  }
0x2f0: {  	s31 =	simm.s32 $0x1;
	v8 =	vlaneseq.u32  }
0x2f1: {  	v2 =	vadd.s32 s31, v8  }
0x2f2: {  	v3 =	vor.u32 v10, v4;
	v2 =	vand.u32 $0xF, v2  }
0x2f3: {  	v5 =	vor.u32 v5, v2  }
0x2f4: {  	v0 =	vld.idx.msk [tilespmem:v0+s13+$0x0], $0xffff;
	v4 =	vor.u32 v6, v4  }
0x2f5: {  	v6 =	vld [tilespmem:$0x1FE20];
	_ =	sdelay $0x1  }
0x2f6: {  	[tilespmem:v3+s17+$0x0] =	vst.idx.msk $0xffff, v1  }
0x2f7: {  	v3 =	vld.idx.msk [tilespmem:v5+s13+$0x0], $0xffff  }
0x2f8: {  	[tilespmem:v4+s17+$0x0] =	vst.idx.msk $0xffff, v0;
	v0 =	vld [tilespmem:$0x1FF20]  }
0x2f9: {  	v6 =	vor.u32 v6, v2;
	_ =	sdelay $0x1  }
0x2fa: {  	v1 =	vshll.u32 v2, $0x7  }
0x2fb: {  	v5 =	vor.u32 v8, v1  }
0x2fc: {  	v7 =	vld [tilespmem:$0x1FE10];
	v0 =	vor.u32 v0, v2  }
0x2fd: {  	v4 =	vld.idx.msk [tilespmem:v6+s13+$0x0], $0xffff;
	v6 =	vor.u32 v11, v1;
	_ =	sdelay $0x2  }
0x2fe: {  	[tilespmem:v5+s17+$0x0] =	vst.idx.msk $0xffff, v3  }
0x2ff: {  	v7 =	vor.u32 v7, v2;
	v3 =	vor.u32 v20, v1;
	v0 =	vld.idx.msk [tilespmem:v0+s13+$0x0], $0xffff  }
0x300: {  	[tilespmem:v6+s17+$0x0] =	vst.idx.msk $0xffff, v4;
	v4 =	vor.u32 v46, v2;
	_ =	sdelay $0x3  }
0x301: {  	v6 =	vor.u32 v28, v1;
	v5 =	vld.idx.msk [tilespmem:v7+s13+$0x0], $0xffff;
	[tilespmem:v3+s17+$0x0] =	vst.idx.msk $0xffff, v0  }
0x302: {  	v7 =	vor.u32 v29, v2;
	v3 =	vor.u32 v25, v1;
	v0 =	vld.idx.msk [tilespmem:v4+s13+$0x0], $0xffff  }
0x303: {  	v4 =	vor.u32 v31, v2;
	_ =	sdelay $0x2  }
0x304: {  	[tilespmem:v6+s17+$0x0] =	vst.idx.msk $0xffff, v5  }
0x305: {  	v6 =	vor.u32 v48, v1;
	v5 =	vld.idx.msk [tilespmem:v7+s13+$0x0], $0xffff;
	[tilespmem:v3+s17+$0x0] =	vst.idx.msk $0xffff, v0  }
0x306: {  	v7 =	vor.u32 v42, v2;
	v3 =	vor.u32 v37, v1;
	v0 =	vld.idx.msk [tilespmem:v4+s13+$0x0], $0xffff  }
0x307: {  	v4 =	vor.u32 v26, v2;
	_ =	sdelay $0x2  }
0x308: {  	[tilespmem:v6+s17+$0x0] =	vst.idx.msk $0xffff, v5  }
0x309: {  	v6 =	vor.u32 v34, v1;
	v5 =	vld.idx.msk [tilespmem:v7+s13+$0x0], $0xffff;
	[tilespmem:v3+s17+$0x0] =	vst.idx.msk $0xffff, v0  }
0x30a: {  	v7 =	vor.u32 v14, v2;
	v0 =	vld.idx.msk [tilespmem:v4+s13+$0x0], $0xffff  }
0x30b: {  	v3 =	vor.u32 v30, v1;
	v4 =	vld [tilespmem:$0x1FC20];
	_ =	sdelay $0x2  }
0x30c: {  	[tilespmem:v6+s17+$0x0] =	vst.idx.msk $0xffff, v5  }
0x30d: {  	v5 =	vld.idx.msk [tilespmem:v7+s13+$0x0], $0xffff  }
0x30e: {  	v4 =	vor.u32 v4, v2;
	[tilespmem:v3+s17+$0x0] =	vst.idx.msk $0xffff, v0;
	v3 =	vld [tilespmem:$0x1FF30]  }
0x30f: {  	v6 =	vor.u32 v35, v1;
	_ =	sdelay $0x2  }
0x310: {  	v7 =	vor.u32 v36, v2  }
0x311: {  	v0 =	vld.idx.msk [tilespmem:v4+s13+$0x0], $0xffff;
	v3 =	vor.u32 v3, v1  }
0x312: {  	[tilespmem:v6+s17+$0x0] =	vst.idx.msk $0xffff, v5;
	v6 =	vld [tilespmem:$0x1FC30];
	_ =	sdelay $0x2  }
0x313: {  	v5 =	vld.idx.msk [tilespmem:v7+s13+$0x0], $0xffff  }
0x314: {  	v4 =	vor.u32 v38, v2;
	[tilespmem:v3+s17+$0x0] =	vst.idx.msk $0xffff, v0;
	v3 =	vld [tilespmem:$0x1FC40]  }
0x315: {  	v6 =	vor.u32 v6, v1  }
0x316: {  	v7 =	vor.u32 v45, v2;
	_ =	sdelay $0x2  }
0x317: {  	v0 =	vld.idx.msk [tilespmem:v4+s13+$0x0], $0xffff;
	v3 =	vor.u32 v3, v1  }
0x318: {  	v4 =	vor.u32 v41, v2;
	[tilespmem:v6+s17+$0x0] =	vst.idx.msk $0xffff, v5  }
0x319: {  	v5 =	vld.idx.msk [tilespmem:v7+s13+$0x0], $0xffff  }
0x31a: {  	v7 =	vld [tilespmem:$0x1FC50];
	_ =	sdelay $0x1  }
0x31b: {  	v6 =	vor.u32 v21, v1;
	[tilespmem:v3+s17+$0x0] =	vst.idx.msk $0xffff, v0  }
0x31c: {  	v0 =	vld.idx.msk [tilespmem:v4+s13+$0x0], $0xffff  }
0x31d: {  	v4 =	vld [tilespmem:$0x1FC60]  }
0x31e: {  	v7 =	vor.u32 v7, v2;
	_ =	sdelay $0x1  }
0x31f: {  	[tilespmem:v6+s17+$0x0] =	vst.idx.msk $0xffff, v5;
	v6 =	vld [tilespmem:$0x1FC70]  }
0x320: {  	v3 =	vor.u32 v22, v1  }
0x321: {  	v4 =	vor.u32 v4, v2  }
0x322: {  	v5 =	vld.idx.msk [tilespmem:v7+s13+$0x0], $0xffff  }
0x323: {  	v7 =	vld [tilespmem:$0x1FC80]  }
0x324: {  	v6 =	vor.u32 v6, v1  }
0x325: {  	[tilespmem:v3+s17+$0x0] =	vst.idx.msk $0xffff, v0;
	v3 =	vld [tilespmem:$0x1FC90]  }
0x326: {  	v0 =	vld.idx.msk [tilespmem:v4+s13+$0x0], $0xffff  }
0x327: {  	v4 =	vld [tilespmem:$0x1FCA0]  }
0x328: {  	v7 =	vor.u32 v7, v2  }
0x329: {  	[tilespmem:v6+s17+$0x0] =	vst.idx.msk $0xffff, v5;
	v6 =	vld [tilespmem:$0x1FCB0];
	_ =	sdelay $0x1  }
0x32a: {  	v3 =	vor.u32 v3, v1  }
0x32b: {  	v4 =	vor.u32 v4, v2  }
0x32c: {  	v5 =	vld.idx.msk [tilespmem:v7+s13+$0x0], $0xffff  }
0x32d: {  	v6 =	vor.u32 v6, v1;
	v7 =	vld [tilespmem:$0x1FCC0];
	_ =	sdelay $0x1  }
0x32e: {  	[tilespmem:v3+s17+$0x0] =	vst.idx.msk $0xffff, v0  }
0x32f: {  	v0 =	vld.idx.msk [tilespmem:v4+s13+$0x0], $0xffff  }
0x330: {  	v4 =	vld [tilespmem:$0x1FCD0]  }
0x331: {  	v7 =	vor.u32 v7, v2;
	[tilespmem:v6+s17+$0x0] =	vst.idx.msk $0xffff, v5;
	v6 =	vld [tilespmem:$0x1FCE0];
	_ =	sdelay $0x2  }
0x332: {  	v3 =	vor.u32 v51, v1  }
0x333: {  	v4 =	vor.u32 v4, v2  }
0x334: {  	v5 =	vld.idx.msk [tilespmem:v7+s13+$0x0], $0xffff;
	v6 =	vor.u32 v6, v1  }
0x335: {  	v7 =	vor.u32 v40, v2;
	_ =	sdelay $0x1  }
0x336: {  	[tilespmem:v3+s17+$0x0] =	vst.idx.msk $0xffff, v0  }
0x337: {  	v3 =	vor.u32 v44, v1;
	v0 =	vld.idx.msk [tilespmem:v4+s13+$0x0], $0xffff  }
0x338: {  	[tilespmem:v6+s17+$0x0] =	vst.idx.msk $0xffff, v5;
	v4 =	vor.u32 v47, v2  }
0x339: {  	v32 =	vmov v50;
	v6 =	vor.u32 v49, v1;
	v5 =	vld.idx.msk [tilespmem:v7+s13+$0x0], $0xffff  }
0x33a: {  	v7 =	vor.u32 v32, v2;
	_ =	sdelay $0x1  }
0x33b: {  	[tilespmem:v3+s17+$0x0] =	vst.idx.msk $0xffff, v0  }
0x33c: {  	v3 =	vor.u32 v52, v1;
	v0 =	vld.idx.msk [tilespmem:v4+s13+$0x0], $0xffff  }
0x33d: {  	[tilespmem:v6+s17+$0x0] =	vst.idx.msk $0xffff, v5;
	v4 =	vor.u32 v53, v2  }
0x33e: {  	v6 =	vor.u32 v55, v1;
	v5 =	vld.idx.msk [tilespmem:v7+s13+$0x0], $0xffff  }
0x33f: {  	v7 =	vor.u32 v54, v2;
	_ =	sdelay $0x1  }
0x340: {  	[tilespmem:v3+s17+$0x0] =	vst.idx.msk $0xffff, v0  }
0x341: {  	v3 =	vor.u32 v57, v1;
	v0 =	vld.idx.msk [tilespmem:v4+s13+$0x0], $0xffff  }
0x342: {  	[tilespmem:v6+s17+$0x0] =	vst.idx.msk $0xffff, v5;
	v4 =	vor.u32 v56, v2  }
0x343: {  	v6 =	vor.u32 v33, v1;
	v5 =	vld.idx.msk [tilespmem:v7+s13+$0x0], $0xffff  }
0x344: {  	v7 =	vor.u32 v58, v2;
	_ =	sdelay $0x1  }
0x345: {  	[tilespmem:v3+s17+$0x0] =	vst.idx.msk $0xffff, v0  }
0x346: {  	v3 =	vor.u32 v59, v1;
	v0 =	vld.idx.msk [tilespmem:v4+s13+$0x0], $0xffff  }
0x347: {  	[tilespmem:v6+s17+$0x0] =	vst.idx.msk $0xffff, v5;
	v4 =	vor.u32 v60, v2  }
0x348: {  	v6 =	vor.u32 v61, v1;
	v5 =	vld.idx.msk [tilespmem:v7+s13+$0x0], $0xffff;
	_ =	sdelay $0x2  }
0x349: {  	[tilespmem:v3+s17+$0x0] =	vst.idx.msk $0xffff, v0  }
0x34a: {  	v0 =	vld.idx.msk [tilespmem:v4+s13+$0x0], $0xffff  }
0x34b: {  	v7 =	vor.u32 v39, v2;
	[tilespmem:v6+s17+$0x0] =	vst.idx.msk $0xffff, v5;
	v6 =	vld [tilespmem:$0x1FFE0];
	_ =	sdelay $0x3  }
0x34c: {  	v3 =	vor.u32 v62, v1  }
0x34d: {  	v4 =	vor.u32 v63, v2;
	v5 =	vld.idx.msk [tilespmem:v7+s13+$0x0], $0xffff;
	v6 =	vor.u32 v6, v1  }
0x34e: {  	v2 =	vor.u32 v43, v2;
	_ =	sdelay $0x2  }
0x34f: {  	[tilespmem:v3+s17+$0x0] =	vst.idx.msk $0xffff, v0  }
0x350: {  	s24 =	simm.s32 $0x2;
	v3 =	vld.idx.msk [tilespmem:v4+s13+$0x0], $0xffff;
	[tilespmem:v6+s17+$0x0] =	vst.idx.msk $0xffff, v5  }
0x351: {  	s25 =	simm.s32 $0x4;
	v0 =	vadd.s32 s24, v8;
	v5 =	vor.u32 v10, v1;
	v4 =	vld.idx.msk [tilespmem:v2+s13+$0x0], $0xffff  }
.LBB2_8:
0x352: {  	v6 =	vld [tilespmem:$0x1FDF0]  }
0x353: {  	v20 =	vld [tilespmem:$0x1FE20];
	_ =	sdelay $0x1  }
0x354: {  	v18 =	vld [tilespmem:$0x1FE00];
	_ =	sdelay $0x1  }
0x355: {  	v2 =	vand.u32 $0xF, v0;
	v1 =	vor.u32 v6, v1  }
0x356: {  	v7 =	vor.u32 v20, v2;
	_ =	sdelay $0x1  }
0x357: {  	v6 =	vor.u32 v18, v2  }
0x358: {  	v11 =	vld [tilespmem:$0x1FF20];
	[tilespmem:v5+s17+$0x0] =	vst.idx.msk $0xffff, v3  }
0x359: {  	v19 =	vld [tilespmem:$0x1FE10];
	[tilespmem:v1+s17+$0x0] =	vst.idx.msk $0xffff, v4  }
0x35a: {  	v4 =	vld.idx.msk [tilespmem:v7+s13+$0x0], $0xffff  }
0x35b: {  	v1 =	vshll.u32 v2, $0x7;
	v7 =	vld [tilespmem:$0x1FC10]  }
0x35c: {  	v3 =	vld.idx.msk [tilespmem:v6+s13+$0x0], $0xffff;
	v5 =	vor.u32 v8, v1  }
0x35d: {  	v21 =	vld [tilespmem:$0x1FE30];
	v6 =	vor.u32 v11, v2  }
0x35e: {  	v22 =	vld [tilespmem:$0x1FE40];
	_ =	sdelay $0x1  }
0x35f: {  	v23 =	vld [tilespmem:$0x1FE50];
	v7 =	vor.u32 v7, v1  }
0x360: {  	v24 =	vld [tilespmem:$0x1FE60];
	v8 =	vor.u32 v19, v2;
	[tilespmem:v5+s17+$0x0] =	vst.idx.msk $0xffff, v3  }
0x361: {  	v5 =	vor.u32 v21, v1;
	v3 =	vld.idx.msk [tilespmem:v6+s13+$0x0], $0xffff  }
0x362: {  	v25 =	vld [tilespmem:$0x1FE70];
	v6 =	vor.u32 v22, v0  }
0x363: {  	v26 =	vld [tilespmem:$0x1FE80]  }
0x364: {  	v27 =	vld [tilespmem:$0x1FE90];
	[tilespmem:v7+s17+$0x0] =	vst.idx.msk $0xffff, v4  }
0x365: {  	v7 =	vor.u32 v23, v1;
	v4 =	vld.idx.msk [tilespmem:v8+s13+$0x0], $0xffff  }
0x366: {  	v28 =	vld [tilespmem:$0x1FEA0];
	v8 =	vor.u32 v24, v0;
	[tilespmem:v5+s17+$0x0] =	vst.idx.msk $0xffff, v3  }
0x367: {  	v5 =	vor.u32 v25, v1;
	v3 =	vld.idx.msk [tilespmem:v6+s13+$0x0], $0xffff  }
0x368: {  	v29 =	vld [tilespmem:$0x1FEB0];
	v6 =	vor.u32 v26, v0  }
0x369: {  	v30 =	vld [tilespmem:$0x1FEC0]  }
0x36a: {  	v31 =	vld [tilespmem:$0x1FED0];
	[tilespmem:v7+s17+$0x0] =	vst.idx.msk $0xffff, v4  }
0x36b: {  	v7 =	vor.u32 v27, v1;
	v4 =	vld.idx.msk [tilespmem:v8+s13+$0x0], $0xffff  }
0x36c: {  	v32 =	vld [tilespmem:$0x1FEE0];
	v8 =	vor.u32 v28, v0;
	[tilespmem:v5+s17+$0x0] =	vst.idx.msk $0xffff, v3  }
0x36d: {  	v5 =	vor.u32 v29, v1;
	v3 =	vld.idx.msk [tilespmem:v6+s13+$0x0], $0xffff  }
0x36e: {  	v33 =	vld [tilespmem:$0x1FEF0];
	v6 =	vor.u32 v30, v2  }
0x36f: {  	v34 =	vld [tilespmem:$0x1FC20]  }
0x370: {  	v35 =	vld [tilespmem:$0x1FF00];
	[tilespmem:v7+s17+$0x0] =	vst.idx.msk $0xffff, v4  }
0x371: {  	v7 =	vor.u32 v31, v1;
	v4 =	vld.idx.msk [tilespmem:v8+s13+$0x0], $0xffff  }
0x372: {  	v36 =	vld [tilespmem:$0x1FF10];
	v8 =	vor.u32 v32, v2;
	[tilespmem:v5+s17+$0x0] =	vst.idx.msk $0xffff, v3  }
0x373: {  	v5 =	vor.u32 v33, v1;
	v3 =	vld.idx.msk [tilespmem:v6+s13+$0x0], $0xffff  }
0x374: {  	v12 =	vld [tilespmem:$0x1FF30];
	v6 =	vor.u32 v34, v2  }
0x375: {  	v37 =	vld [tilespmem:$0x1FF40]  }
0x376: {  	v38 =	vld [tilespmem:$0x1FC30];
	[tilespmem:v7+s17+$0x0] =	vst.idx.msk $0xffff, v4  }
0x377: {  	v7 =	vor.u32 v35, v1;
	v4 =	vld.idx.msk [tilespmem:v8+s13+$0x0], $0xffff  }
0x378: {  	v39 =	vld [tilespmem:$0x1FF50];
	v8 =	vor.u32 v36, v2;
	[tilespmem:v5+s17+$0x0] =	vst.idx.msk $0xffff, v3  }
0x379: {  	v5 =	vor.u32 v12, v1;
	v3 =	vld.idx.msk [tilespmem:v6+s13+$0x0], $0xffff  }
0x37a: {  	v40 =	vld [tilespmem:$0x1FC40];
	v6 =	vor.u32 v37, v0  }
0x37b: {  	v41 =	vld [tilespmem:$0x1FF60]  }
0x37c: {  	v42 =	vld [tilespmem:$0x1FF70];
	[tilespmem:v7+s17+$0x0] =	vst.idx.msk $0xffff, v4  }
0x37d: {  	v7 =	vor.u32 v38, v1;
	v4 =	vld.idx.msk [tilespmem:v8+s13+$0x0], $0xffff  }
0x37e: {  	v43 =	vld [tilespmem:$0x1FC50];
	v8 =	vor.u32 v39, v0;
	[tilespmem:v5+s17+$0x0] =	vst.idx.msk $0xffff, v3  }
0x37f: {  	v5 =	vor.u32 v40, v1;
	v3 =	vld.idx.msk [tilespmem:v6+s13+$0x0], $0xffff  }
0x380: {  	v44 =	vld [tilespmem:$0x1FF80];
	v6 =	vor.u32 v41, v0  }
0x381: {  	v45 =	vld [tilespmem:$0x1FC60]  }
0x382: {  	v46 =	vld [tilespmem:$0x1FC70];
	[tilespmem:v7+s17+$0x0] =	vst.idx.msk $0xffff, v4  }
0x383: {  	v7 =	vor.u32 v42, v1;
	v4 =	vld.idx.msk [tilespmem:v8+s13+$0x0], $0xffff  }
0x384: {  	v47 =	vld [tilespmem:$0x1FC80];
	v8 =	vor.u32 v43, v0;
	[tilespmem:v5+s17+$0x0] =	vst.idx.msk $0xffff, v3  }
0x385: {  	v5 =	vor.u32 v44, v1;
	v3 =	vld.idx.msk [tilespmem:v6+s13+$0x0], $0xffff  }
0x386: {  	v48 =	vld [tilespmem:$0x1FC90];
	v6 =	vor.u32 v45, v2  }
0x387: {  	v49 =	vld [tilespmem:$0x1FCA0]  }
0x388: {  	v50 =	vld [tilespmem:$0x1FCB0];
	[tilespmem:v7+s17+$0x0] =	vst.idx.msk $0xffff, v4  }
0x389: {  	v7 =	vor.u32 v46, v1;
	v4 =	vld.idx.msk [tilespmem:v8+s13+$0x0], $0xffff  }
0x38a: {  	v51 =	vld [tilespmem:$0x1FCC0];
	v8 =	vor.u32 v47, v2;
	[tilespmem:v5+s17+$0x0] =	vst.idx.msk $0xffff, v3  }
0x38b: {  	v5 =	vor.u32 v48, v1;
	v3 =	vld.idx.msk [tilespmem:v6+s13+$0x0], $0xffff  }
0x38c: {  	v52 =	vld [tilespmem:$0x1FF90];
	v6 =	vor.u32 v49, v2  }
0x38d: {  	v53 =	vld [tilespmem:$0x1FCD0]  }
0x38e: {  	v54 =	vld [tilespmem:$0x1FCE0];
	[tilespmem:v7+s17+$0x0] =	vst.idx.msk $0xffff, v4  }
0x38f: {  	v7 =	vor.u32 v50, v1;
	v4 =	vld.idx.msk [tilespmem:v8+s13+$0x0], $0xffff  }
0x390: {  	v55 =	vld [tilespmem:$0x1FCF0];
	v8 =	vor.u32 v51, v2;
	[tilespmem:v5+s17+$0x0] =	vst.idx.msk $0xffff, v3  }
0x391: {  	v5 =	vor.u32 v52, v1;
	v3 =	vld.idx.msk [tilespmem:v6+s13+$0x0], $0xffff  }
0x392: {  	v56 =	vld [tilespmem:$0x1FD00];
	v6 =	vor.u32 v53, v0  }
0x393: {  	v57 =	vld [tilespmem:$0x1FD10]  }
0x394: {  	v58 =	vld [tilespmem:$0x1FD20];
	[tilespmem:v7+s17+$0x0] =	vst.idx.msk $0xffff, v4  }
0x395: {  	v7 =	vor.u32 v54, v1;
	v4 =	vld.idx.msk [tilespmem:v8+s13+$0x0], $0xffff  }
0x396: {  	v59 =	vld [tilespmem:$0x1FD30];
	v8 =	vor.u32 v55, v0;
	[tilespmem:v5+s17+$0x0] =	vst.idx.msk $0xffff, v3  }
0x397: {  	v5 =	vor.u32 v56, v1;
	v3 =	vld.idx.msk [tilespmem:v6+s13+$0x0], $0xffff  }
0x398: {  	v60 =	vld [tilespmem:$0x1FD40];
	v6 =	vor.u32 v57, v0  }
0x399: {  	v61 =	vld [tilespmem:$0x1FD50]  }
0x39a: {  	v62 =	vld [tilespmem:$0x1FD60];
	[tilespmem:v7+s17+$0x0] =	vst.idx.msk $0xffff, v4  }
0x39b: {  	v7 =	vor.u32 v58, v1;
	v4 =	vld.idx.msk [tilespmem:v8+s13+$0x0], $0xffff  }
0x39c: {  	v63 =	vld [tilespmem:$0x1FD70];
	v8 =	vor.u32 v59, v0;
	[tilespmem:v5+s17+$0x0] =	vst.idx.msk $0xffff, v3  }
0x39d: {  	v5 =	vor.u32 v60, v1;
	v3 =	vld.idx.msk [tilespmem:v6+s13+$0x0], $0xffff  }
0x39e: {  	v9 =	vld [tilespmem:$0x1FD80];
	v6 =	vor.u32 v61, v2  }
0x39f: {  	v13 =	vld [tilespmem:$0x1FD90]  }
0x3a0: {  	[tilespmem:v7+s17+$0x0] =	vst.idx.msk $0xffff, v4  }
0x3a1: {  	v7 =	vor.u32 v62, v1;
	v4 =	vld.idx.msk [tilespmem:v8+s13+$0x0], $0xffff  }
0x3a2: {  	v10 =	vld [tilespmem:$0x1FFA0];
	v8 =	vor.u32 v63, v2;
	[tilespmem:v5+s17+$0x0] =	vst.idx.msk $0xffff, v3  }
0x3a3: {  	v5 =	vor.u32 v9, v1;
	v3 =	vld.idx.msk [tilespmem:v6+s13+$0x0], $0xffff  }
0x3a4: {  	v6 =	vor.u32 v13, v2  }
0x3a5: {  	v14 =	vld [tilespmem:$0x1FDA0]  }
0x3a6: {  	v15 =	vld [tilespmem:$0x1FDB0];
	[tilespmem:v7+s17+$0x0] =	vst.idx.msk $0xffff, v4  }
0x3a7: {  	v7 =	vor.u32 v10, v1;
	v4 =	vld.idx.msk [tilespmem:v8+s13+$0x0], $0xffff  }
0x3a8: {  	v17 =	vld [tilespmem:$0x1FDC0];
	[tilespmem:v5+s17+$0x0] =	vst.idx.msk $0xffff, v3  }
0x3a9: {  	v3 =	vld.idx.msk [tilespmem:v6+s13+$0x0], $0xffff  }
0x3aa: {  	v2 =	vor.u32 v14, v2;
	v6 =	vld [tilespmem:$0x1FFD0];
	_ =	sdelay $0x1  }
0x3ab: {  	[tilespmem:v7+s17+$0x0] =	vst.idx.msk $0xffff, v4;
	v4 =	vor.u32 v15, v1  }
0x3ac: {  	v5 =	vor.u32 v17, v0;
	v7 =	vld [tilespmem:$0x1FDD0];
	_ =	sdelay $0x1  }
0x3ad: {  	v2 =	vld.idx.msk [tilespmem:v2+s13+$0x0], $0xffff;
	v6 =	vor.u32 v6, v1;
	_ =	sdelay $0x1  }
0x3ae: {  	[tilespmem:v4+s17+$0x0] =	vst.idx.msk $0xffff, v3;
	v4 =	vld [tilespmem:$0x1FFB0]  }
0x3af: {  	v7 =	vor.u32 v7, v0;
	v3 =	vld.idx.msk [tilespmem:v5+s13+$0x0], $0xffff  }
0x3b0: {  	v5 =	vld [tilespmem:$0x1FFC0]  }
0x3b1: {  	[tilespmem:v6+s17+$0x0] =	vst.idx.msk $0xffff, v2;
	v6 =	vld [tilespmem:$0x1FFE0];
	_ =	sdelay $0x2  }
0x3b2: {  	v2 =	vld.idx.msk [tilespmem:v7+s13+$0x0], $0xffff;
	v4 =	vor.u32 v4, v1  }
0x3b3: {  	v7 =	vld [tilespmem:$0x1FFF0];
	v5 =	vor.u32 v5, v0  }
0x3b4: {  	v6 =	vor.u32 v6, v1;
	_ =	sdelay $0x2  }
0x3b5: {  	v16 =	vld [tilespmem:$0x1FDE0];
	[tilespmem:v4+s17+$0x0] =	vst.idx.msk $0xffff, v3  }
0x3b6: {  	v0 =	vor.u32 v7, v0;
	v3 =	vld.idx.msk [tilespmem:v5+s13+$0x0], $0xffff  }
0x3b7: {  	[tilespmem:v6+s17+$0x0] =	vst.idx.msk $0xffff, v2;
	v6 =	vld [tilespmem:$0x1FDF0];
	_ =	sdelay $0x1  }
0x3b8: {  	s26 =	sadd.s32 $0x1, s24;
	v8 =	vlaneseq.u32  }
0x3b9: {  	v2 =	vadd.s32 s26, v8  }
0x3ba: {  	v5 =	vor.u32 v16, v1;
	v4 =	vld.idx.msk [tilespmem:v0+s13+$0x0], $0xffff;
	v0 =	vand.u32 $0xF, v2  }
0x3bb: {  	v2 =	vor.u32 v18, v0;
	v1 =	vor.u32 v6, v1  }
0x3bc: {  	v6 =	vor.u32 v20, v0;
	_ =	sdelay $0x2  }
0x3bd: {  	[tilespmem:v5+s17+$0x0] =	vst.idx.msk $0xffff, v3  }
0x3be: {  	v2 =	vld.idx.msk [tilespmem:v2+s13+$0x0], $0xffff;
	[tilespmem:v1+s17+$0x0] =	vst.idx.msk $0xffff, v4  }
0x3bf: {  	v3 =	vld.idx.msk [tilespmem:v6+s13+$0x0], $0xffff  }
0x3c0: {  	v6 =	vld [tilespmem:$0x1FC10];
	_ =	sdelay $0x1  }
0x3c1: {  	v1 =	vshll.u32 v0, $0x7  }
0x3c2: {  	v4 =	vor.u32 v8, v1  }
0x3c3: {  	v5 =	vor.u32 v11, v0  }
0x3c4: {  	v6 =	vor.u32 v6, v1  }
0x3c5: {  	v7 =	vor.u32 v19, v0;
	_ =	sdelay $0x1  }
0x3c6: {  	[tilespmem:v4+s17+$0x0] =	vst.idx.msk $0xffff, v2  }
0x3c7: {  	v4 =	vor.u32 v21, v1;
	v2 =	vld.idx.msk [tilespmem:v5+s13+$0x0], $0xffff  }
0x3c8: {  	v5 =	vor.u32 v22, v0;
	[tilespmem:v6+s17+$0x0] =	vst.idx.msk $0xffff, v3  }
0x3c9: {  	v6 =	vor.u32 v23, v1;
	v3 =	vld.idx.msk [tilespmem:v7+s13+$0x0], $0xffff  }
0x3ca: {  	v7 =	vor.u32 v24, v0;
	_ =	sdelay $0x1  }
0x3cb: {  	[tilespmem:v4+s17+$0x0] =	vst.idx.msk $0xffff, v2  }
0x3cc: {  	v4 =	vor.u32 v25, v1;
	v2 =	vld.idx.msk [tilespmem:v5+s13+$0x0], $0xffff  }
0x3cd: {  	v5 =	vor.u32 v26, v0;
	[tilespmem:v6+s17+$0x0] =	vst.idx.msk $0xffff, v3  }
0x3ce: {  	v6 =	vor.u32 v27, v1;
	v3 =	vld.idx.msk [tilespmem:v7+s13+$0x0], $0xffff  }
0x3cf: {  	v7 =	vor.u32 v28, v0;
	_ =	sdelay $0x1  }
0x3d0: {  	[tilespmem:v4+s17+$0x0] =	vst.idx.msk $0xffff, v2  }
0x3d1: {  	v4 =	vor.u32 v29, v1;
	v2 =	vld.idx.msk [tilespmem:v5+s13+$0x0], $0xffff  }
0x3d2: {  	v5 =	vor.u32 v30, v0;
	[tilespmem:v6+s17+$0x0] =	vst.idx.msk $0xffff, v3  }
0x3d3: {  	v6 =	vor.u32 v31, v1;
	v3 =	vld.idx.msk [tilespmem:v7+s13+$0x0], $0xffff  }
0x3d4: {  	v7 =	vor.u32 v32, v0;
	_ =	sdelay $0x1  }
0x3d5: {  	[tilespmem:v4+s17+$0x0] =	vst.idx.msk $0xffff, v2  }
0x3d6: {  	v4 =	vor.u32 v33, v1;
	v2 =	vld.idx.msk [tilespmem:v5+s13+$0x0], $0xffff  }
0x3d7: {  	v5 =	vor.u32 v34, v0;
	[tilespmem:v6+s17+$0x0] =	vst.idx.msk $0xffff, v3  }
0x3d8: {  	v6 =	vor.u32 v35, v1;
	v3 =	vld.idx.msk [tilespmem:v7+s13+$0x0], $0xffff  }
0x3d9: {  	v7 =	vor.u32 v36, v0;
	_ =	sdelay $0x1  }
0x3da: {  	[tilespmem:v4+s17+$0x0] =	vst.idx.msk $0xffff, v2  }
0x3db: {  	v4 =	vor.u32 v12, v1;
	v2 =	vld.idx.msk [tilespmem:v5+s13+$0x0], $0xffff  }
0x3dc: {  	v5 =	vor.u32 v37, v0;
	[tilespmem:v6+s17+$0x0] =	vst.idx.msk $0xffff, v3  }
0x3dd: {  	v6 =	vor.u32 v38, v1;
	v3 =	vld.idx.msk [tilespmem:v7+s13+$0x0], $0xffff  }
0x3de: {  	v7 =	vor.u32 v39, v0;
	_ =	sdelay $0x1  }
0x3df: {  	[tilespmem:v4+s17+$0x0] =	vst.idx.msk $0xffff, v2  }
0x3e0: {  	v4 =	vor.u32 v40, v1;
	v2 =	vld.idx.msk [tilespmem:v5+s13+$0x0], $0xffff  }
0x3e1: {  	v5 =	vor.u32 v41, v0;
	[tilespmem:v6+s17+$0x0] =	vst.idx.msk $0xffff, v3  }
0x3e2: {  	v6 =	vor.u32 v42, v1;
	v3 =	vld.idx.msk [tilespmem:v7+s13+$0x0], $0xffff  }
0x3e3: {  	v7 =	vor.u32 v43, v0;
	_ =	sdelay $0x1  }
0x3e4: {  	[tilespmem:v4+s17+$0x0] =	vst.idx.msk $0xffff, v2  }
0x3e5: {  	v4 =	vor.u32 v44, v1;
	v2 =	vld.idx.msk [tilespmem:v5+s13+$0x0], $0xffff  }
0x3e6: {  	v5 =	vor.u32 v45, v0;
	[tilespmem:v6+s17+$0x0] =	vst.idx.msk $0xffff, v3  }
0x3e7: {  	v6 =	vor.u32 v46, v1;
	v3 =	vld.idx.msk [tilespmem:v7+s13+$0x0], $0xffff  }
0x3e8: {  	v7 =	vor.u32 v47, v0;
	_ =	sdelay $0x1  }
0x3e9: {  	[tilespmem:v4+s17+$0x0] =	vst.idx.msk $0xffff, v2  }
0x3ea: {  	v4 =	vor.u32 v48, v1;
	v2 =	vld.idx.msk [tilespmem:v5+s13+$0x0], $0xffff  }
0x3eb: {  	v5 =	vor.u32 v49, v0;
	[tilespmem:v6+s17+$0x0] =	vst.idx.msk $0xffff, v3  }
0x3ec: {  	v6 =	vor.u32 v50, v1;
	v3 =	vld.idx.msk [tilespmem:v7+s13+$0x0], $0xffff  }
0x3ed: {  	v7 =	vor.u32 v51, v0;
	_ =	sdelay $0x1  }
0x3ee: {  	[tilespmem:v4+s17+$0x0] =	vst.idx.msk $0xffff, v2  }
0x3ef: {  	v4 =	vor.u32 v52, v1;
	v2 =	vld.idx.msk [tilespmem:v5+s13+$0x0], $0xffff  }
0x3f0: {  	v5 =	vor.u32 v53, v0;
	[tilespmem:v6+s17+$0x0] =	vst.idx.msk $0xffff, v3  }
0x3f1: {  	v6 =	vor.u32 v54, v1;
	v3 =	vld.idx.msk [tilespmem:v7+s13+$0x0], $0xffff  }
0x3f2: {  	v7 =	vor.u32 v55, v0;
	_ =	sdelay $0x1  }
0x3f3: {  	[tilespmem:v4+s17+$0x0] =	vst.idx.msk $0xffff, v2  }
0x3f4: {  	v4 =	vor.u32 v56, v1;
	v2 =	vld.idx.msk [tilespmem:v5+s13+$0x0], $0xffff  }
0x3f5: {  	v5 =	vor.u32 v57, v0;
	[tilespmem:v6+s17+$0x0] =	vst.idx.msk $0xffff, v3  }
0x3f6: {  	v6 =	vor.u32 v58, v1;
	v3 =	vld.idx.msk [tilespmem:v7+s13+$0x0], $0xffff  }
0x3f7: {  	v7 =	vor.u32 v59, v0;
	_ =	sdelay $0x1  }
0x3f8: {  	[tilespmem:v4+s17+$0x0] =	vst.idx.msk $0xffff, v2  }
0x3f9: {  	v4 =	vor.u32 v60, v1;
	v2 =	vld.idx.msk [tilespmem:v5+s13+$0x0], $0xffff  }
0x3fa: {  	v5 =	vor.u32 v61, v0;
	[tilespmem:v6+s17+$0x0] =	vst.idx.msk $0xffff, v3  }
0x3fb: {  	v6 =	vor.u32 v62, v1;
	v3 =	vld.idx.msk [tilespmem:v7+s13+$0x0], $0xffff  }
0x3fc: {  	v7 =	vor.u32 v63, v0;
	_ =	sdelay $0x1  }
0x3fd: {  	[tilespmem:v4+s17+$0x0] =	vst.idx.msk $0xffff, v2  }
0x3fe: {  	v4 =	vor.u32 v9, v1;
	v2 =	vld.idx.msk [tilespmem:v5+s13+$0x0], $0xffff  }
0x3ff: {  	v5 =	vor.u32 v13, v0;
	[tilespmem:v6+s17+$0x0] =	vst.idx.msk $0xffff, v3  }
0x400: {  	v6 =	vor.u32 v10, v1;
	v3 =	vld.idx.msk [tilespmem:v7+s13+$0x0], $0xffff  }
0x401: {  	v7 =	vor.u32 v14, v0;
	_ =	sdelay $0x1  }
0x402: {  	[tilespmem:v4+s17+$0x0] =	vst.idx.msk $0xffff, v2  }
0x403: {  	v2 =	vld.idx.msk [tilespmem:v5+s13+$0x0], $0xffff  }
0x404: {  	[tilespmem:v6+s17+$0x0] =	vst.idx.msk $0xffff, v3;
	v6 =	vld [tilespmem:$0x1FFD0]  }
0x405: {  	v3 =	vld.idx.msk [tilespmem:v7+s13+$0x0], $0xffff  }
0x406: {  	v4 =	vor.u32 v15, v1;
	v7 =	vld [tilespmem:$0x1FDD0]  }
0x407: {  	v5 =	vor.u32 v17, v0;
	_ =	sdelay $0x1  }
0x408: {  	v6 =	vor.u32 v6, v1;
	_ =	sdelay $0x1  }
0x409: {  	[tilespmem:v4+s17+$0x0] =	vst.idx.msk $0xffff, v2;
	v7 =	vor.u32 v7, v0  }
0x40a: {  	v2 =	vld.idx.msk [tilespmem:v5+s13+$0x0], $0xffff  }
0x40b: {  	v5 =	vld [tilespmem:$0x1FFC0]  }
0x40c: {  	[tilespmem:v6+s17+$0x0] =	vst.idx.msk $0xffff, v3;
	v3 =	vld [tilespmem:$0x1FFB0]  }
0x40d: {  	v6 =	vld [tilespmem:$0x1FFE0]  }
0x40e: {  	v4 =	vld.idx.msk [tilespmem:v7+s13+$0x0], $0xffff  }
0x40f: {  	v7 =	vld [tilespmem:$0x1FFF0];
	_ =	sdelay $0x2  }
0x410: {  	v3 =	vor.u32 v3, v1  }
0x411: {  	v5 =	vor.u32 v5, v0;
	v6 =	vor.u32 v6, v1  }
0x412: {  	p0 =	sne.s32 s25, $0xE;
	v7 =	vor.u32 v7, v0  }
.Ltmp7:
0x413: {  	_ = 	snop;
	(pc) =	sbr.rel @p0 .LBB2_8-.Ltmp7, $4  }
0x414: {  	_ = 	snop  }
0x415: {  	[tilespmem:v3+s17+$0x0] =	vst.idx.msk $0xffff, v2  }
0x416: {  	s24 =	smov.u32 s25;
	v3 =	vld.idx.msk [tilespmem:v5+s13+$0x0], $0xffff;
	[tilespmem:v6+s17+$0x0] =	vst.idx.msk $0xffff, v4  }
0x417: {  	s25 =	sadd.s32 $0x2, s25;
	v0 =	vadd.s32 s24, v8;
	v5 =	vor.u32 v16, v1;
	v4 =	vld.idx.msk [tilespmem:v7+s13+$0x0], $0xffff  }
0x418: {  	v23 =	vld [tilespmem:$0x1FDF0]  }
0x419: {  	v13 =	vld [tilespmem:$0x1FE00];
	_ =	sdelay $0x3  }
0x41a: {  	v2 =	vand.u32 $0xF, v0;
	v37 =	vld [tilespmem:$0x1FE20];
	v1 =	vor.u32 v23, v1  }
0x41b: {  	v6 =	vor.u32 v13, v2  }
0x41c: {  	v20 =	vld [tilespmem:$0x1FF20];
	_ =	sdelay $0x1  }
0x41d: {  	v25 =	vld [tilespmem:$0x1FC10];
	[tilespmem:v5+s17+$0x0] =	vst.idx.msk $0xffff, v3  }
0x41e: {  	v44 =	vld [tilespmem:$0x1FE10];
	v7 =	vor.u32 v37, v2;
	[tilespmem:v1+s17+$0x0] =	vst.idx.msk $0xffff, v4;
	v1 =	vshll.u32 v2, $0x7  }
0x41f: {  	v3 =	vld.idx.msk [tilespmem:v6+s13+$0x0], $0xffff;
	v4 =	vor.u32 v8, v1  }
0x420: {  	v5 =	vor.u32 v20, v2  }
0x421: {  	v15 =	vld [tilespmem:$0x1FE30];
	_ =	sdelay $0x1  }
0x422: {  	v6 =	vld.idx.msk [tilespmem:v7+s13+$0x0], $0xffff;
	v7 =	vor.u32 v25, v1  }
0x423: {  	v8 =	vor.u32 v44, v2;
	[tilespmem:v4+s17+$0x0] =	vst.idx.msk $0xffff, v3  }
0x424: {  	v3 =	vld.idx.msk [tilespmem:v5+s13+$0x0], $0xffff  }
0x425: {  	v4 =	vor.u32 v15, v1;
	v5 =	vld [tilespmem:$0x1FE40];
	_ =	sdelay $0x1  }
0x426: {  	v36 =	vld [tilespmem:$0x1FE50];
	[tilespmem:v7+s17+$0x0] =	vst.idx.msk $0xffff, v6  }
0x427: {  	v6 =	vld.idx.msk [tilespmem:v8+s13+$0x0], $0xffff  }
0x428: {  	v8 =	vld [tilespmem:$0x1FE60]  }
0x429: {  	v5 =	vor.u32 v5, v0;
	[tilespmem:v4+s17+$0x0] =	vst.idx.msk $0xffff, v3;
	v4 =	vld [tilespmem:$0x1FE70]  }
0x42a: {  	v34 =	vld [tilespmem:$0x1FE80];
	_ =	sdelay $0x1  }
0x42b: {  	v7 =	vor.u32 v36, v1  }
0x42c: {  	v8 =	vor.u32 v8, v0  }
0x42d: {  	v3 =	vld.idx.msk [tilespmem:v5+s13+$0x0], $0xffff;
	v4 =	vor.u32 v4, v1  }
0x42e: {  	v5 =	vor.u32 v34, v0  }
0x42f: {  	v42 =	vld [tilespmem:$0x1FE90]  }
0x430: {  	v9 =	vld [tilespmem:$0x1FEA0];
	[tilespmem:v7+s17+$0x0] =	vst.idx.msk $0xffff, v6  }
0x431: {  	v6 =	vld.idx.msk [tilespmem:v8+s13+$0x0], $0xffff  }
0x432: {  	[tilespmem:v4+s17+$0x0] =	vst.idx.msk $0xffff, v3;
	v4 =	vld [tilespmem:$0x1FEB0]  }
0x433: {  	v3 =	vld.idx.msk [tilespmem:v5+s13+$0x0], $0xffff  }
0x434: {  	v5 =	vld [tilespmem:$0x1FEC0];
	_ =	sdelay $0x1  }
0x435: {  	v7 =	vor.u32 v42, v1  }
0x436: {  	v8 =	vor.u32 v9, v0  }
0x437: {  	v4 =	vor.u32 v4, v1  }
0x438: {  	v5 =	vor.u32 v5, v2  }
0x439: {  	v19 =	vld [tilespmem:$0x1FEF0]  }
0x43a: {  	[tilespmem:v7+s17+$0x0] =	vst.idx.msk $0xffff, v6;
	v7 =	vld [tilespmem:$0x1FED0]  }
0x43b: {  	v6 =	vld.idx.msk [tilespmem:v8+s13+$0x0], $0xffff  }
0x43c: {  	v8 =	vld [tilespmem:$0x1FEE0];
	[tilespmem:v4+s17+$0x0] =	vst.idx.msk $0xffff, v3  }
0x43d: {  	v3 =	vld.idx.msk [tilespmem:v5+s13+$0x0], $0xffff  }
0x43e: {  	v5 =	vld [tilespmem:$0x1FC20];
	_ =	sdelay $0x1  }
0x43f: {  	v7 =	vor.u32 v7, v1  }
0x440: {  	v41 =	vld [tilespmem:$0x1FF00];
	v8 =	vor.u32 v8, v2  }
0x441: {  	v50 =	vld [tilespmem:$0x1FF10];
	v4 =	vor.u32 v19, v1  }
0x442: {  	v38 =	vld [tilespmem:$0x1FF30];
	v5 =	vor.u32 v5, v2  }
0x443: {  	v43 =	vld [tilespmem:$0x1FF40]  }
0x444: {  	v33 =	vld [tilespmem:$0x1FC30];
	[tilespmem:v7+s17+$0x0] =	vst.idx.msk $0xffff, v6  }
0x445: {  	v7 =	vor.u32 v41, v1;
	v6 =	vld.idx.msk [tilespmem:v8+s13+$0x0], $0xffff  }
0x446: {  	v45 =	vld [tilespmem:$0x1FF50];
	v8 =	vor.u32 v50, v2;
	[tilespmem:v4+s17+$0x0] =	vst.idx.msk $0xffff, v3  }
0x447: {  	v4 =	vor.u32 v38, v1;
	v3 =	vld.idx.msk [tilespmem:v5+s13+$0x0], $0xffff  }
0x448: {  	v32 =	vld [tilespmem:$0x1FC40];
	v5 =	vor.u32 v43, v0  }
0x449: {  	v47 =	vld [tilespmem:$0x1FF60]  }
0x44a: {  	v40 =	vld [tilespmem:$0x1FF70];
	[tilespmem:v7+s17+$0x0] =	vst.idx.msk $0xffff, v6  }
0x44b: {  	v7 =	vor.u32 v33, v1;
	v6 =	vld.idx.msk [tilespmem:v8+s13+$0x0], $0xffff  }
0x44c: {  	v29 =	vld [tilespmem:$0x1FC50];
	v8 =	vor.u32 v45, v0;
	[tilespmem:v4+s17+$0x0] =	vst.idx.msk $0xffff, v3  }
0x44d: {  	v4 =	vor.u32 v32, v1;
	v3 =	vld.idx.msk [tilespmem:v5+s13+$0x0], $0xffff  }
0x44e: {  	v39 =	vld [tilespmem:$0x1FF80];
	v5 =	vor.u32 v47, v0  }
0x44f: {  	v28 =	vld [tilespmem:$0x1FC60]  }
0x450: {  	v31 =	vld [tilespmem:$0x1FC70];
	[tilespmem:v7+s17+$0x0] =	vst.idx.msk $0xffff, v6  }
0x451: {  	v7 =	vor.u32 v40, v1;
	v6 =	vld.idx.msk [tilespmem:v8+s13+$0x0], $0xffff  }
0x452: {  	v46 =	vld [tilespmem:$0x1FC80];
	v8 =	vor.u32 v29, v0;
	[tilespmem:v4+s17+$0x0] =	vst.idx.msk $0xffff, v3  }
0x453: {  	v4 =	vor.u32 v39, v1;
	v3 =	vld.idx.msk [tilespmem:v5+s13+$0x0], $0xffff  }
0x454: {  	v27 =	vld [tilespmem:$0x1FC90];
	v5 =	vor.u32 v28, v2  }
0x455: {  	v48 =	vld [tilespmem:$0x1FCA0]  }
0x456: {  	v35 =	vld [tilespmem:$0x1FCB0];
	[tilespmem:v7+s17+$0x0] =	vst.idx.msk $0xffff, v6  }
0x457: {  	v7 =	vor.u32 v31, v1;
	v6 =	vld.idx.msk [tilespmem:v8+s13+$0x0], $0xffff  }
0x458: {  	v49 =	vld [tilespmem:$0x1FCC0];
	v8 =	vor.u32 v46, v2;
	[tilespmem:v4+s17+$0x0] =	vst.idx.msk $0xffff, v3  }
0x459: {  	v4 =	vor.u32 v27, v1;
	v3 =	vld.idx.msk [tilespmem:v5+s13+$0x0], $0xffff  }
0x45a: {  	v51 =	vld [tilespmem:$0x1FF90];
	v5 =	vor.u32 v48, v2  }
0x45b: {  	v52 =	vld [tilespmem:$0x1FCD0]  }
0x45c: {  	v53 =	vld [tilespmem:$0x1FCE0];
	[tilespmem:v7+s17+$0x0] =	vst.idx.msk $0xffff, v6  }
0x45d: {  	v7 =	vor.u32 v35, v1;
	v6 =	vld.idx.msk [tilespmem:v8+s13+$0x0], $0xffff  }
0x45e: {  	v54 =	vld [tilespmem:$0x1FCF0];
	v8 =	vor.u32 v49, v2;
	[tilespmem:v4+s17+$0x0] =	vst.idx.msk $0xffff, v3  }
0x45f: {  	v4 =	vor.u32 v51, v1;
	v3 =	vld.idx.msk [tilespmem:v5+s13+$0x0], $0xffff  }
0x460: {  	v55 =	vld [tilespmem:$0x1FD00];
	v5 =	vor.u32 v52, v0  }
0x461: {  	v56 =	vld [tilespmem:$0x1FD10]  }
0x462: {  	v57 =	vld [tilespmem:$0x1FD20];
	[tilespmem:v7+s17+$0x0] =	vst.idx.msk $0xffff, v6  }
0x463: {  	v7 =	vor.u32 v53, v1;
	v6 =	vld.idx.msk [tilespmem:v8+s13+$0x0], $0xffff  }
0x464: {  	v58 =	vld [tilespmem:$0x1FD30];
	v8 =	vor.u32 v54, v0;
	[tilespmem:v4+s17+$0x0] =	vst.idx.msk $0xffff, v3  }
0x465: {  	v4 =	vor.u32 v55, v1;
	v3 =	vld.idx.msk [tilespmem:v5+s13+$0x0], $0xffff  }
0x466: {  	v59 =	vld [tilespmem:$0x1FD40];
	v5 =	vor.u32 v56, v0  }
0x467: {  	v60 =	vld [tilespmem:$0x1FD50]  }
0x468: {  	v61 =	vld [tilespmem:$0x1FD60];
	[tilespmem:v7+s17+$0x0] =	vst.idx.msk $0xffff, v6  }
0x469: {  	v7 =	vor.u32 v57, v1;
	v6 =	vld.idx.msk [tilespmem:v8+s13+$0x0], $0xffff  }
0x46a: {  	v62 =	vld [tilespmem:$0x1FD70];
	v8 =	vor.u32 v58, v0;
	[tilespmem:v4+s17+$0x0] =	vst.idx.msk $0xffff, v3  }
0x46b: {  	v4 =	vor.u32 v59, v1;
	v3 =	vld.idx.msk [tilespmem:v5+s13+$0x0], $0xffff  }
0x46c: {  	v26 =	vld [tilespmem:$0x1FD80];
	v5 =	vor.u32 v60, v2  }
0x46d: {  	v24 =	vld [tilespmem:$0x1FD90]  }
0x46e: {  	v63 =	vld [tilespmem:$0x1FFA0];
	[tilespmem:v7+s17+$0x0] =	vst.idx.msk $0xffff, v6  }
0x46f: {  	v7 =	vor.u32 v61, v1;
	v6 =	vld.idx.msk [tilespmem:v8+s13+$0x0], $0xffff  }
0x470: {  	v22 =	vld [tilespmem:$0x1FDA0];
	v8 =	vor.u32 v62, v2;
	[tilespmem:v4+s17+$0x0] =	vst.idx.msk $0xffff, v3  }
0x471: {  	v4 =	vor.u32 v26, v1;
	v3 =	vld.idx.msk [tilespmem:v5+s13+$0x0], $0xffff  }
0x472: {  	v21 =	vld [tilespmem:$0x1FDB0];
	v5 =	vor.u32 v24, v2  }
0x473: {  	v16 =	vld [tilespmem:$0x1FDC0]  }
0x474: {  	v18 =	vld [tilespmem:$0x1FFD0];
	[tilespmem:v7+s17+$0x0] =	vst.idx.msk $0xffff, v6  }
0x475: {  	v7 =	vor.u32 v63, v1;
	v6 =	vld.idx.msk [tilespmem:v8+s13+$0x0], $0xffff  }
0x476: {  	v14 =	vld [tilespmem:$0x1FDD0];
	v2 =	vor.u32 v22, v2;
	[tilespmem:v4+s17+$0x0] =	vst.idx.msk $0xffff, v3  }
0x477: {  	v4 =	vor.u32 v21, v1;
	v3 =	vld.idx.msk [tilespmem:v5+s13+$0x0], $0xffff  }
0x478: {  	v17 =	vld [tilespmem:$0x1FFB0];
	v5 =	vor.u32 v16, v0;
	_ =	sdelay $0x1  }
0x479: {  	[tilespmem:v7+s17+$0x0] =	vst.idx.msk $0xffff, v6  }
0x47a: {  	v6 =	vor.u32 v18, v1;
	v2 =	vld.idx.msk [tilespmem:v2+s13+$0x0], $0xffff  }
0x47b: {  	v11 =	vld [tilespmem:$0x1FFC0];
	v7 =	vor.u32 v14, v0;
	[tilespmem:v4+s17+$0x0] =	vst.idx.msk $0xffff, v3  }
0x47c: {  	v4 =	vor.u32 v17, v1;
	v3 =	vld.idx.msk [tilespmem:v5+s13+$0x0], $0xffff  }
0x47d: {  	v10 =	vld [tilespmem:$0x1FFE0];
	_ =	sdelay $0x1  }
0x47e: {  	v12 =	vld [tilespmem:$0x1FFF0];
	[tilespmem:v6+s17+$0x0] =	vst.idx.msk $0xffff, v2  }
0x47f: {  	v5 =	vld.idx.msk [tilespmem:v7+s13+$0x0], $0xffff  }
0x480: {  	v2 =	vor.u32 v11, v0;
	[tilespmem:v4+s17+$0x0] =	vst.idx.msk $0xffff, v3;
	v4 =	vld [tilespmem:$0x1FDE0]  }
0x481: {  	v6 =	vor.u32 v10, v1;
	_ =	sdelay $0x1  }
0x482: {  	s24 =	sadd.s32 $0x1, s24;
	v8 =	vlaneseq.u32  }
0x483: {  	v0 =	vor.u32 v12, v0;
	v3 =	vadd.s32 s24, v8  }
0x484: {  	v2 =	vld.idx.msk [tilespmem:v2+s13+$0x0], $0xffff;
	v3 =	vand.u32 $0xF, v3;
	v4 =	vor.u32 v4, v1  }
0x485: {  	[tilespmem:v6+s17+$0x0] =	vst.idx.msk $0xffff, v5;
	v5 =	vor.u32 v13, v3;
	_ =	sdelay $0x2  }
0x486: {  	v0 =	vld.idx.msk [tilespmem:v0+s13+$0x0], $0xffff;
	v1 =	vor.u32 v23, v1  }
0x487: {  	v6 =	vor.u32 v37, v3;
	[tilespmem:v4+s17+$0x0] =	vst.idx.msk $0xffff, v2;
	v2 =	vshll.u32 v3, $0x7  }
0x488: {  	v4 =	vld.idx.msk [tilespmem:v5+s13+$0x0], $0xffff;
	v5 =	vor.u32 v8, v2;
	_ =	sdelay $0x2  }
0x489: {  	[tilespmem:v1+s17+$0x0] =	vst.idx.msk $0xffff, v0  }
0x48a: {  	v0 =	vor.u32 v20, v3;
	v1 =	vld.idx.msk [tilespmem:v6+s13+$0x0], $0xffff;
	v6 =	vor.u32 v25, v2  }
0x48b: {  	v7 =	vor.u32 v44, v3;
	[tilespmem:v5+s17+$0x0] =	vst.idx.msk $0xffff, v4;
	v4 =	vor.u32 v15, v2;
	v15 =	vld [tilespmem:$0x1FE40]  }
0x48c: {  	v23 =	vmov v37;
	v37 =	vld [tilespmem:$0x1FE60];
	_ =	sdelay $0x1  }
0x48d: {  	v25 =	vld [tilespmem:$0x1FE70]  }
0x48e: {  	v0 =	vld.idx.msk [tilespmem:v0+s13+$0x0], $0xffff;
	[tilespmem:v6+s17+$0x0] =	vst.idx.msk $0xffff, v1  }
0x48f: {  	v6 =	vor.u32 v36, v2;
	v5 =	vld.idx.msk [tilespmem:v7+s13+$0x0], $0xffff;
	v1 =	vor.u32 v15, v3  }
0x490: {  	v7 =	vor.u32 v37, v3;
	_ =	sdelay $0x2  }
0x491: {  	v20 =	vmov v44;
	v44 =	vld [tilespmem:$0x1FEB0];
	[tilespmem:v4+s17+$0x0] =	vst.idx.msk $0xffff, v0  }
0x492: {  	v0 =	vld.idx.msk [tilespmem:v1+s13+$0x0], $0xffff;
	v1 =	vor.u32 v25, v2;
	[tilespmem:v6+s17+$0x0] =	vst.idx.msk $0xffff, v5  }
0x493: {  	v4 =	vor.u32 v34, v3;
	v5 =	vld.idx.msk [tilespmem:v7+s13+$0x0], $0xffff  }
0x494: {  	v7 =	vor.u32 v9, v3;
	v9 =	vld [tilespmem:$0x1FEC0];
	_ =	sdelay $0x2  }
0x495: {  	v6 =	vor.u32 v42, v2;
	[tilespmem:v1+s17+$0x0] =	vst.idx.msk $0xffff, v0  }
0x496: {  	v1 =	vor.u32 v44, v2;
	v0 =	vld.idx.msk [tilespmem:v4+s13+$0x0], $0xffff  }
0x497: {  	v4 =	vor.u32 v9, v3  }
0x498: {  	v30 =	vld [tilespmem:$0x1FED0]  }
0x499: {  	v13 =	vld [tilespmem:$0x1FEE0]  }
0x49a: {  	[tilespmem:v6+s17+$0x0] =	vst.idx.msk $0xffff, v5  }
0x49b: {  	v5 =	vld.idx.msk [tilespmem:v7+s13+$0x0], $0xffff;
	[tilespmem:v1+s17+$0x0] =	vst.idx.msk $0xffff, v0  }
0x49c: {  	v0 =	vld.idx.msk [tilespmem:v4+s13+$0x0], $0xffff  }
0x49d: {  	v6 =	vor.u32 v30, v2;
	v4 =	vld [tilespmem:$0x1FC20]  }
0x49e: {  	v7 =	vor.u32 v13, v3;
	_ =	sdelay $0x2  }
0x49f: {  	v1 =	vor.u32 v19, v2  }
0x4a0: {  	[tilespmem:v6+s17+$0x0] =	vst.idx.msk $0xffff, v5;
	v4 =	vor.u32 v4, v3  }
0x4a1: {  	v6 =	vor.u32 v41, v2;
	v5 =	vld.idx.msk [tilespmem:v7+s13+$0x0], $0xffff  }
0x4a2: {  	v7 =	vor.u32 v50, v3;
	_ =	sdelay $0x1  }
0x4a3: {  	[tilespmem:v1+s17+$0x0] =	vst.idx.msk $0xffff, v0  }
0x4a4: {  	v1 =	vor.u32 v38, v2;
	v0 =	vld.idx.msk [tilespmem:v4+s13+$0x0], $0xffff  }
0x4a5: {  	[tilespmem:v6+s17+$0x0] =	vst.idx.msk $0xffff, v5;
	v4 =	vor.u32 v43, v3  }
0x4a6: {  	v6 =	vor.u32 v33, v2;
	v5 =	vld.idx.msk [tilespmem:v7+s13+$0x0], $0xffff  }
0x4a7: {  	v7 =	vor.u32 v45, v3;
	_ =	sdelay $0x1  }
0x4a8: {  	[tilespmem:v1+s17+$0x0] =	vst.idx.msk $0xffff, v0  }
0x4a9: {  	v1 =	vor.u32 v32, v2;
	v0 =	vld.idx.msk [tilespmem:v4+s13+$0x0], $0xffff  }
0x4aa: {  	[tilespmem:v6+s17+$0x0] =	vst.idx.msk $0xffff, v5;
	v4 =	vor.u32 v47, v3  }
0x4ab: {  	v6 =	vor.u32 v40, v2;
	v5 =	vld.idx.msk [tilespmem:v7+s13+$0x0], $0xffff  }
0x4ac: {  	v7 =	vor.u32 v29, v3;
	_ =	sdelay $0x1  }
0x4ad: {  	[tilespmem:v1+s17+$0x0] =	vst.idx.msk $0xffff, v0  }
0x4ae: {  	v1 =	vor.u32 v39, v2;
	v0 =	vld.idx.msk [tilespmem:v4+s13+$0x0], $0xffff  }
0x4af: {  	[tilespmem:v6+s17+$0x0] =	vst.idx.msk $0xffff, v5;
	v4 =	vor.u32 v28, v3  }
0x4b0: {  	v6 =	vor.u32 v31, v2;
	v5 =	vld.idx.msk [tilespmem:v7+s13+$0x0], $0xffff  }
0x4b1: {  	v7 =	vor.u32 v46, v3;
	_ =	sdelay $0x1  }
0x4b2: {  	[tilespmem:v1+s17+$0x0] =	vst.idx.msk $0xffff, v0  }
0x4b3: {  	v1 =	vor.u32 v27, v2;
	v0 =	vld.idx.msk [tilespmem:v4+s13+$0x0], $0xffff  }
0x4b4: {  	[tilespmem:v6+s17+$0x0] =	vst.idx.msk $0xffff, v5;
	v4 =	vor.u32 v48, v3  }
0x4b5: {  	v6 =	vor.u32 v35, v2;
	v5 =	vld.idx.msk [tilespmem:v7+s13+$0x0], $0xffff  }
0x4b6: {  	v7 =	vor.u32 v49, v3;
	_ =	sdelay $0x1  }
0x4b7: {  	[tilespmem:v1+s17+$0x0] =	vst.idx.msk $0xffff, v0  }
0x4b8: {  	v1 =	vor.u32 v51, v2;
	v0 =	vld.idx.msk [tilespmem:v4+s13+$0x0], $0xffff  }
0x4b9: {  	[tilespmem:v6+s17+$0x0] =	vst.idx.msk $0xffff, v5;
	v4 =	vor.u32 v52, v3  }
0x4ba: {  	v6 =	vor.u32 v53, v2;
	v5 =	vld.idx.msk [tilespmem:v7+s13+$0x0], $0xffff  }
0x4bb: {  	v7 =	vor.u32 v54, v3;
	_ =	sdelay $0x1  }
0x4bc: {  	[tilespmem:v1+s17+$0x0] =	vst.idx.msk $0xffff, v0  }
0x4bd: {  	v1 =	vor.u32 v55, v2;
	v0 =	vld.idx.msk [tilespmem:v4+s13+$0x0], $0xffff  }
0x4be: {  	[tilespmem:v6+s17+$0x0] =	vst.idx.msk $0xffff, v5;
	v4 =	vor.u32 v56, v3  }
0x4bf: {  	v6 =	vor.u32 v57, v2;
	v5 =	vld.idx.msk [tilespmem:v7+s13+$0x0], $0xffff  }
0x4c0: {  	v7 =	vor.u32 v58, v3;
	_ =	sdelay $0x1  }
0x4c1: {  	[tilespmem:v1+s17+$0x0] =	vst.idx.msk $0xffff, v0  }
0x4c2: {  	v1 =	vor.u32 v59, v2;
	v0 =	vld.idx.msk [tilespmem:v4+s13+$0x0], $0xffff  }
0x4c3: {  	[tilespmem:v6+s17+$0x0] =	vst.idx.msk $0xffff, v5;
	v4 =	vor.u32 v60, v3  }
0x4c4: {  	v6 =	vor.u32 v61, v2;
	v5 =	vld.idx.msk [tilespmem:v7+s13+$0x0], $0xffff  }
0x4c5: {  	v7 =	vor.u32 v62, v3;
	_ =	sdelay $0x1  }
0x4c6: {  	[tilespmem:v1+s17+$0x0] =	vst.idx.msk $0xffff, v0  }
0x4c7: {  	v1 =	vor.u32 v26, v2;
	v0 =	vld.idx.msk [tilespmem:v4+s13+$0x0], $0xffff  }
0x4c8: {  	[tilespmem:v6+s17+$0x0] =	vst.idx.msk $0xffff, v5;
	v4 =	vor.u32 v24, v3  }
0x4c9: {  	v6 =	vor.u32 v63, v2;
	v5 =	vld.idx.msk [tilespmem:v7+s13+$0x0], $0xffff  }
0x4ca: {  	v7 =	vor.u32 v22, v3;
	_ =	sdelay $0x1  }
0x4cb: {  	[tilespmem:v1+s17+$0x0] =	vst.idx.msk $0xffff, v0  }
0x4cc: {  	v1 =	vor.u32 v21, v2;
	v0 =	vld.idx.msk [tilespmem:v4+s13+$0x0], $0xffff  }
0x4cd: {  	[tilespmem:v6+s17+$0x0] =	vst.idx.msk $0xffff, v5;
	v4 =	vor.u32 v16, v3  }
0x4ce: {  	v6 =	vor.u32 v18, v2;
	v5 =	vld.idx.msk [tilespmem:v7+s13+$0x0], $0xffff  }
0x4cf: {  	v7 =	vor.u32 v14, v3;
	_ =	sdelay $0x1  }
0x4d0: {  	[tilespmem:v1+s17+$0x0] =	vst.idx.msk $0xffff, v0  }
0x4d1: {  	v1 =	vor.u32 v17, v2;
	v0 =	vld.idx.msk [tilespmem:v4+s13+$0x0], $0xffff  }
0x4d2: {  	[tilespmem:v6+s17+$0x0] =	vst.idx.msk $0xffff, v5;
	v4 =	vor.u32 v11, v3  }
0x4d3: {  	v6 =	vor.u32 v10, v2;
	v5 =	vld.idx.msk [tilespmem:v7+s13+$0x0], $0xffff;
	_ =	sdelay $0x2  }
0x4d4: {  	v27 =	vld [tilespmem:$0x1FDE0];
	[tilespmem:v1+s17+$0x0] =	vst.idx.msk $0xffff, v0  }
0x4d5: {  	v0 =	vld.idx.msk [tilespmem:v4+s13+$0x0], $0xffff  }
0x4d6: {  	v3 =	vor.u32 v12, v3;
	[tilespmem:v6+s17+$0x0] =	vst.idx.msk $0xffff, v5;
	v5 =	vld [tilespmem:$0x1FDF0];
	_ =	sdelay $0x3  }
0x4d7: {  	v1 =	vor.u32 v27, v2  }
0x4d8: {  	v3 =	vld.idx.msk [tilespmem:v3+s13+$0x0], $0xffff;
	v2 =	vor.u32 v5, v2;
	_ =	sdelay $0x2  }
0x4d9: {  	s22 =	sadd.s32 s9, s22  }
.Ltmp8:
0x4da: {  	s23 =	sshll.u32 s23, $0xB;
	p0 =	sgt.u32 s22, $0x30D;
	v33 =	vmov v39;
	v32 =	vmov v63;
	[tilespmem:v1+s17+$0x0] =	vst.idx.msk $0xffff, v0;
	(pc) =	sbr.rel .LBB2_10-.Ltmp8, $4  }
0x4db: {  	s23 =	sadd.s32 s3, s23;
	s22 =	sshll.u32 @!p0 s22, $0x7;
	s25 =	simm.s32 @!p0 $0x2000;
	v29 =	vmovc v37;
	v37 =	vmovc v44;
	v28 =	vmov v36;
	v31 =	vmov v34;
	v48 =	vmov v42;
	v42 =	vld [tilespmem:$0x1FEA0];
	[tilespmem:v2+s17+$0x0] =	vst.idx.msk $0xffff, v3  }
0x4dc: {  	v34 =	vmovc v30;
	v30 =	vmovc v19;
	v36 =	vmov v50;
	v50 =	vmov v17;
	v46 =	vmov v15;
	v0 =	vld [tilespmem:$0x1FF20];
	[hbm4b:s23+s4] =	stream.linear.scatter [tilespmem:s17], [sflag:$0x4], $0x4000, $0x38  }
0x4dd: {  	s22 =	sadd.s32 @!p0 s0, s22;
	s24 =	simm.s32 @!p0 $0xC3800;
	v35 =	vmovc v41;
	v41 =	vmovc v47;
	v58 =	vmov v18;
	v26 =	vmov v9;
	v9 =	vmov v12;
	v1 =	vld [tilespmem:$0x1FE30];
	s23 =	simm.s32 @!p0 $0x400  }
0x4de: {  	v21 =	vmovc v40;
	v18 =	vmovc v20;
	v14 =	vmov v13;
	v2 =	vld [tilespmem:$0x1FE00];
	v3 =	vmov v23;
	v23 =	vmov v45;
	[tilespmem:s25], [sflag:$0x2] =	stream.strided.gather @!p0 [hbm4b:s22+s23], $0x2000, s24, s23, $0x38  }
.LBB2_12:
0x4df: {  	_ =	sfence.sel $0x180000  }
0x4e0: {  	[bflag:$0x0] =	sbarrier.arrive $0xFFFF  }
0x4e1: {  	p0 =	sne.s32 s1, $0x0;
	_ =	strace $0x90000047  }
0x4e2: {  	s0 =	sadd.s32 @!p0 $0x100000, s2;
	[bflag:$0x2] =	sbarrier.arrive $0xFFFF  }
0x4e3: {  	[sflag:s0] =	ssyncadd.tile.s32 @!p0 $0x1;
	_ =	shalt  }
.Lfunc_end2:
_tile_overlayer_lowered:
.L_overlay_start_2:
0x4e4: {  	(tag) =	ssettag $0x2  }
0x4e5: {  	s0 =	rddreg [dreg:$0x0];
	s2 =	stileid.u32  }
0x4e6: {  	s1 =	rddreg [dreg:$0x1];
	p0 =	sne.s32 s2, $0x0  }
0x4e7: {  	s3 =	rddreg [dreg:$0x2];
	[bflag:$0x3] =	sbarrier.arrive $0xFFFF;
	s2 =	simm.s32 @!p0 $0x1C05  }
0x4e8: {  	[timem:s3], [sflag:s2] =	dma.local @!p0 [hbm:s0], s1  }
0x4e9: {  	s0 =	simm.s32 @!p0 $0x5  }
0x4ea: {  	_ =	swait.ge @!p0 [sflag:s0], s1  }
0x4eb: {  	s1 =	ssub.s32 @!p0 $0x0, s1;
	[sflag:s0] =	ssyncset.done @!p0 $0x0  }
0x4ec: {  	[sflag:s0] =	ssyncadd.s32 @!p0 s1  }
0x4ed: {  	[bflag:$0x3] =	sbarrier.arrive $0xFFFF  }
0x4ee: {  	_ =	shalt  }

</sc_bundles>
